<compile_context>
chip_gen: v7x
topology: tpu7x:2x2x1
jax: 0.10.2.dev20260603
libtpu: 0.0.44.dev20260713+nightly
codegen_flags: <defaults>
</compile_context>

<pallas_src>
import functools

import jax
import jax.numpy as jnp
from jax import lax
from jax.experimental import pallas as pl
from jax.experimental.pallas import tpu as pltpu
from jax.experimental.pallas import tpu_sc as plsc

_NUM_CLASSES = 1000000
_ROWS = _NUM_CLASSES + 1
_OUT_DIM = 64
_BATCH = 16384
_L = 16
_NC = 2
_NS = 16
_NW = _NC * _NS
_B_PER_W = _BATCH // _NW
_NG = _B_PER_W // _L
_NCHUNK = 1
_CROWS = 1000000

_mesh = plsc.VectorSubcoreMesh(core_axis_name="c", subcore_axis_name="s")


def _make_embed(cbase, csize, has_null):
    @functools.partial(
        pl.kernel,
        mesh=_mesh,
        out_type=jax.ShapeDtypeStruct((_BATCH, _OUT_DIM), jnp.float32),
        scratch_types=[
            pltpu.VMEM((_B_PER_W,), jnp.int32),
            pltpu.VMEM((_B_PER_W,), jnp.int32),
            pltpu.VMEM((_B_PER_W,), jnp.int32),
            pltpu.VMEM((_B_PER_W,), jnp.int32),
            pltpu.VMEM((_L,), jnp.int32),
            pltpu.VMEM((1, _OUT_DIM), jnp.float32),
            pltpu.VMEM((_B_PER_W, _OUT_DIM), jnp.float32),
            pltpu.SemaphoreType.DMA,
            pltpu.SemaphoreType.DMA,
        ],
        compiler_params=pltpu.CompilerParams(needs_layout_passes=False),
    )
    def _embed(labels_hbm, train_hbm, drop_hbm, chunk_hbm, null_hbm, out_hbm,
               idx_v, drop_v, val_v, dr_v, train_v, null_v, rows_v,
               sem, sem2):
        wid = lax.axis_index("s") * _NC + lax.axis_index("c")
        base = wid * _B_PER_W
        pltpu.sync_copy(labels_hbm.at[pl.ds(base, _B_PER_W)], idx_v)
        pltpu.sync_copy(drop_hbm.at[pl.ds(base, _B_PER_W)], drop_v)
        pltpu.sync_copy(train_hbm, train_v)
        if has_null:
            pltpu.sync_copy(null_hbm, null_v)
        trn = train_v[...]
        one16 = jnp.full((_L,), 1, jnp.int32)
        zero16 = jnp.full((_L,), 0, jnp.int32)
        zerof16 = jnp.zeros((_L,), jnp.float32)
        cnt = jnp.int32(0)
        for i in range(_NG):
            sl = pl.ds(i * _L, _L)
            dropped = (trn != 0) & (drop_v[sl] != 0)
            local = idx_v[sl] - cbase
            valid = (~dropped) & (local >= 0) & (local < csize)
            idx_v[sl] = jnp.where(valid, local, 0)
            val_v[sl] = jnp.where(valid, one16, zero16)
            dr_v[sl] = jnp.where(dropped, one16, zero16)
            cnt = cnt + plsc.all_reduce_population_count(valid)[0]

        @pl.loop(0, _B_PER_W)
        def _(j):
            for m in range(_OUT_DIM // _L):
                rows_v[j, pl.ds(m * _L, _L)] = zerof16

        @pl.loop(0, _NG)
        def _(g):
            local = idx_v[pl.ds(g * _L, _L)]
            valid = val_v[pl.ds(g * _L, _L)]
            for k in range(_L):
                @pl.when(valid[k] != 0)
                def _():
                    pltpu.async_copy(
                        chunk_hbm.at[pl.ds(local[k], 1), :],
                        rows_v.at[pl.ds(g * _L + k, 1), :], sem)

        if has_null:
            nulls = [null_v[0, pl.ds(m * _L, _L)]
                     for m in range(_OUT_DIM // _L)]

            @pl.loop(0, _NG)
            def _(g):
                dr = dr_v[pl.ds(g * _L, _L)]
                for k in range(_L):
                    @pl.when(dr[k] != 0)
                    def _():
                        for m in range(_OUT_DIM // _L):
                            rows_v[g * _L + k, pl.ds(m * _L, _L)] = nulls[m]

        @pl.loop(0, _B_PER_W)
        def _(j):
            @pl.when(j < cnt)
            def _():
                pltpu.make_async_copy(
                    chunk_hbm.at[pl.ds(0, 1), :],
                    rows_v.at[pl.ds(0, 1), :], sem).wait()

        pltpu.async_copy(rows_v, out_hbm.at[pl.ds(base, _B_PER_W)],
                         sem2).wait()

    return _embed


def kernel(labels, train, force_drop_ids, table):
    labels32 = labels.astype(jnp.int32)
    drop32 = force_drop_ids.astype(jnp.int32)
    train_vec = jnp.full((_L,), jnp.asarray(train, dtype=jnp.int32))
    nullrow = jnp.take(table, jnp.full((1,), _NUM_CLASSES, jnp.int32),
                       axis=0)
    sizes = [_CROWS] * (_NCHUNK - 1) + [_NUM_CLASSES - (_NCHUNK - 1) * _CROWS]
    out = None
    cbase = 0
    for c in range(_NCHUNK):
        csize = sizes[c]
        has_null = c == _NCHUNK - 1
        chunk = lax.slice(table, (cbase, 0), (cbase + csize, _OUT_DIM))
        part = _make_embed(cbase, csize, has_null)(
            labels32, train_vec, drop32, chunk, nullrow)
        out = part if out is None else out + part
        cbase += csize
    return out

# --- scband reference (transcript-rebuilt; emitter-appended) ---
"""Pipeline reference for scband-label-embedder-36206574305860 (READ-ONLY COPY).

The authoritative reference and input builder live on the scoring server;
editing this copy changes nothing except your own understanding.
"""

import jax, jax.numpy as jnp
import numpy as np

NUM_CLASSES = 1000000
OUT_DIM = 64
BATCH = 16384

def setup_inputs(seed: int = 0) -> dict:
    key = jax.random.key(seed)
    k_lab, k_drop, k_tab = jax.random.split(key, 3)
    labels = jax.random.randint(k_lab, (BATCH,), 0, NUM_CLASSES, dtype=jnp.int64 if jax.config.jax_enable_x64 else jnp.int32)
    force_drop_ids = jax.random.randint(k_drop, (BATCH,), 0, 2, dtype=jnp.int64 if jax.config.jax_enable_x64 else jnp.int32)
    train = 1
    # learned embedding table: (num_classes + 1, out_dim); last row is the null class
    table = jax.random.normal(k_tab, (NUM_CLASSES + 1, OUT_DIM), dtype=jnp.float32) * 0.02
    return {"labels": labels, "train": train, "force_drop_ids": force_drop_ids, "table": table}

def reference(labels, train, force_drop_ids, table):
    # CFG-style label dropout: with force_drop_ids provided, drop is deterministic
    drop = (jnp.asarray(train) != 0) & force_drop_ids.astype(bool)
    labels = jnp.where(drop, jnp.asarray(NUM_CLASSES, dtype=labels.dtype), labels)
    # embedding lookup (gather)
    return jnp.take(table, labels, axis=0)

if __name__ == "__main__":
    import jax
    _d = setup_inputs()
    print(jax.jit(kernel)(*tuple(_d.values())))

</pallas_src>

<mosaic_0001>
#map = affine_map<(d0, d1) -> (0)>
#map1 = affine_map<(d0, d1) -> (0, 0)>
module attributes {stable_mosaic.version = 14 : i64} {
  func.func @_embed(%arg0: i32, %arg1: i32, %arg2: memref<16384xi32, #tpu.memory_space<hbm>>, %arg3: memref<16xi32, #tpu.memory_space<hbm>>, %arg4: memref<16384xi32, #tpu.memory_space<hbm>>, %arg5: memref<1000000x64xf32, #tpu.memory_space<hbm>>, %arg6: memref<1x64xf32, #tpu.memory_space<hbm>>, %arg7: memref<16384x64xf32, #tpu.memory_space<hbm>>, %arg8: memref<512xi32, #tpu.memory_space<vmem>>, %arg9: memref<512xi32, #tpu.memory_space<vmem>>, %arg10: memref<512xi32, #tpu.memory_space<vmem>>, %arg11: memref<512xi32, #tpu.memory_space<vmem>>, %arg12: memref<16xi32, #tpu.memory_space<vmem>>, %arg13: memref<1x64xf32, #tpu.memory_space<vmem>>, %arg14: memref<512x64xf32, #tpu.memory_space<vmem>>, %arg15: memref<!tpu.dma_semaphore, #tpu.memory_space<semaphore_mem>>, %arg16: memref<!tpu.dma_semaphore, #tpu.memory_space<semaphore_mem>>) attributes {dimension_semantics = [#tpu.dimension_semantics<core_parallel>, #tpu.dimension_semantics<subcore_parallel>], iteration_bounds = array<i64: 2, 16>, scalar_prefetch = 0 : i64, scratch_operands = 9 : i64, tpu.core_type = #tpu.core_type<sc_vector_subcore>, window_params = [{transform_indices = #map}, {transform_indices = #map}, {transform_indices = #map}, {transform_indices = #map1}, {transform_indices = #map1}, {transform_indices = #map1}]} {
    %mul3A = arith.constant 2 : i32
    %mul3A_0 = arith.muli %arg1, %mul3A : i32
    %add3A = arith.addi %mul3A_0, %arg0 : i32
    %mul3A_1 = arith.constant 512 : i32
    %mul3A_2 = arith.muli %add3A, %mul3A_1 : i32
    "tpu.region"() ({
      %run_scoped3A = tpu.sem_alloc : memref<!tpu.dma_semaphore, #tpu.memory_space<semaphore_mem>>
      %dma_start3A_1287 = tpu.memref_slice %arg2[%mul3A_2] : memref<16384xi32, #tpu.memory_space<hbm>> -> memref<512xi32, #tpu.memory_space<hbm>>
      %dma_start3A_1288 = tpu.memref_slice %arg2[%mul3A_2] : memref<16384xi32, #tpu.memory_space<hbm>> -> memref<512xi32, #tpu.memory_space<hbm>>
      tpu.enqueue_dma source(%dma_start3A_1288 : memref<512xi32, #tpu.memory_space<hbm>>) target(%arg8 : memref<512xi32, #tpu.memory_space<vmem>>) target_semaphore(%run_scoped3A : memref<!tpu.dma_semaphore, #tpu.memory_space<semaphore_mem>>)
      %dma_wait3A_1289 = tpu.memref_slice %arg2[%mul3A_2] : memref<16384xi32, #tpu.memory_space<hbm>> -> memref<512xi32, #tpu.memory_space<hbm>>
      %dma_wait3A_1290 = tpu.memref_slice %arg2[%mul3A_2] : memref<16384xi32, #tpu.memory_space<hbm>> -> memref<512xi32, #tpu.memory_space<hbm>>
      tpu.wait_dma2 semaphore(%run_scoped3A : memref<!tpu.dma_semaphore, #tpu.memory_space<semaphore_mem>>) src(%dma_wait3A_1290 : memref<512xi32, #tpu.memory_space<hbm>>) dst(%arg8 : memref<512xi32, #tpu.memory_space<vmem>>)
      tpu.yield
    }) : () -> ()
    "tpu.region"() ({
      %run_scoped3A = tpu.sem_alloc : memref<!tpu.dma_semaphore, #tpu.memory_space<semaphore_mem>>
      %dma_start3A_1287 = tpu.memref_slice %arg4[%mul3A_2] : memref<16384xi32, #tpu.memory_space<hbm>> -> memref<512xi32, #tpu.memory_space<hbm>>
      %dma_start3A_1288 = tpu.memref_slice %arg4[%mul3A_2] : memref<16384xi32, #tpu.memory_space<hbm>> -> memref<512xi32, #tpu.memory_space<hbm>>
      tpu.enqueue_dma source(%dma_start3A_1288 : memref<512xi32, #tpu.memory_space<hbm>>) target(%arg9 : memref<512xi32, #tpu.memory_space<vmem>>) target_semaphore(%run_scoped3A : memref<!tpu.dma_semaphore, #tpu.memory_space<semaphore_mem>>)
      %dma_wait3A_1289 = tpu.memref_slice %arg4[%mul3A_2] : memref<16384xi32, #tpu.memory_space<hbm>> -> memref<512xi32, #tpu.memory_space<hbm>>
      %dma_wait3A_1290 = tpu.memref_slice %arg4[%mul3A_2] : memref<16384xi32, #tpu.memory_space<hbm>> -> memref<512xi32, #tpu.memory_space<hbm>>
      tpu.wait_dma2 semaphore(%run_scoped3A : memref<!tpu.dma_semaphore, #tpu.memory_space<semaphore_mem>>) src(%dma_wait3A_1290 : memref<512xi32, #tpu.memory_space<hbm>>) dst(%arg9 : memref<512xi32, #tpu.memory_space<vmem>>)
      tpu.yield
    }) : () -> ()
    "tpu.region"() ({
      %run_scoped3A = tpu.sem_alloc : memref<!tpu.dma_semaphore, #tpu.memory_space<semaphore_mem>>
      tpu.enqueue_dma source(%arg3 : memref<16xi32, #tpu.memory_space<hbm>>) target(%arg12 : memref<16xi32, #tpu.memory_space<vmem>>) target_semaphore(%run_scoped3A : memref<!tpu.dma_semaphore, #tpu.memory_space<semaphore_mem>>)
      tpu.wait_dma2 semaphore(%run_scoped3A : memref<!tpu.dma_semaphore, #tpu.memory_space<semaphore_mem>>) src(%arg3 : memref<16xi32, #tpu.memory_space<hbm>>) dst(%arg12 : memref<16xi32, #tpu.memory_space<vmem>>)
      tpu.yield
    }) : () -> ()
    "tpu.region"() ({
      %run_scoped3A = tpu.sem_alloc : memref<!tpu.dma_semaphore, #tpu.memory_space<semaphore_mem>>
      tpu.enqueue_dma source(%arg6 : memref<1x64xf32, #tpu.memory_space<hbm>>) target(%arg13 : memref<1x64xf32, #tpu.memory_space<vmem>>) target_semaphore(%run_scoped3A : memref<!tpu.dma_semaphore, #tpu.memory_space<semaphore_mem>>)
      tpu.wait_dma2 semaphore(%run_scoped3A : memref<!tpu.dma_semaphore, #tpu.memory_space<semaphore_mem>>) src(%arg6 : memref<1x64xf32, #tpu.memory_space<hbm>>) dst(%arg13 : memref<1x64xf32, #tpu.memory_space<vmem>>)
      tpu.yield
    }) : () -> ()
    %get3A = arith.constant 0 : index
    %get3A_3 = tpu.vector_load %arg12[%get3A] {strides = array<i32>} : memref<16xi32, #tpu.memory_space<vmem>>, vector<16xi32>,
    %broadcast_in_dim3A = arith.constant 1 : i32
    %broadcast_in_dim3A_4 = vector.broadcast %broadcast_in_dim3A : i32 to vector<16xi32>
    %broadcast_in_dim3A_5 = arith.constant 0 : i32
    %broadcast_in_dim3A_6 = vector.broadcast %broadcast_in_dim3A_5 : i32 to vector<16xi32>
    %broadcast_in_dim3A_7 = arith.constant 0.000000e+00 : f32
    %broadcast_in_dim3A_8 = vector.broadcast %broadcast_in_dim3A_7 : f32 to vector<16xf32>
    %ne3A = arith.constant 0 : i32
    %ne3A_9 = vector.broadcast %ne3A : i32 to vector<16xi32>
    %ne3A_10 = arith.cmpi ne, %get3A_3, %ne3A_9 : vector<16xi32>
    %get3A_11 = arith.constant 0 : index
    %get3A_12 = tpu.vector_load %arg9[%get3A_11] {strides = array<i32>} : memref<512xi32, #tpu.memory_space<vmem>>, vector<16xi32>,
    %ne3A_13 = arith.constant 0 : i32
    %ne3A_14 = vector.broadcast %ne3A_13 : i32 to vector<16xi32>
    %ne3A_15 = arith.cmpi ne, %get3A_12, %ne3A_14 : vector<16xi32>
    %and3A = arith.andi %ne3A_10, %ne3A_15 : vector<16xi1>
    %get3A_16 = arith.constant 0 : index
    %get3A_17 = tpu.vector_load %arg8[%get3A_16] {strides = array<i32>} : memref<512xi32, #tpu.memory_space<vmem>>, vector<16xi32>,
    %sub3A = arith.constant 0 : i32
    %sub3A_18 = vector.broadcast %sub3A : i32 to vector<16xi32>
    %sub3A_19 = arith.subi %get3A_17, %sub3A_18 : vector<16xi32>
    %not3A = arith.constant dense<true> : vector<16xi1>
    %not3A_20 = arith.xori %and3A, %not3A : vector<16xi1>
    %ge3A = arith.constant 0 : i32
    %ge3A_21 = vector.broadcast %ge3A : i32 to vector<16xi32>
    %ge3A_22 = arith.cmpi sge, %sub3A_19, %ge3A_21 : vector<16xi32>
    %and3A_23 = arith.andi %not3A_20, %ge3A_22 : vector<16xi1>
    %lt3A = arith.constant 1000000 : i32
    %lt3A_24 = vector.broadcast %lt3A : i32 to vector<16xi32>
    %lt3A_25 = arith.cmpi slt, %sub3A_19, %lt3A_24 : vector<16xi32>
    %and3A_26 = arith.andi %and3A_23, %lt3A_25 : vector<16xi1>
    %jit3A = arith.constant 0 : i32
    %broadcast_in_dim3A_27 = vector.broadcast %jit3A : i32 to vector<16xi32>
    %select_n3A = arith.select %and3A_26, %sub3A_19, %broadcast_in_dim3A_27 : vector<16xi1>, vector<16xi32>
    %swap3A = arith.constant 0 : index
    %swap3A_28 = tpu.vector_load %arg8[%swap3A] {strides = array<i32>} : memref<512xi32, #tpu.memory_space<vmem>>, vector<16xi32>,
    tpu.vector_store %arg8[%swap3A], %select_n3A {strides = array<i32>} : memref<512xi32, #tpu.memory_space<vmem>>, vector<16xi32>,
    %select_n3A_29 = arith.select %and3A_26, %broadcast_in_dim3A_4, %broadcast_in_dim3A_6 : vector<16xi1>, vector<16xi32>
    %swap3A_30 = arith.constant 0 : index
    %swap3A_31 = tpu.vector_load %arg10[%swap3A_30] {strides = array<i32>} : memref<512xi32, #tpu.memory_space<vmem>>, vector<16xi32>,
    tpu.vector_store %arg10[%swap3A_30], %select_n3A_29 {strides = array<i32>} : memref<512xi32, #tpu.memory_space<vmem>>, vector<16xi32>,
    %select_n3A_32 = arith.select %and3A, %broadcast_in_dim3A_4, %broadcast_in_dim3A_6 : vector<16xi1>, vector<16xi32>
    %swap3A_33 = arith.constant 0 : index
    %swap3A_34 = tpu.vector_load %arg11[%swap3A_33] {strides = array<i32>} : memref<512xi32, #tpu.memory_space<vmem>>, vector<16xi32>,
    tpu.vector_store %arg11[%swap3A_33], %select_n3A_32 {strides = array<i32>} : memref<512xi32, #tpu.memory_space<vmem>>, vector<16xi32>,
    %all_reduce_population_count3A = tpu.all_reduce %and3A_26 {dim = 0 : i64, kind = #tpu.reduction_kind<sum>} : vector<16xi1> -> vector<16xi32>
    %slice3A = vector.extract_strided_slice %all_reduce_population_count3A {offsets = [0], sizes = [1], strides = [1]} : vector<16xi32> to vector<1xi32>
    %squeeze3A = vector.extract %slice3A[0] : i32 from vector<1xi32>
    %add3A_35 = arith.constant 0 : i32
    %add3A_36 = arith.addi %add3A_35, %squeeze3A : i32
    %ne3A_37 = arith.constant 0 : i32
    %ne3A_38 = vector.broadcast %ne3A_37 : i32 to vector<16xi32>
    %ne3A_39 = arith.cmpi ne, %get3A_3, %ne3A_38 : vector<16xi32>
    %get3A_40 = arith.constant 16 : index
    %get3A_41 = tpu.vector_load %arg9[%get3A_40] {strides = array<i32>} : memref<512xi32, #tpu.memory_space<vmem>>, vector<16xi32>,
    %ne3A_42 = arith.constant 0 : i32
    %ne3A_43 = vector.broadcast %ne3A_42 : i32 to vector<16xi32>
    %ne3A_44 = arith.cmpi ne, %get3A_41, %ne3A_43 : vector<16xi32>
    %and3A_45 = arith.andi %ne3A_39, %ne3A_44 : vector<16xi1>
    %get3A_46 = arith.constant 16 : index
    %get3A_47 = tpu.vector_load %arg8[%get3A_46] {strides = array<i32>} : memref<512xi32, #tpu.memory_space<vmem>>, vector<16xi32>,
    %sub3A_48 = arith.constant 0 : i32
    %sub3A_49 = vector.broadcast %sub3A_48 : i32 to vector<16xi32>
    %sub3A_50 = arith.subi %get3A_47, %sub3A_49 : vector<16xi32>
    %not3A_51 = arith.constant dense<true> : vector<16xi1>
    %not3A_52 = arith.xori %and3A_45, %not3A_51 : vector<16xi1>
    %ge3A_53 = arith.constant 0 : i32
    %ge3A_54 = vector.broadcast %ge3A_53 : i32 to vector<16xi32>
    %ge3A_55 = arith.cmpi sge, %sub3A_50, %ge3A_54 : vector<16xi32>
    %and3A_56 = arith.andi %not3A_52, %ge3A_55 : vector<16xi1>
    %lt3A_57 = arith.constant 1000000 : i32
    %lt3A_58 = vector.broadcast %lt3A_57 : i32 to vector<16xi32>
    %lt3A_59 = arith.cmpi slt, %sub3A_50, %lt3A_58 : vector<16xi32>
    %and3A_60 = arith.andi %and3A_56, %lt3A_59 : vector<16xi1>
    %jit3A_61 = arith.constant 0 : i32
    %broadcast_in_dim3A_62 = vector.broadcast %jit3A_61 : i32 to vector<16xi32>
    %select_n3A_63 = arith.select %and3A_60, %sub3A_50, %broadcast_in_dim3A_62 : vector<16xi1>, vector<16xi32>
    %swap3A_64 = arith.constant 16 : index
    %swap3A_65 = tpu.vector_load %arg8[%swap3A_64] {strides = array<i32>} : memref<512xi32, #tpu.memory_space<vmem>>, vector<16xi32>,
    tpu.vector_store %arg8[%swap3A_64], %select_n3A_63 {strides = array<i32>} : memref<512xi32, #tpu.memory_space<vmem>>, vector<16xi32>,
    %select_n3A_66 = arith.select %and3A_60, %broadcast_in_dim3A_4, %broadcast_in_dim3A_6 : vector<16xi1>, vector<16xi32>
    %swap3A_67 = arith.constant 16 : index
    %swap3A_68 = tpu.vector_load %arg10[%swap3A_67] {strides = array<i32>} : memref<512xi32, #tpu.memory_space<vmem>>, vector<16xi32>,
    tpu.vector_store %arg10[%swap3A_67], %select_n3A_66 {strides = array<i32>} : memref<512xi32, #tpu.memory_space<vmem>>, vector<16xi32>,
    %select_n3A_69 = arith.select %and3A_45, %broadcast_in_dim3A_4, %broadcast_in_dim3A_6 : vector<16xi1>, vector<16xi32>
    %swap3A_70 = arith.constant 16 : index
    %swap3A_71 = tpu.vector_load %arg11[%swap3A_70] {strides = array<i32>} : memref<512xi32, #tpu.memory_space<vmem>>, vector<16xi32>,
    tpu.vector_store %arg11[%swap3A_70], %select_n3A_69 {strides = array<i32>} : memref<512xi32, #tpu.memory_space<vmem>>, vector<16xi32>,
    %all_reduce_population_count3A_72 = tpu.all_reduce %and3A_60 {dim = 0 : i64, kind = #tpu.reduction_kind<sum>} : vector<16xi1> -> vector<16xi32>
    %slice3A_73 = vector.extract_strided_slice %all_reduce_population_count3A_72 {offsets = [0], sizes = [1], strides = [1]} : vector<16xi32> to vector<1xi32>
    %squeeze3A_74 = vector.extract %slice3A_73[0] : i32 from vector<1xi32>
    %add3A_75 = arith.addi %add3A_36, %squeeze3A_74 : i32
    %ne3A_76 = arith.constant 0 : i32
    %ne3A_77 = vector.broadcast %ne3A_76 : i32 to vector<16xi32>
    %ne3A_78 = arith.cmpi ne, %get3A_3, %ne3A_77 : vector<16xi32>
    %get3A_79 = arith.constant 32 : index
    %get3A_80 = tpu.vector_load %arg9[%get3A_79] {strides = array<i32>} : memref<512xi32, #tpu.memory_space<vmem>>, vector<16xi32>,
    %ne3A_81 = arith.constant 0 : i32
    %ne3A_82 = vector.broadcast %ne3A_81 : i32 to vector<16xi32>
    %ne3A_83 = arith.cmpi ne, %get3A_80, %ne3A_82 : vector<16xi32>
    %and3A_84 = arith.andi %ne3A_78, %ne3A_83 : vector<16xi1>
    %get3A_85 = arith.constant 32 : index
    %get3A_86 = tpu.vector_load %arg8[%get3A_85] {strides = array<i32>} : memref<512xi32, #tpu.memory_space<vmem>>, vector<16xi32>,
    %sub3A_87 = arith.constant 0 : i32
    %sub3A_88 = vector.broadcast %sub3A_87 : i32 to vector<16xi32>
    %sub3A_89 = arith.subi %get3A_86, %sub3A_88 : vector<16xi32>
    %not3A_90 = arith.constant dense<true> : vector<16xi1>
    %not3A_91 = arith.xori %and3A_84, %not3A_90 : vector<16xi1>
    %ge3A_92 = arith.constant 0 : i32
    %ge3A_93 = vector.broadcast %ge3A_92 : i32 to vector<16xi32>
    %ge3A_94 = arith.cmpi sge, %sub3A_89, %ge3A_93 : vector<16xi32>
    %and3A_95 = arith.andi %not3A_91, %ge3A_94 : vector<16xi1>
    %lt3A_96 = arith.constant 1000000 : i32
    %lt3A_97 = vector.broadcast %lt3A_96 : i32 to vector<16xi32>
    %lt3A_98 = arith.cmpi slt, %sub3A_89, %lt3A_97 : vector<16xi32>
    %and3A_99 = arith.andi %and3A_95, %lt3A_98 : vector<16xi1>
    %jit3A_100 = arith.constant 0 : i32
    %broadcast_in_dim3A_101 = vector.broadcast %jit3A_100 : i32 to vector<16xi32>
    %select_n3A_102 = arith.select %and3A_99, %sub3A_89, %broadcast_in_dim3A_101 : vector<16xi1>, vector<16xi32>
    %swap3A_103 = arith.constant 32 : index
    %swap3A_104 = tpu.vector_load %arg8[%swap3A_103] {strides = array<i32>} : memref<512xi32, #tpu.memory_space<vmem>>, vector<16xi32>,
    tpu.vector_store %arg8[%swap3A_103], %select_n3A_102 {strides = array<i32>} : memref<512xi32, #tpu.memory_space<vmem>>, vector<16xi32>,
    %select_n3A_105 = arith.select %and3A_99, %broadcast_in_dim3A_4, %broadcast_in_dim3A_6 : vector<16xi1>, vector<16xi32>
    %swap3A_106 = arith.constant 32 : index
    %swap3A_107 = tpu.vector_load %arg10[%swap3A_106] {strides = array<i32>} : memref<512xi32, #tpu.memory_space<vmem>>, vector<16xi32>,
    tpu.vector_store %arg10[%swap3A_106], %select_n3A_105 {strides = array<i32>} : memref<512xi32, #tpu.memory_space<vmem>>, vector<16xi32>,
    %select_n3A_108 = arith.select %and3A_84, %broadcast_in_dim3A_4, %broadcast_in_dim3A_6 : vector<16xi1>, vector<16xi32>
    %swap3A_109 = arith.constant 32 : index
    %swap3A_110 = tpu.vector_load %arg11[%swap3A_109] {strides = array<i32>} : memref<512xi32, #tpu.memory_space<vmem>>, vector<16xi32>,
    tpu.vector_store %arg11[%swap3A_109], %select_n3A_108 {strides = array<i32>} : memref<512xi32, #tpu.memory_space<vmem>>, vector<16xi32>,
    %all_reduce_population_count3A_111 = tpu.all_reduce %and3A_99 {dim = 0 : i64, kind = #tpu.reduction_kind<sum>} : vector<16xi1> -> vector<16xi32>
    %slice3A_112 = vector.extract_strided_slice %all_reduce_population_count3A_111 {offsets = [0], sizes = [1], strides = [1]} : vector<16xi32> to vector<1xi32>
    %squeeze3A_113 = vector.extract %slice3A_112[0] : i32 from vector<1xi32>
    %add3A_114 = arith.addi %add3A_75, %squeeze3A_113 : i32
    %ne3A_115 = arith.constant 0 : i32
    %ne3A_116 = vector.broadcast %ne3A_115 : i32 to vector<16xi32>
    %ne3A_117 = arith.cmpi ne, %get3A_3, %ne3A_116 : vector<16xi32>
    %get3A_118 = arith.constant 48 : index
    %get3A_119 = tpu.vector_load %arg9[%get3A_118] {strides = array<i32>} : memref<512xi32, #tpu.memory_space<vmem>>, vector<16xi32>,
    %ne3A_120 = arith.constant 0 : i32
    %ne3A_121 = vector.broadcast %ne3A_120 : i32 to vector<16xi32>
    %ne3A_122 = arith.cmpi ne, %get3A_119, %ne3A_121 : vector<16xi32>
    %and3A_123 = arith.andi %ne3A_117, %ne3A_122 : vector<16xi1>
    %get3A_124 = arith.constant 48 : index
    %get3A_125 = tpu.vector_load %arg8[%get3A_124] {strides = array<i32>} : memref<512xi32, #tpu.memory_space<vmem>>, vector<16xi32>,
    %sub3A_126 = arith.constant 0 : i32
    %sub3A_127 = vector.broadcast %sub3A_126 : i32 to vector<16xi32>
    %sub3A_128 = arith.subi %get3A_125, %sub3A_127 : vector<16xi32>
    %not3A_129 = arith.constant dense<true> : vector<16xi1>
    %not3A_130 = arith.xori %and3A_123, %not3A_129 : vector<16xi1>
    %ge3A_131 = arith.constant 0 : i32
    %ge3A_132 = vector.broadcast %ge3A_131 : i32 to vector<16xi32>
    %ge3A_133 = arith.cmpi sge, %sub3A_128, %ge3A_132 : vector<16xi32>
    %and3A_134 = arith.andi %not3A_130, %ge3A_133 : vector<16xi1>
    %lt3A_135 = arith.constant 1000000 : i32
    %lt3A_136 = vector.broadcast %lt3A_135 : i32 to vector<16xi32>
    %lt3A_137 = arith.cmpi slt, %sub3A_128, %lt3A_136 : vector<16xi32>
    %and3A_138 = arith.andi %and3A_134, %lt3A_137 : vector<16xi1>
    %jit3A_139 = arith.constant 0 : i32
    %broadcast_in_dim3A_140 = vector.broadcast %jit3A_139 : i32 to vector<16xi32>
    %select_n3A_141 = arith.select %and3A_138, %sub3A_128, %broadcast_in_dim3A_140 : vector<16xi1>, vector<16xi32>
    %swap3A_142 = arith.constant 48 : index
    %swap3A_143 = tpu.vector_load %arg8[%swap3A_142] {strides = array<i32>} : memref<512xi32, #tpu.memory_space<vmem>>, vector<16xi32>,
    tpu.vector_store %arg8[%swap3A_142], %select_n3A_141 {strides = array<i32>} : memref<512xi32, #tpu.memory_space<vmem>>, vector<16xi32>,
    %select_n3A_144 = arith.select %and3A_138, %broadcast_in_dim3A_4, %broadcast_in_dim3A_6 : vector<16xi1>, vector<16xi32>
    %swap3A_145 = arith.constant 48 : index
    %swap3A_146 = tpu.vector_load %arg10[%swap3A_145] {strides = array<i32>} : memref<512xi32, #tpu.memory_space<vmem>>, vector<16xi32>,
    tpu.vector_store %arg10[%swap3A_145], %select_n3A_144 {strides = array<i32>} : memref<512xi32, #tpu.memory_space<vmem>>, vector<16xi32>,
    %select_n3A_147 = arith.select %and3A_123, %broadcast_in_dim3A_4, %broadcast_in_dim3A_6 : vector<16xi1>, vector<16xi32>
    %swap3A_148 = arith.constant 48 : index
    %swap3A_149 = tpu.vector_load %arg11[%swap3A_148] {strides = array<i32>} : memref<512xi32, #tpu.memory_space<vmem>>, vector<16xi32>,
    tpu.vector_store %arg11[%swap3A_148], %select_n3A_147 {strides = array<i32>} : memref<512xi32, #tpu.memory_space<vmem>>, vector<16xi32>,
    %all_reduce_population_count3A_150 = tpu.all_reduce %and3A_138 {dim = 0 : i64, kind = #tpu.reduction_kind<sum>} : vector<16xi1> -> vector<16xi32>
    %slice3A_151 = vector.extract_strided_slice %all_reduce_population_count3A_150 {offsets = [0], sizes = [1], strides = [1]} : vector<16xi32> to vector<1xi32>
    %squeeze3A_152 = vector.extract %slice3A_151[0] : i32 from vector<1xi32>
    %add3A_153 = arith.addi %add3A_114, %squeeze3A_152 : i32
    %ne3A_154 = arith.constant 0 : i32
    %ne3A_155 = vector.broadcast %ne3A_154 : i32 to vector<16xi32>
    %ne3A_156 = arith.cmpi ne, %get3A_3, %ne3A_155 : vector<16xi32>
    %get3A_157 = arith.constant 64 : index
    %get3A_158 = tpu.vector_load %arg9[%get3A_157] {strides = array<i32>} : memref<512xi32, #tpu.memory_space<vmem>>, vector<16xi32>,
    %ne3A_159 = arith.constant 0 : i32
    %ne3A_160 = vector.broadcast %ne3A_159 : i32 to vector<16xi32>
    %ne3A_161 = arith.cmpi ne, %get3A_158, %ne3A_160 : vector<16xi32>
    %and3A_162 = arith.andi %ne3A_156, %ne3A_161 : vector<16xi1>
    %get3A_163 = arith.constant 64 : index
    %get3A_164 = tpu.vector_load %arg8[%get3A_163] {strides = array<i32>} : memref<512xi32, #tpu.memory_space<vmem>>, vector<16xi32>,
    %sub3A_165 = arith.constant 0 : i32
    %sub3A_166 = vector.broadcast %sub3A_165 : i32 to vector<16xi32>
    %sub3A_167 = arith.subi %get3A_164, %sub3A_166 : vector<16xi32>
    %not3A_168 = arith.constant dense<true> : vector<16xi1>
    %not3A_169 = arith.xori %and3A_162, %not3A_168 : vector<16xi1>
    %ge3A_170 = arith.constant 0 : i32
    %ge3A_171 = vector.broadcast %ge3A_170 : i32 to vector<16xi32>
    %ge3A_172 = arith.cmpi sge, %sub3A_167, %ge3A_171 : vector<16xi32>
    %and3A_173 = arith.andi %not3A_169, %ge3A_172 : vector<16xi1>
    %lt3A_174 = arith.constant 1000000 : i32
    %lt3A_175 = vector.broadcast %lt3A_174 : i32 to vector<16xi32>
    %lt3A_176 = arith.cmpi slt, %sub3A_167, %lt3A_175 : vector<16xi32>
    %and3A_177 = arith.andi %and3A_173, %lt3A_176 : vector<16xi1>
    %jit3A_178 = arith.constant 0 : i32
    %broadcast_in_dim3A_179 = vector.broadcast %jit3A_178 : i32 to vector<16xi32>
    %select_n3A_180 = arith.select %and3A_177, %sub3A_167, %broadcast_in_dim3A_179 : vector<16xi1>, vector<16xi32>
    %swap3A_181 = arith.constant 64 : index
    %swap3A_182 = tpu.vector_load %arg8[%swap3A_181] {strides = array<i32>} : memref<512xi32, #tpu.memory_space<vmem>>, vector<16xi32>,
    tpu.vector_store %arg8[%swap3A_181], %select_n3A_180 {strides = array<i32>} : memref<512xi32, #tpu.memory_space<vmem>>, vector<16xi32>,
    %select_n3A_183 = arith.select %and3A_177, %broadcast_in_dim3A_4, %broadcast_in_dim3A_6 : vector<16xi1>, vector<16xi32>
    %swap3A_184 = arith.constant 64 : index
    %swap3A_185 = tpu.vector_load %arg10[%swap3A_184] {strides = array<i32>} : memref<512xi32, #tpu.memory_space<vmem>>, vector<16xi32>,
    tpu.vector_store %arg10[%swap3A_184], %select_n3A_183 {strides = array<i32>} : memref<512xi32, #tpu.memory_space<vmem>>, vector<16xi32>,
    %select_n3A_186 = arith.select %and3A_162, %broadcast_in_dim3A_4, %broadcast_in_dim3A_6 : vector<16xi1>, vector<16xi32>
    %swap3A_187 = arith.constant 64 : index
    %swap3A_188 = tpu.vector_load %arg11[%swap3A_187] {strides = array<i32>} : memref<512xi32, #tpu.memory_space<vmem>>, vector<16xi32>,
    tpu.vector_store %arg11[%swap3A_187], %select_n3A_186 {strides = array<i32>} : memref<512xi32, #tpu.memory_space<vmem>>, vector<16xi32>,
    %all_reduce_population_count3A_189 = tpu.all_reduce %and3A_177 {dim = 0 : i64, kind = #tpu.reduction_kind<sum>} : vector<16xi1> -> vector<16xi32>
    %slice3A_190 = vector.extract_strided_slice %all_reduce_population_count3A_189 {offsets = [0], sizes = [1], strides = [1]} : vector<16xi32> to vector<1xi32>
    %squeeze3A_191 = vector.extract %slice3A_190[0] : i32 from vector<1xi32>
    %add3A_192 = arith.addi %add3A_153, %squeeze3A_191 : i32
    %ne3A_193 = arith.constant 0 : i32
    %ne3A_194 = vector.broadcast %ne3A_193 : i32 to vector<16xi32>
    %ne3A_195 = arith.cmpi ne, %get3A_3, %ne3A_194 : vector<16xi32>
    %get3A_196 = arith.constant 80 : index
    %get3A_197 = tpu.vector_load %arg9[%get3A_196] {strides = array<i32>} : memref<512xi32, #tpu.memory_space<vmem>>, vector<16xi32>,
    %ne3A_198 = arith.constant 0 : i32
    %ne3A_199 = vector.broadcast %ne3A_198 : i32 to vector<16xi32>
    %ne3A_200 = arith.cmpi ne, %get3A_197, %ne3A_199 : vector<16xi32>
    %and3A_201 = arith.andi %ne3A_195, %ne3A_200 : vector<16xi1>
    %get3A_202 = arith.constant 80 : index
    %get3A_203 = tpu.vector_load %arg8[%get3A_202] {strides = array<i32>} : memref<512xi32, #tpu.memory_space<vmem>>, vector<16xi32>,
    %sub3A_204 = arith.constant 0 : i32
    %sub3A_205 = vector.broadcast %sub3A_204 : i32 to vector<16xi32>
    %sub3A_206 = arith.subi %get3A_203, %sub3A_205 : vector<16xi32>
    %not3A_207 = arith.constant dense<true> : vector<16xi1>
    %not3A_208 = arith.xori %and3A_201, %not3A_207 : vector<16xi1>
    %ge3A_209 = arith.constant 0 : i32
    %ge3A_210 = vector.broadcast %ge3A_209 : i32 to vector<16xi32>
    %ge3A_211 = arith.cmpi sge, %sub3A_206, %ge3A_210 : vector<16xi32>
    %and3A_212 = arith.andi %not3A_208, %ge3A_211 : vector<16xi1>
    %lt3A_213 = arith.constant 1000000 : i32
    %lt3A_214 = vector.broadcast %lt3A_213 : i32 to vector<16xi32>
    %lt3A_215 = arith.cmpi slt, %sub3A_206, %lt3A_214 : vector<16xi32>
    %and3A_216 = arith.andi %and3A_212, %lt3A_215 : vector<16xi1>
    %jit3A_217 = arith.constant 0 : i32
    %broadcast_in_dim3A_218 = vector.broadcast %jit3A_217 : i32 to vector<16xi32>
    %select_n3A_219 = arith.select %and3A_216, %sub3A_206, %broadcast_in_dim3A_218 : vector<16xi1>, vector<16xi32>
    %swap3A_220 = arith.constant 80 : index
    %swap3A_221 = tpu.vector_load %arg8[%swap3A_220] {strides = array<i32>} : memref<512xi32, #tpu.memory_space<vmem>>, vector<16xi32>,
    tpu.vector_store %arg8[%swap3A_220], %select_n3A_219 {strides = array<i32>} : memref<512xi32, #tpu.memory_space<vmem>>, vector<16xi32>,
    %select_n3A_222 = arith.select %and3A_216, %broadcast_in_dim3A_4, %broadcast_in_dim3A_6 : vector<16xi1>, vector<16xi32>
    %swap3A_223 = arith.constant 80 : index
    %swap3A_224 = tpu.vector_load %arg10[%swap3A_223] {strides = array<i32>} : memref<512xi32, #tpu.memory_space<vmem>>, vector<16xi32>,
    tpu.vector_store %arg10[%swap3A_223], %select_n3A_222 {strides = array<i32>} : memref<512xi32, #tpu.memory_space<vmem>>, vector<16xi32>,
    %select_n3A_225 = arith.select %and3A_201, %broadcast_in_dim3A_4, %broadcast_in_dim3A_6 : vector<16xi1>, vector<16xi32>
    %swap3A_226 = arith.constant 80 : index
    %swap3A_227 = tpu.vector_load %arg11[%swap3A_226] {strides = array<i32>} : memref<512xi32, #tpu.memory_space<vmem>>, vector<16xi32>,
    tpu.vector_store %arg11[%swap3A_226], %select_n3A_225 {strides = array<i32>} : memref<512xi32, #tpu.memory_space<vmem>>, vector<16xi32>,
    %all_reduce_population_count3A_228 = tpu.all_reduce %and3A_216 {dim = 0 : i64, kind = #tpu.reduction_kind<sum>} : vector<16xi1> -> vector<16xi32>
    %slice3A_229 = vector.extract_strided_slice %all_reduce_population_count3A_228 {offsets = [0], sizes = [1], strides = [1]} : vector<16xi32> to vector<1xi32>
    %squeeze3A_230 = vector.extract %slice3A_229[0] : i32 from vector<1xi32>
    %add3A_231 = arith.addi %add3A_192, %squeeze3A_230 : i32
    %ne3A_232 = arith.constant 0 : i32
    %ne3A_233 = vector.broadcast %ne3A_232 : i32 to vector<16xi32>
    %ne3A_234 = arith.cmpi ne, %get3A_3, %ne3A_233 : vector<16xi32>
    %get3A_235 = arith.constant 96 : index
    %get3A_236 = tpu.vector_load %arg9[%get3A_235] {strides = array<i32>} : memref<512xi32, #tpu.memory_space<vmem>>, vector<16xi32>,
    %ne3A_237 = arith.constant 0 : i32
    %ne3A_238 = vector.broadcast %ne3A_237 : i32 to vector<16xi32>
    %ne3A_239 = arith.cmpi ne, %get3A_236, %ne3A_238 : vector<16xi32>
    %and3A_240 = arith.andi %ne3A_234, %ne3A_239 : vector<16xi1>
    %get3A_241 = arith.constant 96 : index
    %get3A_242 = tpu.vector_load %arg8[%get3A_241] {strides = array<i32>} : memref<512xi32, #tpu.memory_space<vmem>>, vector<16xi32>,
    %sub3A_243 = arith.constant 0 : i32
    %sub3A_244 = vector.broadcast %sub3A_243 : i32 to vector<16xi32>
    %sub3A_245 = arith.subi %get3A_242, %sub3A_244 : vector<16xi32>
    %not3A_246 = arith.constant dense<true> : vector<16xi1>
    %not3A_247 = arith.xori %and3A_240, %not3A_246 : vector<16xi1>
    %ge3A_248 = arith.constant 0 : i32
    %ge3A_249 = vector.broadcast %ge3A_248 : i32 to vector<16xi32>
    %ge3A_250 = arith.cmpi sge, %sub3A_245, %ge3A_249 : vector<16xi32>
    %and3A_251 = arith.andi %not3A_247, %ge3A_250 : vector<16xi1>
    %lt3A_252 = arith.constant 1000000 : i32
    %lt3A_253 = vector.broadcast %lt3A_252 : i32 to vector<16xi32>
    %lt3A_254 = arith.cmpi slt, %sub3A_245, %lt3A_253 : vector<16xi32>
    %and3A_255 = arith.andi %and3A_251, %lt3A_254 : vector<16xi1>
    %jit3A_256 = arith.constant 0 : i32
    %broadcast_in_dim3A_257 = vector.broadcast %jit3A_256 : i32 to vector<16xi32>
    %select_n3A_258 = arith.select %and3A_255, %sub3A_245, %broadcast_in_dim3A_257 : vector<16xi1>, vector<16xi32>
    %swap3A_259 = arith.constant 96 : index
    %swap3A_260 = tpu.vector_load %arg8[%swap3A_259] {strides = array<i32>} : memref<512xi32, #tpu.memory_space<vmem>>, vector<16xi32>,
    tpu.vector_store %arg8[%swap3A_259], %select_n3A_258 {strides = array<i32>} : memref<512xi32, #tpu.memory_space<vmem>>, vector<16xi32>,
    %select_n3A_261 = arith.select %and3A_255, %broadcast_in_dim3A_4, %broadcast_in_dim3A_6 : vector<16xi1>, vector<16xi32>
    %swap3A_262 = arith.constant 96 : index
    %swap3A_263 = tpu.vector_load %arg10[%swap3A_262] {strides = array<i32>} : memref<512xi32, #tpu.memory_space<vmem>>, vector<16xi32>,
    tpu.vector_store %arg10[%swap3A_262], %select_n3A_261 {strides = array<i32>} : memref<512xi32, #tpu.memory_space<vmem>>, vector<16xi32>,
    %select_n3A_264 = arith.select %and3A_240, %broadcast_in_dim3A_4, %broadcast_in_dim3A_6 : vector<16xi1>, vector<16xi32>
    %swap3A_265 = arith.constant 96 : index
    %swap3A_266 = tpu.vector_load %arg11[%swap3A_265] {strides = array<i32>} : memref<512xi32, #tpu.memory_space<vmem>>, vector<16xi32>,
    tpu.vector_store %arg11[%swap3A_265], %select_n3A_264 {strides = array<i32>} : memref<512xi32, #tpu.memory_space<vmem>>, vector<16xi32>,
    %all_reduce_population_count3A_267 = tpu.all_reduce %and3A_255 {dim = 0 : i64, kind = #tpu.reduction_kind<sum>} : vector<16xi1> -> vector<16xi32>
    %slice3A_268 = vector.extract_strided_slice %all_reduce_population_count3A_267 {offsets = [0], sizes = [1], strides = [1]} : vector<16xi32> to vector<1xi32>
    %squeeze3A_269 = vector.extract %slice3A_268[0] : i32 from vector<1xi32>
    %add3A_270 = arith.addi %add3A_231, %squeeze3A_269 : i32
    %ne3A_271 = arith.constant 0 : i32
    %ne3A_272 = vector.broadcast %ne3A_271 : i32 to vector<16xi32>
    %ne3A_273 = arith.cmpi ne, %get3A_3, %ne3A_272 : vector<16xi32>
    %get3A_274 = arith.constant 112 : index
    %get3A_275 = tpu.vector_load %arg9[%get3A_274] {strides = array<i32>} : memref<512xi32, #tpu.memory_space<vmem>>, vector<16xi32>,
    %ne3A_276 = arith.constant 0 : i32
    %ne3A_277 = vector.broadcast %ne3A_276 : i32 to vector<16xi32>
    %ne3A_278 = arith.cmpi ne, %get3A_275, %ne3A_277 : vector<16xi32>
    %and3A_279 = arith.andi %ne3A_273, %ne3A_278 : vector<16xi1>
    %get3A_280 = arith.constant 112 : index
    %get3A_281 = tpu.vector_load %arg8[%get3A_280] {strides = array<i32>} : memref<512xi32, #tpu.memory_space<vmem>>, vector<16xi32>,
    %sub3A_282 = arith.constant 0 : i32
    %sub3A_283 = vector.broadcast %sub3A_282 : i32 to vector<16xi32>
    %sub3A_284 = arith.subi %get3A_281, %sub3A_283 : vector<16xi32>
    %not3A_285 = arith.constant dense<true> : vector<16xi1>
    %not3A_286 = arith.xori %and3A_279, %not3A_285 : vector<16xi1>
    %ge3A_287 = arith.constant 0 : i32
    %ge3A_288 = vector.broadcast %ge3A_287 : i32 to vector<16xi32>
    %ge3A_289 = arith.cmpi sge, %sub3A_284, %ge3A_288 : vector<16xi32>
    %and3A_290 = arith.andi %not3A_286, %ge3A_289 : vector<16xi1>
    %lt3A_291 = arith.constant 1000000 : i32
    %lt3A_292 = vector.broadcast %lt3A_291 : i32 to vector<16xi32>
    %lt3A_293 = arith.cmpi slt, %sub3A_284, %lt3A_292 : vector<16xi32>
    %and3A_294 = arith.andi %and3A_290, %lt3A_293 : vector<16xi1>
    %jit3A_295 = arith.constant 0 : i32
    %broadcast_in_dim3A_296 = vector.broadcast %jit3A_295 : i32 to vector<16xi32>
    %select_n3A_297 = arith.select %and3A_294, %sub3A_284, %broadcast_in_dim3A_296 : vector<16xi1>, vector<16xi32>
    %swap3A_298 = arith.constant 112 : index
    %swap3A_299 = tpu.vector_load %arg8[%swap3A_298] {strides = array<i32>} : memref<512xi32, #tpu.memory_space<vmem>>, vector<16xi32>,
    tpu.vector_store %arg8[%swap3A_298], %select_n3A_297 {strides = array<i32>} : memref<512xi32, #tpu.memory_space<vmem>>, vector<16xi32>,
    %select_n3A_300 = arith.select %and3A_294, %broadcast_in_dim3A_4, %broadcast_in_dim3A_6 : vector<16xi1>, vector<16xi32>
    %swap3A_301 = arith.constant 112 : index
    %swap3A_302 = tpu.vector_load %arg10[%swap3A_301] {strides = array<i32>} : memref<512xi32, #tpu.memory_space<vmem>>, vector<16xi32>,
    tpu.vector_store %arg10[%swap3A_301], %select_n3A_300 {strides = array<i32>} : memref<512xi32, #tpu.memory_space<vmem>>, vector<16xi32>,
    %select_n3A_303 = arith.select %and3A_279, %broadcast_in_dim3A_4, %broadcast_in_dim3A_6 : vector<16xi1>, vector<16xi32>
    %swap3A_304 = arith.constant 112 : index
    %swap3A_305 = tpu.vector_load %arg11[%swap3A_304] {strides = array<i32>} : memref<512xi32, #tpu.memory_space<vmem>>, vector<16xi32>,
    tpu.vector_store %arg11[%swap3A_304], %select_n3A_303 {strides = array<i32>} : memref<512xi32, #tpu.memory_space<vmem>>, vector<16xi32>,
    %all_reduce_population_count3A_306 = tpu.all_reduce %and3A_294 {dim = 0 : i64, kind = #tpu.reduction_kind<sum>} : vector<16xi1> -> vector<16xi32>
    %slice3A_307 = vector.extract_strided_slice %all_reduce_population_count3A_306 {offsets = [0], sizes = [1], strides = [1]} : vector<16xi32> to vector<1xi32>
    %squeeze3A_308 = vector.extract %slice3A_307[0] : i32 from vector<1xi32>
    %add3A_309 = arith.addi %add3A_270, %squeeze3A_308 : i32
    %ne3A_310 = arith.constant 0 : i32
    %ne3A_311 = vector.broadcast %ne3A_310 : i32 to vector<16xi32>
    %ne3A_312 = arith.cmpi ne, %get3A_3, %ne3A_311 : vector<16xi32>
    %get3A_313 = arith.constant 128 : index
    %get3A_314 = tpu.vector_load %arg9[%get3A_313] {strides = array<i32>} : memref<512xi32, #tpu.memory_space<vmem>>, vector<16xi32>,
    %ne3A_315 = arith.constant 0 : i32
    %ne3A_316 = vector.broadcast %ne3A_315 : i32 to vector<16xi32>
    %ne3A_317 = arith.cmpi ne, %get3A_314, %ne3A_316 : vector<16xi32>
    %and3A_318 = arith.andi %ne3A_312, %ne3A_317 : vector<16xi1>
    %get3A_319 = arith.constant 128 : index
    %get3A_320 = tpu.vector_load %arg8[%get3A_319] {strides = array<i32>} : memref<512xi32, #tpu.memory_space<vmem>>, vector<16xi32>,
    %sub3A_321 = arith.constant 0 : i32
    %sub3A_322 = vector.broadcast %sub3A_321 : i32 to vector<16xi32>
    %sub3A_323 = arith.subi %get3A_320, %sub3A_322 : vector<16xi32>
    %not3A_324 = arith.constant dense<true> : vector<16xi1>
    %not3A_325 = arith.xori %and3A_318, %not3A_324 : vector<16xi1>
    %ge3A_326 = arith.constant 0 : i32
    %ge3A_327 = vector.broadcast %ge3A_326 : i32 to vector<16xi32>
    %ge3A_328 = arith.cmpi sge, %sub3A_323, %ge3A_327 : vector<16xi32>
    %and3A_329 = arith.andi %not3A_325, %ge3A_328 : vector<16xi1>
    %lt3A_330 = arith.constant 1000000 : i32
    %lt3A_331 = vector.broadcast %lt3A_330 : i32 to vector<16xi32>
    %lt3A_332 = arith.cmpi slt, %sub3A_323, %lt3A_331 : vector<16xi32>
    %and3A_333 = arith.andi %and3A_329, %lt3A_332 : vector<16xi1>
    %jit3A_334 = arith.constant 0 : i32
    %broadcast_in_dim3A_335 = vector.broadcast %jit3A_334 : i32 to vector<16xi32>
    %select_n3A_336 = arith.select %and3A_333, %sub3A_323, %broadcast_in_dim3A_335 : vector<16xi1>, vector<16xi32>
    %swap3A_337 = arith.constant 128 : index
    %swap3A_338 = tpu.vector_load %arg8[%swap3A_337] {strides = array<i32>} : memref<512xi32, #tpu.memory_space<vmem>>, vector<16xi32>,
    tpu.vector_store %arg8[%swap3A_337], %select_n3A_336 {strides = array<i32>} : memref<512xi32, #tpu.memory_space<vmem>>, vector<16xi32>,
    %select_n3A_339 = arith.select %and3A_333, %broadcast_in_dim3A_4, %broadcast_in_dim3A_6 : vector<16xi1>, vector<16xi32>
    %swap3A_340 = arith.constant 128 : index
    %swap3A_341 = tpu.vector_load %arg10[%swap3A_340] {strides = array<i32>} : memref<512xi32, #tpu.memory_space<vmem>>, vector<16xi32>,
    tpu.vector_store %arg10[%swap3A_340], %select_n3A_339 {strides = array<i32>} : memref<512xi32, #tpu.memory_space<vmem>>, vector<16xi32>,
    %select_n3A_342 = arith.select %and3A_318, %broadcast_in_dim3A_4, %broadcast_in_dim3A_6 : vector<16xi1>, vector<16xi32>
    %swap3A_343 = arith.constant 128 : index
    %swap3A_344 = tpu.vector_load %arg11[%swap3A_343] {strides = array<i32>} : memref<512xi32, #tpu.memory_space<vmem>>, vector<16xi32>,
    tpu.vector_store %arg11[%swap3A_343], %select_n3A_342 {strides = array<i32>} : memref<512xi32, #tpu.memory_space<vmem>>, vector<16xi32>,
    %all_reduce_population_count3A_345 = tpu.all_reduce %and3A_333 {dim = 0 : i64, kind = #tpu.reduction_kind<sum>} : vector<16xi1> -> vector<16xi32>
    %slice3A_346 = vector.extract_strided_slice %all_reduce_population_count3A_345 {offsets = [0], sizes = [1], strides = [1]} : vector<16xi32> to vector<1xi32>
    %squeeze3A_347 = vector.extract %slice3A_346[0] : i32 from vector<1xi32>
    %add3A_348 = arith.addi %add3A_309, %squeeze3A_347 : i32
    %ne3A_349 = arith.constant 0 : i32
    %ne3A_350 = vector.broadcast %ne3A_349 : i32 to vector<16xi32>
    %ne3A_351 = arith.cmpi ne, %get3A_3, %ne3A_350 : vector<16xi32>
    %get3A_352 = arith.constant 144 : index
    %get3A_353 = tpu.vector_load %arg9[%get3A_352] {strides = array<i32>} : memref<512xi32, #tpu.memory_space<vmem>>, vector<16xi32>,
    %ne3A_354 = arith.constant 0 : i32
    %ne3A_355 = vector.broadcast %ne3A_354 : i32 to vector<16xi32>
    %ne3A_356 = arith.cmpi ne, %get3A_353, %ne3A_355 : vector<16xi32>
    %and3A_357 = arith.andi %ne3A_351, %ne3A_356 : vector<16xi1>
    %get3A_358 = arith.constant 144 : index
    %get3A_359 = tpu.vector_load %arg8[%get3A_358] {strides = array<i32>} : memref<512xi32, #tpu.memory_space<vmem>>, vector<16xi32>,
    %sub3A_360 = arith.constant 0 : i32
    %sub3A_361 = vector.broadcast %sub3A_360 : i32 to vector<16xi32>
    %sub3A_362 = arith.subi %get3A_359, %sub3A_361 : vector<16xi32>
    %not3A_363 = arith.constant dense<true> : vector<16xi1>
    %not3A_364 = arith.xori %and3A_357, %not3A_363 : vector<16xi1>
    %ge3A_365 = arith.constant 0 : i32
    %ge3A_366 = vector.broadcast %ge3A_365 : i32 to vector<16xi32>
    %ge3A_367 = arith.cmpi sge, %sub3A_362, %ge3A_366 : vector<16xi32>
    %and3A_368 = arith.andi %not3A_364, %ge3A_367 : vector<16xi1>
    %lt3A_369 = arith.constant 1000000 : i32
    %lt3A_370 = vector.broadcast %lt3A_369 : i32 to vector<16xi32>
    %lt3A_371 = arith.cmpi slt, %sub3A_362, %lt3A_370 : vector<16xi32>
    %and3A_372 = arith.andi %and3A_368, %lt3A_371 : vector<16xi1>
    %jit3A_373 = arith.constant 0 : i32
    %broadcast_in_dim3A_374 = vector.broadcast %jit3A_373 : i32 to vector<16xi32>
    %select_n3A_375 = arith.select %and3A_372, %sub3A_362, %broadcast_in_dim3A_374 : vector<16xi1>, vector<16xi32>
    %swap3A_376 = arith.constant 144 : index
    %swap3A_377 = tpu.vector_load %arg8[%swap3A_376] {strides = array<i32>} : memref<512xi32, #tpu.memory_space<vmem>>, vector<16xi32>,
    tpu.vector_store %arg8[%swap3A_376], %select_n3A_375 {strides = array<i32>} : memref<512xi32, #tpu.memory_space<vmem>>, vector<16xi32>,
    %select_n3A_378 = arith.select %and3A_372, %broadcast_in_dim3A_4, %broadcast_in_dim3A_6 : vector<16xi1>, vector<16xi32>
    %swap3A_379 = arith.constant 144 : index
    %swap3A_380 = tpu.vector_load %arg10[%swap3A_379] {strides = array<i32>} : memref<512xi32, #tpu.memory_space<vmem>>, vector<16xi32>,
    tpu.vector_store %arg10[%swap3A_379], %select_n3A_378 {strides = array<i32>} : memref<512xi32, #tpu.memory_space<vmem>>, vector<16xi32>,
    %select_n3A_381 = arith.select %and3A_357, %broadcast_in_dim3A_4, %broadcast_in_dim3A_6 : vector<16xi1>, vector<16xi32>
    %swap3A_382 = arith.constant 144 : index
    %swap3A_383 = tpu.vector_load %arg11[%swap3A_382] {strides = array<i32>} : memref<512xi32, #tpu.memory_space<vmem>>, vector<16xi32>,
    tpu.vector_store %arg11[%swap3A_382], %select_n3A_381 {strides = array<i32>} : memref<512xi32, #tpu.memory_space<vmem>>, vector<16xi32>,
    %all_reduce_population_count3A_384 = tpu.all_reduce %and3A_372 {dim = 0 : i64, kind = #tpu.reduction_kind<sum>} : vector<16xi1> -> vector<16xi32>
    %slice3A_385 = vector.extract_strided_slice %all_reduce_population_count3A_384 {offsets = [0], sizes = [1], strides = [1]} : vector<16xi32> to vector<1xi32>
    %squeeze3A_386 = vector.extract %slice3A_385[0] : i32 from vector<1xi32>
    %add3A_387 = arith.addi %add3A_348, %squeeze3A_386 : i32
    %ne3A_388 = arith.constant 0 : i32
    %ne3A_389 = vector.broadcast %ne3A_388 : i32 to vector<16xi32>
    %ne3A_390 = arith.cmpi ne, %get3A_3, %ne3A_389 : vector<16xi32>
    %get3A_391 = arith.constant 160 : index
    %get3A_392 = tpu.vector_load %arg9[%get3A_391] {strides = array<i32>} : memref<512xi32, #tpu.memory_space<vmem>>, vector<16xi32>,
    %ne3A_393 = arith.constant 0 : i32
    %ne3A_394 = vector.broadcast %ne3A_393 : i32 to vector<16xi32>
    %ne3A_395 = arith.cmpi ne, %get3A_392, %ne3A_394 : vector<16xi32>
    %and3A_396 = arith.andi %ne3A_390, %ne3A_395 : vector<16xi1>
    %get3A_397 = arith.constant 160 : index
    %get3A_398 = tpu.vector_load %arg8[%get3A_397] {strides = array<i32>} : memref<512xi32, #tpu.memory_space<vmem>>, vector<16xi32>,
    %sub3A_399 = arith.constant 0 : i32
    %sub3A_400 = vector.broadcast %sub3A_399 : i32 to vector<16xi32>
    %sub3A_401 = arith.subi %get3A_398, %sub3A_400 : vector<16xi32>
    %not3A_402 = arith.constant dense<true> : vector<16xi1>
    %not3A_403 = arith.xori %and3A_396, %not3A_402 : vector<16xi1>
    %ge3A_404 = arith.constant 0 : i32
    %ge3A_405 = vector.broadcast %ge3A_404 : i32 to vector<16xi32>
    %ge3A_406 = arith.cmpi sge, %sub3A_401, %ge3A_405 : vector<16xi32>
    %and3A_407 = arith.andi %not3A_403, %ge3A_406 : vector<16xi1>
    %lt3A_408 = arith.constant 1000000 : i32
    %lt3A_409 = vector.broadcast %lt3A_408 : i32 to vector<16xi32>
    %lt3A_410 = arith.cmpi slt, %sub3A_401, %lt3A_409 : vector<16xi32>
    %and3A_411 = arith.andi %and3A_407, %lt3A_410 : vector<16xi1>
    %jit3A_412 = arith.constant 0 : i32
    %broadcast_in_dim3A_413 = vector.broadcast %jit3A_412 : i32 to vector<16xi32>
    %select_n3A_414 = arith.select %and3A_411, %sub3A_401, %broadcast_in_dim3A_413 : vector<16xi1>, vector<16xi32>
    %swap3A_415 = arith.constant 160 : index
    %swap3A_416 = tpu.vector_load %arg8[%swap3A_415] {strides = array<i32>} : memref<512xi32, #tpu.memory_space<vmem>>, vector<16xi32>,
    tpu.vector_store %arg8[%swap3A_415], %select_n3A_414 {strides = array<i32>} : memref<512xi32, #tpu.memory_space<vmem>>, vector<16xi32>,
    %select_n3A_417 = arith.select %and3A_411, %broadcast_in_dim3A_4, %broadcast_in_dim3A_6 : vector<16xi1>, vector<16xi32>
    %swap3A_418 = arith.constant 160 : index
    %swap3A_419 = tpu.vector_load %arg10[%swap3A_418] {strides = array<i32>} : memref<512xi32, #tpu.memory_space<vmem>>, vector<16xi32>,
    tpu.vector_store %arg10[%swap3A_418], %select_n3A_417 {strides = array<i32>} : memref<512xi32, #tpu.memory_space<vmem>>, vector<16xi32>,
    %select_n3A_420 = arith.select %and3A_396, %broadcast_in_dim3A_4, %broadcast_in_dim3A_6 : vector<16xi1>, vector<16xi32>
    %swap3A_421 = arith.constant 160 : index
    %swap3A_422 = tpu.vector_load %arg11[%swap3A_421] {strides = array<i32>} : memref<512xi32, #tpu.memory_space<vmem>>, vector<16xi32>,
    tpu.vector_store %arg11[%swap3A_421], %select_n3A_420 {strides = array<i32>} : memref<512xi32, #tpu.memory_space<vmem>>, vector<16xi32>,
    %all_reduce_population_count3A_423 = tpu.all_reduce %and3A_411 {dim = 0 : i64, kind = #tpu.reduction_kind<sum>} : vector<16xi1> -> vector<16xi32>
    %slice3A_424 = vector.extract_strided_slice %all_reduce_population_count3A_423 {offsets = [0], sizes = [1], strides = [1]} : vector<16xi32> to vector<1xi32>
    %squeeze3A_425 = vector.extract %slice3A_424[0] : i32 from vector<1xi32>
    %add3A_426 = arith.addi %add3A_387, %squeeze3A_425 : i32
    %ne3A_427 = arith.constant 0 : i32
    %ne3A_428 = vector.broadcast %ne3A_427 : i32 to vector<16xi32>
    %ne3A_429 = arith.cmpi ne, %get3A_3, %ne3A_428 : vector<16xi32>
    %get3A_430 = arith.constant 176 : index
    %get3A_431 = tpu.vector_load %arg9[%get3A_430] {strides = array<i32>} : memref<512xi32, #tpu.memory_space<vmem>>, vector<16xi32>,
    %ne3A_432 = arith.constant 0 : i32
    %ne3A_433 = vector.broadcast %ne3A_432 : i32 to vector<16xi32>
    %ne3A_434 = arith.cmpi ne, %get3A_431, %ne3A_433 : vector<16xi32>
    %and3A_435 = arith.andi %ne3A_429, %ne3A_434 : vector<16xi1>
    %get3A_436 = arith.constant 176 : index
    %get3A_437 = tpu.vector_load %arg8[%get3A_436] {strides = array<i32>} : memref<512xi32, #tpu.memory_space<vmem>>, vector<16xi32>,
    %sub3A_438 = arith.constant 0 : i32
    %sub3A_439 = vector.broadcast %sub3A_438 : i32 to vector<16xi32>
    %sub3A_440 = arith.subi %get3A_437, %sub3A_439 : vector<16xi32>
    %not3A_441 = arith.constant dense<true> : vector<16xi1>
    %not3A_442 = arith.xori %and3A_435, %not3A_441 : vector<16xi1>
    %ge3A_443 = arith.constant 0 : i32
    %ge3A_444 = vector.broadcast %ge3A_443 : i32 to vector<16xi32>
    %ge3A_445 = arith.cmpi sge, %sub3A_440, %ge3A_444 : vector<16xi32>
    %and3A_446 = arith.andi %not3A_442, %ge3A_445 : vector<16xi1>
    %lt3A_447 = arith.constant 1000000 : i32
    %lt3A_448 = vector.broadcast %lt3A_447 : i32 to vector<16xi32>
    %lt3A_449 = arith.cmpi slt, %sub3A_440, %lt3A_448 : vector<16xi32>
    %and3A_450 = arith.andi %and3A_446, %lt3A_449 : vector<16xi1>
    %jit3A_451 = arith.constant 0 : i32
    %broadcast_in_dim3A_452 = vector.broadcast %jit3A_451 : i32 to vector<16xi32>
    %select_n3A_453 = arith.select %and3A_450, %sub3A_440, %broadcast_in_dim3A_452 : vector<16xi1>, vector<16xi32>
    %swap3A_454 = arith.constant 176 : index
    %swap3A_455 = tpu.vector_load %arg8[%swap3A_454] {strides = array<i32>} : memref<512xi32, #tpu.memory_space<vmem>>, vector<16xi32>,
    tpu.vector_store %arg8[%swap3A_454], %select_n3A_453 {strides = array<i32>} : memref<512xi32, #tpu.memory_space<vmem>>, vector<16xi32>,
    %select_n3A_456 = arith.select %and3A_450, %broadcast_in_dim3A_4, %broadcast_in_dim3A_6 : vector<16xi1>, vector<16xi32>
    %swap3A_457 = arith.constant 176 : index
    %swap3A_458 = tpu.vector_load %arg10[%swap3A_457] {strides = array<i32>} : memref<512xi32, #tpu.memory_space<vmem>>, vector<16xi32>,
    tpu.vector_store %arg10[%swap3A_457], %select_n3A_456 {strides = array<i32>} : memref<512xi32, #tpu.memory_space<vmem>>, vector<16xi32>,
    %select_n3A_459 = arith.select %and3A_435, %broadcast_in_dim3A_4, %broadcast_in_dim3A_6 : vector<16xi1>, vector<16xi32>
    %swap3A_460 = arith.constant 176 : index
    %swap3A_461 = tpu.vector_load %arg11[%swap3A_460] {strides = array<i32>} : memref<512xi32, #tpu.memory_space<vmem>>, vector<16xi32>,
    tpu.vector_store %arg11[%swap3A_460], %select_n3A_459 {strides = array<i32>} : memref<512xi32, #tpu.memory_space<vmem>>, vector<16xi32>,
    %all_reduce_population_count3A_462 = tpu.all_reduce %and3A_450 {dim = 0 : i64, kind = #tpu.reduction_kind<sum>} : vector<16xi1> -> vector<16xi32>
    %slice3A_463 = vector.extract_strided_slice %all_reduce_population_count3A_462 {offsets = [0], sizes = [1], strides = [1]} : vector<16xi32> to vector<1xi32>
    %squeeze3A_464 = vector.extract %slice3A_463[0] : i32 from vector<1xi32>
    %add3A_465 = arith.addi %add3A_426, %squeeze3A_464 : i32
    %ne3A_466 = arith.constant 0 : i32
    %ne3A_467 = vector.broadcast %ne3A_466 : i32 to vector<16xi32>
    %ne3A_468 = arith.cmpi ne, %get3A_3, %ne3A_467 : vector<16xi32>
    %get3A_469 = arith.constant 192 : index
    %get3A_470 = tpu.vector_load %arg9[%get3A_469] {strides = array<i32>} : memref<512xi32, #tpu.memory_space<vmem>>, vector<16xi32>,
    %ne3A_471 = arith.constant 0 : i32
    %ne3A_472 = vector.broadcast %ne3A_471 : i32 to vector<16xi32>
    %ne3A_473 = arith.cmpi ne, %get3A_470, %ne3A_472 : vector<16xi32>
    %and3A_474 = arith.andi %ne3A_468, %ne3A_473 : vector<16xi1>
    %get3A_475 = arith.constant 192 : index
    %get3A_476 = tpu.vector_load %arg8[%get3A_475] {strides = array<i32>} : memref<512xi32, #tpu.memory_space<vmem>>, vector<16xi32>,
    %sub3A_477 = arith.constant 0 : i32
    %sub3A_478 = vector.broadcast %sub3A_477 : i32 to vector<16xi32>
    %sub3A_479 = arith.subi %get3A_476, %sub3A_478 : vector<16xi32>
    %not3A_480 = arith.constant dense<true> : vector<16xi1>
    %not3A_481 = arith.xori %and3A_474, %not3A_480 : vector<16xi1>
    %ge3A_482 = arith.constant 0 : i32
    %ge3A_483 = vector.broadcast %ge3A_482 : i32 to vector<16xi32>
    %ge3A_484 = arith.cmpi sge, %sub3A_479, %ge3A_483 : vector<16xi32>
    %and3A_485 = arith.andi %not3A_481, %ge3A_484 : vector<16xi1>
    %lt3A_486 = arith.constant 1000000 : i32
    %lt3A_487 = vector.broadcast %lt3A_486 : i32 to vector<16xi32>
    %lt3A_488 = arith.cmpi slt, %sub3A_479, %lt3A_487 : vector<16xi32>
    %and3A_489 = arith.andi %and3A_485, %lt3A_488 : vector<16xi1>
    %jit3A_490 = arith.constant 0 : i32
    %broadcast_in_dim3A_491 = vector.broadcast %jit3A_490 : i32 to vector<16xi32>
    %select_n3A_492 = arith.select %and3A_489, %sub3A_479, %broadcast_in_dim3A_491 : vector<16xi1>, vector<16xi32>
    %swap3A_493 = arith.constant 192 : index
    %swap3A_494 = tpu.vector_load %arg8[%swap3A_493] {strides = array<i32>} : memref<512xi32, #tpu.memory_space<vmem>>, vector<16xi32>,
    tpu.vector_store %arg8[%swap3A_493], %select_n3A_492 {strides = array<i32>} : memref<512xi32, #tpu.memory_space<vmem>>, vector<16xi32>,
    %select_n3A_495 = arith.select %and3A_489, %broadcast_in_dim3A_4, %broadcast_in_dim3A_6 : vector<16xi1>, vector<16xi32>
    %swap3A_496 = arith.constant 192 : index
    %swap3A_497 = tpu.vector_load %arg10[%swap3A_496] {strides = array<i32>} : memref<512xi32, #tpu.memory_space<vmem>>, vector<16xi32>,
    tpu.vector_store %arg10[%swap3A_496], %select_n3A_495 {strides = array<i32>} : memref<512xi32, #tpu.memory_space<vmem>>, vector<16xi32>,
    %select_n3A_498 = arith.select %and3A_474, %broadcast_in_dim3A_4, %broadcast_in_dim3A_6 : vector<16xi1>, vector<16xi32>
    %swap3A_499 = arith.constant 192 : index
    %swap3A_500 = tpu.vector_load %arg11[%swap3A_499] {strides = array<i32>} : memref<512xi32, #tpu.memory_space<vmem>>, vector<16xi32>,
    tpu.vector_store %arg11[%swap3A_499], %select_n3A_498 {strides = array<i32>} : memref<512xi32, #tpu.memory_space<vmem>>, vector<16xi32>,
    %all_reduce_population_count3A_501 = tpu.all_reduce %and3A_489 {dim = 0 : i64, kind = #tpu.reduction_kind<sum>} : vector<16xi1> -> vector<16xi32>
    %slice3A_502 = vector.extract_strided_slice %all_reduce_population_count3A_501 {offsets = [0], sizes = [1], strides = [1]} : vector<16xi32> to vector<1xi32>
    %squeeze3A_503 = vector.extract %slice3A_502[0] : i32 from vector<1xi32>
    %add3A_504 = arith.addi %add3A_465, %squeeze3A_503 : i32
    %ne3A_505 = arith.constant 0 : i32
    %ne3A_506 = vector.broadcast %ne3A_505 : i32 to vector<16xi32>
    %ne3A_507 = arith.cmpi ne, %get3A_3, %ne3A_506 : vector<16xi32>
    %get3A_508 = arith.constant 208 : index
    %get3A_509 = tpu.vector_load %arg9[%get3A_508] {strides = array<i32>} : memref<512xi32, #tpu.memory_space<vmem>>, vector<16xi32>,
    %ne3A_510 = arith.constant 0 : i32
    %ne3A_511 = vector.broadcast %ne3A_510 : i32 to vector<16xi32>
    %ne3A_512 = arith.cmpi ne, %get3A_509, %ne3A_511 : vector<16xi32>
    %and3A_513 = arith.andi %ne3A_507, %ne3A_512 : vector<16xi1>
    %get3A_514 = arith.constant 208 : index
    %get3A_515 = tpu.vector_load %arg8[%get3A_514] {strides = array<i32>} : memref<512xi32, #tpu.memory_space<vmem>>, vector<16xi32>,
    %sub3A_516 = arith.constant 0 : i32
    %sub3A_517 = vector.broadcast %sub3A_516 : i32 to vector<16xi32>
    %sub3A_518 = arith.subi %get3A_515, %sub3A_517 : vector<16xi32>
    %not3A_519 = arith.constant dense<true> : vector<16xi1>
    %not3A_520 = arith.xori %and3A_513, %not3A_519 : vector<16xi1>
    %ge3A_521 = arith.constant 0 : i32
    %ge3A_522 = vector.broadcast %ge3A_521 : i32 to vector<16xi32>
    %ge3A_523 = arith.cmpi sge, %sub3A_518, %ge3A_522 : vector<16xi32>
    %and3A_524 = arith.andi %not3A_520, %ge3A_523 : vector<16xi1>
    %lt3A_525 = arith.constant 1000000 : i32
    %lt3A_526 = vector.broadcast %lt3A_525 : i32 to vector<16xi32>
    %lt3A_527 = arith.cmpi slt, %sub3A_518, %lt3A_526 : vector<16xi32>
    %and3A_528 = arith.andi %and3A_524, %lt3A_527 : vector<16xi1>
    %jit3A_529 = arith.constant 0 : i32
    %broadcast_in_dim3A_530 = vector.broadcast %jit3A_529 : i32 to vector<16xi32>
    %select_n3A_531 = arith.select %and3A_528, %sub3A_518, %broadcast_in_dim3A_530 : vector<16xi1>, vector<16xi32>
    %swap3A_532 = arith.constant 208 : index
    %swap3A_533 = tpu.vector_load %arg8[%swap3A_532] {strides = array<i32>} : memref<512xi32, #tpu.memory_space<vmem>>, vector<16xi32>,
    tpu.vector_store %arg8[%swap3A_532], %select_n3A_531 {strides = array<i32>} : memref<512xi32, #tpu.memory_space<vmem>>, vector<16xi32>,
    %select_n3A_534 = arith.select %and3A_528, %broadcast_in_dim3A_4, %broadcast_in_dim3A_6 : vector<16xi1>, vector<16xi32>
    %swap3A_535 = arith.constant 208 : index
    %swap3A_536 = tpu.vector_load %arg10[%swap3A_535] {strides = array<i32>} : memref<512xi32, #tpu.memory_space<vmem>>, vector<16xi32>,
    tpu.vector_store %arg10[%swap3A_535], %select_n3A_534 {strides = array<i32>} : memref<512xi32, #tpu.memory_space<vmem>>, vector<16xi32>,
    %select_n3A_537 = arith.select %and3A_513, %broadcast_in_dim3A_4, %broadcast_in_dim3A_6 : vector<16xi1>, vector<16xi32>
    %swap3A_538 = arith.constant 208 : index
    %swap3A_539 = tpu.vector_load %arg11[%swap3A_538] {strides = array<i32>} : memref<512xi32, #tpu.memory_space<vmem>>, vector<16xi32>,
    tpu.vector_store %arg11[%swap3A_538], %select_n3A_537 {strides = array<i32>} : memref<512xi32, #tpu.memory_space<vmem>>, vector<16xi32>,
    %all_reduce_population_count3A_540 = tpu.all_reduce %and3A_528 {dim = 0 : i64, kind = #tpu.reduction_kind<sum>} : vector<16xi1> -> vector<16xi32>
    %slice3A_541 = vector.extract_strided_slice %all_reduce_population_count3A_540 {offsets = [0], sizes = [1], strides = [1]} : vector<16xi32> to vector<1xi32>
    %squeeze3A_542 = vector.extract %slice3A_541[0] : i32 from vector<1xi32>
    %add3A_543 = arith.addi %add3A_504, %squeeze3A_542 : i32
    %ne3A_544 = arith.constant 0 : i32
    %ne3A_545 = vector.broadcast %ne3A_544 : i32 to vector<16xi32>
    %ne3A_546 = arith.cmpi ne, %get3A_3, %ne3A_545 : vector<16xi32>
    %get3A_547 = arith.constant 224 : index
    %get3A_548 = tpu.vector_load %arg9[%get3A_547] {strides = array<i32>} : memref<512xi32, #tpu.memory_space<vmem>>, vector<16xi32>,
    %ne3A_549 = arith.constant 0 : i32
    %ne3A_550 = vector.broadcast %ne3A_549 : i32 to vector<16xi32>
    %ne3A_551 = arith.cmpi ne, %get3A_548, %ne3A_550 : vector<16xi32>
    %and3A_552 = arith.andi %ne3A_546, %ne3A_551 : vector<16xi1>
    %get3A_553 = arith.constant 224 : index
    %get3A_554 = tpu.vector_load %arg8[%get3A_553] {strides = array<i32>} : memref<512xi32, #tpu.memory_space<vmem>>, vector<16xi32>,
    %sub3A_555 = arith.constant 0 : i32
    %sub3A_556 = vector.broadcast %sub3A_555 : i32 to vector<16xi32>
    %sub3A_557 = arith.subi %get3A_554, %sub3A_556 : vector<16xi32>
    %not3A_558 = arith.constant dense<true> : vector<16xi1>
    %not3A_559 = arith.xori %and3A_552, %not3A_558 : vector<16xi1>
    %ge3A_560 = arith.constant 0 : i32
    %ge3A_561 = vector.broadcast %ge3A_560 : i32 to vector<16xi32>
    %ge3A_562 = arith.cmpi sge, %sub3A_557, %ge3A_561 : vector<16xi32>
    %and3A_563 = arith.andi %not3A_559, %ge3A_562 : vector<16xi1>
    %lt3A_564 = arith.constant 1000000 : i32
    %lt3A_565 = vector.broadcast %lt3A_564 : i32 to vector<16xi32>
    %lt3A_566 = arith.cmpi slt, %sub3A_557, %lt3A_565 : vector<16xi32>
    %and3A_567 = arith.andi %and3A_563, %lt3A_566 : vector<16xi1>
    %jit3A_568 = arith.constant 0 : i32
    %broadcast_in_dim3A_569 = vector.broadcast %jit3A_568 : i32 to vector<16xi32>
    %select_n3A_570 = arith.select %and3A_567, %sub3A_557, %broadcast_in_dim3A_569 : vector<16xi1>, vector<16xi32>
    %swap3A_571 = arith.constant 224 : index
    %swap3A_572 = tpu.vector_load %arg8[%swap3A_571] {strides = array<i32>} : memref<512xi32, #tpu.memory_space<vmem>>, vector<16xi32>,
    tpu.vector_store %arg8[%swap3A_571], %select_n3A_570 {strides = array<i32>} : memref<512xi32, #tpu.memory_space<vmem>>, vector<16xi32>,
    %select_n3A_573 = arith.select %and3A_567, %broadcast_in_dim3A_4, %broadcast_in_dim3A_6 : vector<16xi1>, vector<16xi32>
    %swap3A_574 = arith.constant 224 : index
    %swap3A_575 = tpu.vector_load %arg10[%swap3A_574] {strides = array<i32>} : memref<512xi32, #tpu.memory_space<vmem>>, vector<16xi32>,
    tpu.vector_store %arg10[%swap3A_574], %select_n3A_573 {strides = array<i32>} : memref<512xi32, #tpu.memory_space<vmem>>, vector<16xi32>,
    %select_n3A_576 = arith.select %and3A_552, %broadcast_in_dim3A_4, %broadcast_in_dim3A_6 : vector<16xi1>, vector<16xi32>
    %swap3A_577 = arith.constant 224 : index
    %swap3A_578 = tpu.vector_load %arg11[%swap3A_577] {strides = array<i32>} : memref<512xi32, #tpu.memory_space<vmem>>, vector<16xi32>,
    tpu.vector_store %arg11[%swap3A_577], %select_n3A_576 {strides = array<i32>} : memref<512xi32, #tpu.memory_space<vmem>>, vector<16xi32>,
    %all_reduce_population_count3A_579 = tpu.all_reduce %and3A_567 {dim = 0 : i64, kind = #tpu.reduction_kind<sum>} : vector<16xi1> -> vector<16xi32>
    %slice3A_580 = vector.extract_strided_slice %all_reduce_population_count3A_579 {offsets = [0], sizes = [1], strides = [1]} : vector<16xi32> to vector<1xi32>
    %squeeze3A_581 = vector.extract %slice3A_580[0] : i32 from vector<1xi32>
    %add3A_582 = arith.addi %add3A_543, %squeeze3A_581 : i32
    %ne3A_583 = arith.constant 0 : i32
    %ne3A_584 = vector.broadcast %ne3A_583 : i32 to vector<16xi32>
    %ne3A_585 = arith.cmpi ne, %get3A_3, %ne3A_584 : vector<16xi32>
    %get3A_586 = arith.constant 240 : index
    %get3A_587 = tpu.vector_load %arg9[%get3A_586] {strides = array<i32>} : memref<512xi32, #tpu.memory_space<vmem>>, vector<16xi32>,
    %ne3A_588 = arith.constant 0 : i32
    %ne3A_589 = vector.broadcast %ne3A_588 : i32 to vector<16xi32>
    %ne3A_590 = arith.cmpi ne, %get3A_587, %ne3A_589 : vector<16xi32>
    %and3A_591 = arith.andi %ne3A_585, %ne3A_590 : vector<16xi1>
    %get3A_592 = arith.constant 240 : index
    %get3A_593 = tpu.vector_load %arg8[%get3A_592] {strides = array<i32>} : memref<512xi32, #tpu.memory_space<vmem>>, vector<16xi32>,
    %sub3A_594 = arith.constant 0 : i32
    %sub3A_595 = vector.broadcast %sub3A_594 : i32 to vector<16xi32>
    %sub3A_596 = arith.subi %get3A_593, %sub3A_595 : vector<16xi32>
    %not3A_597 = arith.constant dense<true> : vector<16xi1>
    %not3A_598 = arith.xori %and3A_591, %not3A_597 : vector<16xi1>
    %ge3A_599 = arith.constant 0 : i32
    %ge3A_600 = vector.broadcast %ge3A_599 : i32 to vector<16xi32>
    %ge3A_601 = arith.cmpi sge, %sub3A_596, %ge3A_600 : vector<16xi32>
    %and3A_602 = arith.andi %not3A_598, %ge3A_601 : vector<16xi1>
    %lt3A_603 = arith.constant 1000000 : i32
    %lt3A_604 = vector.broadcast %lt3A_603 : i32 to vector<16xi32>
    %lt3A_605 = arith.cmpi slt, %sub3A_596, %lt3A_604 : vector<16xi32>
    %and3A_606 = arith.andi %and3A_602, %lt3A_605 : vector<16xi1>
    %jit3A_607 = arith.constant 0 : i32
    %broadcast_in_dim3A_608 = vector.broadcast %jit3A_607 : i32 to vector<16xi32>
    %select_n3A_609 = arith.select %and3A_606, %sub3A_596, %broadcast_in_dim3A_608 : vector<16xi1>, vector<16xi32>
    %swap3A_610 = arith.constant 240 : index
    %swap3A_611 = tpu.vector_load %arg8[%swap3A_610] {strides = array<i32>} : memref<512xi32, #tpu.memory_space<vmem>>, vector<16xi32>,
    tpu.vector_store %arg8[%swap3A_610], %select_n3A_609 {strides = array<i32>} : memref<512xi32, #tpu.memory_space<vmem>>, vector<16xi32>,
    %select_n3A_612 = arith.select %and3A_606, %broadcast_in_dim3A_4, %broadcast_in_dim3A_6 : vector<16xi1>, vector<16xi32>
    %swap3A_613 = arith.constant 240 : index
    %swap3A_614 = tpu.vector_load %arg10[%swap3A_613] {strides = array<i32>} : memref<512xi32, #tpu.memory_space<vmem>>, vector<16xi32>,
    tpu.vector_store %arg10[%swap3A_613], %select_n3A_612 {strides = array<i32>} : memref<512xi32, #tpu.memory_space<vmem>>, vector<16xi32>,
    %select_n3A_615 = arith.select %and3A_591, %broadcast_in_dim3A_4, %broadcast_in_dim3A_6 : vector<16xi1>, vector<16xi32>
    %swap3A_616 = arith.constant 240 : index
    %swap3A_617 = tpu.vector_load %arg11[%swap3A_616] {strides = array<i32>} : memref<512xi32, #tpu.memory_space<vmem>>, vector<16xi32>,
    tpu.vector_store %arg11[%swap3A_616], %select_n3A_615 {strides = array<i32>} : memref<512xi32, #tpu.memory_space<vmem>>, vector<16xi32>,
    %all_reduce_population_count3A_618 = tpu.all_reduce %and3A_606 {dim = 0 : i64, kind = #tpu.reduction_kind<sum>} : vector<16xi1> -> vector<16xi32>
    %slice3A_619 = vector.extract_strided_slice %all_reduce_population_count3A_618 {offsets = [0], sizes = [1], strides = [1]} : vector<16xi32> to vector<1xi32>
    %squeeze3A_620 = vector.extract %slice3A_619[0] : i32 from vector<1xi32>
    %add3A_621 = arith.addi %add3A_582, %squeeze3A_620 : i32
    %ne3A_622 = arith.constant 0 : i32
    %ne3A_623 = vector.broadcast %ne3A_622 : i32 to vector<16xi32>
    %ne3A_624 = arith.cmpi ne, %get3A_3, %ne3A_623 : vector<16xi32>
    %get3A_625 = arith.constant 256 : index
    %get3A_626 = tpu.vector_load %arg9[%get3A_625] {strides = array<i32>} : memref<512xi32, #tpu.memory_space<vmem>>, vector<16xi32>,
    %ne3A_627 = arith.constant 0 : i32
    %ne3A_628 = vector.broadcast %ne3A_627 : i32 to vector<16xi32>
    %ne3A_629 = arith.cmpi ne, %get3A_626, %ne3A_628 : vector<16xi32>
    %and3A_630 = arith.andi %ne3A_624, %ne3A_629 : vector<16xi1>
    %get3A_631 = arith.constant 256 : index
    %get3A_632 = tpu.vector_load %arg8[%get3A_631] {strides = array<i32>} : memref<512xi32, #tpu.memory_space<vmem>>, vector<16xi32>,
    %sub3A_633 = arith.constant 0 : i32
    %sub3A_634 = vector.broadcast %sub3A_633 : i32 to vector<16xi32>
    %sub3A_635 = arith.subi %get3A_632, %sub3A_634 : vector<16xi32>
    %not3A_636 = arith.constant dense<true> : vector<16xi1>
    %not3A_637 = arith.xori %and3A_630, %not3A_636 : vector<16xi1>
    %ge3A_638 = arith.constant 0 : i32
    %ge3A_639 = vector.broadcast %ge3A_638 : i32 to vector<16xi32>
    %ge3A_640 = arith.cmpi sge, %sub3A_635, %ge3A_639 : vector<16xi32>
    %and3A_641 = arith.andi %not3A_637, %ge3A_640 : vector<16xi1>
    %lt3A_642 = arith.constant 1000000 : i32
    %lt3A_643 = vector.broadcast %lt3A_642 : i32 to vector<16xi32>
    %lt3A_644 = arith.cmpi slt, %sub3A_635, %lt3A_643 : vector<16xi32>
    %and3A_645 = arith.andi %and3A_641, %lt3A_644 : vector<16xi1>
    %jit3A_646 = arith.constant 0 : i32
    %broadcast_in_dim3A_647 = vector.broadcast %jit3A_646 : i32 to vector<16xi32>
    %select_n3A_648 = arith.select %and3A_645, %sub3A_635, %broadcast_in_dim3A_647 : vector<16xi1>, vector<16xi32>
    %swap3A_649 = arith.constant 256 : index
    %swap3A_650 = tpu.vector_load %arg8[%swap3A_649] {strides = array<i32>} : memref<512xi32, #tpu.memory_space<vmem>>, vector<16xi32>,
    tpu.vector_store %arg8[%swap3A_649], %select_n3A_648 {strides = array<i32>} : memref<512xi32, #tpu.memory_space<vmem>>, vector<16xi32>,
    %select_n3A_651 = arith.select %and3A_645, %broadcast_in_dim3A_4, %broadcast_in_dim3A_6 : vector<16xi1>, vector<16xi32>
    %swap3A_652 = arith.constant 256 : index
    %swap3A_653 = tpu.vector_load %arg10[%swap3A_652] {strides = array<i32>} : memref<512xi32, #tpu.memory_space<vmem>>, vector<16xi32>,
    tpu.vector_store %arg10[%swap3A_652], %select_n3A_651 {strides = array<i32>} : memref<512xi32, #tpu.memory_space<vmem>>, vector<16xi32>,
    %select_n3A_654 = arith.select %and3A_630, %broadcast_in_dim3A_4, %broadcast_in_dim3A_6 : vector<16xi1>, vector<16xi32>
    %swap3A_655 = arith.constant 256 : index
    %swap3A_656 = tpu.vector_load %arg11[%swap3A_655] {strides = array<i32>} : memref<512xi32, #tpu.memory_space<vmem>>, vector<16xi32>,
    tpu.vector_store %arg11[%swap3A_655], %select_n3A_654 {strides = array<i32>} : memref<512xi32, #tpu.memory_space<vmem>>, vector<16xi32>,
    %all_reduce_population_count3A_657 = tpu.all_reduce %and3A_645 {dim = 0 : i64, kind = #tpu.reduction_kind<sum>} : vector<16xi1> -> vector<16xi32>
    %slice3A_658 = vector.extract_strided_slice %all_reduce_population_count3A_657 {offsets = [0], sizes = [1], strides = [1]} : vector<16xi32> to vector<1xi32>
    %squeeze3A_659 = vector.extract %slice3A_658[0] : i32 from vector<1xi32>
    %add3A_660 = arith.addi %add3A_621, %squeeze3A_659 : i32
    %ne3A_661 = arith.constant 0 : i32
    %ne3A_662 = vector.broadcast %ne3A_661 : i32 to vector<16xi32>
    %ne3A_663 = arith.cmpi ne, %get3A_3, %ne3A_662 : vector<16xi32>
    %get3A_664 = arith.constant 272 : index
    %get3A_665 = tpu.vector_load %arg9[%get3A_664] {strides = array<i32>} : memref<512xi32, #tpu.memory_space<vmem>>, vector<16xi32>,
    %ne3A_666 = arith.constant 0 : i32
    %ne3A_667 = vector.broadcast %ne3A_666 : i32 to vector<16xi32>
    %ne3A_668 = arith.cmpi ne, %get3A_665, %ne3A_667 : vector<16xi32>
    %and3A_669 = arith.andi %ne3A_663, %ne3A_668 : vector<16xi1>
    %get3A_670 = arith.constant 272 : index
    %get3A_671 = tpu.vector_load %arg8[%get3A_670] {strides = array<i32>} : memref<512xi32, #tpu.memory_space<vmem>>, vector<16xi32>,
    %sub3A_672 = arith.constant 0 : i32
    %sub3A_673 = vector.broadcast %sub3A_672 : i32 to vector<16xi32>
    %sub3A_674 = arith.subi %get3A_671, %sub3A_673 : vector<16xi32>
    %not3A_675 = arith.constant dense<true> : vector<16xi1>
    %not3A_676 = arith.xori %and3A_669, %not3A_675 : vector<16xi1>
    %ge3A_677 = arith.constant 0 : i32
    %ge3A_678 = vector.broadcast %ge3A_677 : i32 to vector<16xi32>
    %ge3A_679 = arith.cmpi sge, %sub3A_674, %ge3A_678 : vector<16xi32>
    %and3A_680 = arith.andi %not3A_676, %ge3A_679 : vector<16xi1>
    %lt3A_681 = arith.constant 1000000 : i32
    %lt3A_682 = vector.broadcast %lt3A_681 : i32 to vector<16xi32>
    %lt3A_683 = arith.cmpi slt, %sub3A_674, %lt3A_682 : vector<16xi32>
    %and3A_684 = arith.andi %and3A_680, %lt3A_683 : vector<16xi1>
    %jit3A_685 = arith.constant 0 : i32
    %broadcast_in_dim3A_686 = vector.broadcast %jit3A_685 : i32 to vector<16xi32>
    %select_n3A_687 = arith.select %and3A_684, %sub3A_674, %broadcast_in_dim3A_686 : vector<16xi1>, vector<16xi32>
    %swap3A_688 = arith.constant 272 : index
    %swap3A_689 = tpu.vector_load %arg8[%swap3A_688] {strides = array<i32>} : memref<512xi32, #tpu.memory_space<vmem>>, vector<16xi32>,
    tpu.vector_store %arg8[%swap3A_688], %select_n3A_687 {strides = array<i32>} : memref<512xi32, #tpu.memory_space<vmem>>, vector<16xi32>,
    %select_n3A_690 = arith.select %and3A_684, %broadcast_in_dim3A_4, %broadcast_in_dim3A_6 : vector<16xi1>, vector<16xi32>
    %swap3A_691 = arith.constant 272 : index
    %swap3A_692 = tpu.vector_load %arg10[%swap3A_691] {strides = array<i32>} : memref<512xi32, #tpu.memory_space<vmem>>, vector<16xi32>,
    tpu.vector_store %arg10[%swap3A_691], %select_n3A_690 {strides = array<i32>} : memref<512xi32, #tpu.memory_space<vmem>>, vector<16xi32>,
    %select_n3A_693 = arith.select %and3A_669, %broadcast_in_dim3A_4, %broadcast_in_dim3A_6 : vector<16xi1>, vector<16xi32>
    %swap3A_694 = arith.constant 272 : index
    %swap3A_695 = tpu.vector_load %arg11[%swap3A_694] {strides = array<i32>} : memref<512xi32, #tpu.memory_space<vmem>>, vector<16xi32>,
    tpu.vector_store %arg11[%swap3A_694], %select_n3A_693 {strides = array<i32>} : memref<512xi32, #tpu.memory_space<vmem>>, vector<16xi32>,
    %all_reduce_population_count3A_696 = tpu.all_reduce %and3A_684 {dim = 0 : i64, kind = #tpu.reduction_kind<sum>} : vector<16xi1> -> vector<16xi32>
    %slice3A_697 = vector.extract_strided_slice %all_reduce_population_count3A_696 {offsets = [0], sizes = [1], strides = [1]} : vector<16xi32> to vector<1xi32>
    %squeeze3A_698 = vector.extract %slice3A_697[0] : i32 from vector<1xi32>
    %add3A_699 = arith.addi %add3A_660, %squeeze3A_698 : i32
    %ne3A_700 = arith.constant 0 : i32
    %ne3A_701 = vector.broadcast %ne3A_700 : i32 to vector<16xi32>
    %ne3A_702 = arith.cmpi ne, %get3A_3, %ne3A_701 : vector<16xi32>
    %get3A_703 = arith.constant 288 : index
    %get3A_704 = tpu.vector_load %arg9[%get3A_703] {strides = array<i32>} : memref<512xi32, #tpu.memory_space<vmem>>, vector<16xi32>,
    %ne3A_705 = arith.constant 0 : i32
    %ne3A_706 = vector.broadcast %ne3A_705 : i32 to vector<16xi32>
    %ne3A_707 = arith.cmpi ne, %get3A_704, %ne3A_706 : vector<16xi32>
    %and3A_708 = arith.andi %ne3A_702, %ne3A_707 : vector<16xi1>
    %get3A_709 = arith.constant 288 : index
    %get3A_710 = tpu.vector_load %arg8[%get3A_709] {strides = array<i32>} : memref<512xi32, #tpu.memory_space<vmem>>, vector<16xi32>,
    %sub3A_711 = arith.constant 0 : i32
    %sub3A_712 = vector.broadcast %sub3A_711 : i32 to vector<16xi32>
    %sub3A_713 = arith.subi %get3A_710, %sub3A_712 : vector<16xi32>
    %not3A_714 = arith.constant dense<true> : vector<16xi1>
    %not3A_715 = arith.xori %and3A_708, %not3A_714 : vector<16xi1>
    %ge3A_716 = arith.constant 0 : i32
    %ge3A_717 = vector.broadcast %ge3A_716 : i32 to vector<16xi32>
    %ge3A_718 = arith.cmpi sge, %sub3A_713, %ge3A_717 : vector<16xi32>
    %and3A_719 = arith.andi %not3A_715, %ge3A_718 : vector<16xi1>
    %lt3A_720 = arith.constant 1000000 : i32
    %lt3A_721 = vector.broadcast %lt3A_720 : i32 to vector<16xi32>
    %lt3A_722 = arith.cmpi slt, %sub3A_713, %lt3A_721 : vector<16xi32>
    %and3A_723 = arith.andi %and3A_719, %lt3A_722 : vector<16xi1>
    %jit3A_724 = arith.constant 0 : i32
    %broadcast_in_dim3A_725 = vector.broadcast %jit3A_724 : i32 to vector<16xi32>
    %select_n3A_726 = arith.select %and3A_723, %sub3A_713, %broadcast_in_dim3A_725 : vector<16xi1>, vector<16xi32>
    %swap3A_727 = arith.constant 288 : index
    %swap3A_728 = tpu.vector_load %arg8[%swap3A_727] {strides = array<i32>} : memref<512xi32, #tpu.memory_space<vmem>>, vector<16xi32>,
    tpu.vector_store %arg8[%swap3A_727], %select_n3A_726 {strides = array<i32>} : memref<512xi32, #tpu.memory_space<vmem>>, vector<16xi32>,
    %select_n3A_729 = arith.select %and3A_723, %broadcast_in_dim3A_4, %broadcast_in_dim3A_6 : vector<16xi1>, vector<16xi32>
    %swap3A_730 = arith.constant 288 : index
    %swap3A_731 = tpu.vector_load %arg10[%swap3A_730] {strides = array<i32>} : memref<512xi32, #tpu.memory_space<vmem>>, vector<16xi32>,
    tpu.vector_store %arg10[%swap3A_730], %select_n3A_729 {strides = array<i32>} : memref<512xi32, #tpu.memory_space<vmem>>, vector<16xi32>,
    %select_n3A_732 = arith.select %and3A_708, %broadcast_in_dim3A_4, %broadcast_in_dim3A_6 : vector<16xi1>, vector<16xi32>
    %swap3A_733 = arith.constant 288 : index
    %swap3A_734 = tpu.vector_load %arg11[%swap3A_733] {strides = array<i32>} : memref<512xi32, #tpu.memory_space<vmem>>, vector<16xi32>,
    tpu.vector_store %arg11[%swap3A_733], %select_n3A_732 {strides = array<i32>} : memref<512xi32, #tpu.memory_space<vmem>>, vector<16xi32>,
    %all_reduce_population_count3A_735 = tpu.all_reduce %and3A_723 {dim = 0 : i64, kind = #tpu.reduction_kind<sum>} : vector<16xi1> -> vector<16xi32>
    %slice3A_736 = vector.extract_strided_slice %all_reduce_population_count3A_735 {offsets = [0], sizes = [1], strides = [1]} : vector<16xi32> to vector<1xi32>
    %squeeze3A_737 = vector.extract %slice3A_736[0] : i32 from vector<1xi32>
    %add3A_738 = arith.addi %add3A_699, %squeeze3A_737 : i32
    %ne3A_739 = arith.constant 0 : i32
    %ne3A_740 = vector.broadcast %ne3A_739 : i32 to vector<16xi32>
    %ne3A_741 = arith.cmpi ne, %get3A_3, %ne3A_740 : vector<16xi32>
    %get3A_742 = arith.constant 304 : index
    %get3A_743 = tpu.vector_load %arg9[%get3A_742] {strides = array<i32>} : memref<512xi32, #tpu.memory_space<vmem>>, vector<16xi32>,
    %ne3A_744 = arith.constant 0 : i32
    %ne3A_745 = vector.broadcast %ne3A_744 : i32 to vector<16xi32>
    %ne3A_746 = arith.cmpi ne, %get3A_743, %ne3A_745 : vector<16xi32>
    %and3A_747 = arith.andi %ne3A_741, %ne3A_746 : vector<16xi1>
    %get3A_748 = arith.constant 304 : index
    %get3A_749 = tpu.vector_load %arg8[%get3A_748] {strides = array<i32>} : memref<512xi32, #tpu.memory_space<vmem>>, vector<16xi32>,
    %sub3A_750 = arith.constant 0 : i32
    %sub3A_751 = vector.broadcast %sub3A_750 : i32 to vector<16xi32>
    %sub3A_752 = arith.subi %get3A_749, %sub3A_751 : vector<16xi32>
    %not3A_753 = arith.constant dense<true> : vector<16xi1>
    %not3A_754 = arith.xori %and3A_747, %not3A_753 : vector<16xi1>
    %ge3A_755 = arith.constant 0 : i32
    %ge3A_756 = vector.broadcast %ge3A_755 : i32 to vector<16xi32>
    %ge3A_757 = arith.cmpi sge, %sub3A_752, %ge3A_756 : vector<16xi32>
    %and3A_758 = arith.andi %not3A_754, %ge3A_757 : vector<16xi1>
    %lt3A_759 = arith.constant 1000000 : i32
    %lt3A_760 = vector.broadcast %lt3A_759 : i32 to vector<16xi32>
    %lt3A_761 = arith.cmpi slt, %sub3A_752, %lt3A_760 : vector<16xi32>
    %and3A_762 = arith.andi %and3A_758, %lt3A_761 : vector<16xi1>
    %jit3A_763 = arith.constant 0 : i32
    %broadcast_in_dim3A_764 = vector.broadcast %jit3A_763 : i32 to vector<16xi32>
    %select_n3A_765 = arith.select %and3A_762, %sub3A_752, %broadcast_in_dim3A_764 : vector<16xi1>, vector<16xi32>
    %swap3A_766 = arith.constant 304 : index
    %swap3A_767 = tpu.vector_load %arg8[%swap3A_766] {strides = array<i32>} : memref<512xi32, #tpu.memory_space<vmem>>, vector<16xi32>,
    tpu.vector_store %arg8[%swap3A_766], %select_n3A_765 {strides = array<i32>} : memref<512xi32, #tpu.memory_space<vmem>>, vector<16xi32>,
    %select_n3A_768 = arith.select %and3A_762, %broadcast_in_dim3A_4, %broadcast_in_dim3A_6 : vector<16xi1>, vector<16xi32>
    %swap3A_769 = arith.constant 304 : index
    %swap3A_770 = tpu.vector_load %arg10[%swap3A_769] {strides = array<i32>} : memref<512xi32, #tpu.memory_space<vmem>>, vector<16xi32>,
    tpu.vector_store %arg10[%swap3A_769], %select_n3A_768 {strides = array<i32>} : memref<512xi32, #tpu.memory_space<vmem>>, vector<16xi32>,
    %select_n3A_771 = arith.select %and3A_747, %broadcast_in_dim3A_4, %broadcast_in_dim3A_6 : vector<16xi1>, vector<16xi32>
    %swap3A_772 = arith.constant 304 : index
    %swap3A_773 = tpu.vector_load %arg11[%swap3A_772] {strides = array<i32>} : memref<512xi32, #tpu.memory_space<vmem>>, vector<16xi32>,
    tpu.vector_store %arg11[%swap3A_772], %select_n3A_771 {strides = array<i32>} : memref<512xi32, #tpu.memory_space<vmem>>, vector<16xi32>,
    %all_reduce_population_count3A_774 = tpu.all_reduce %and3A_762 {dim = 0 : i64, kind = #tpu.reduction_kind<sum>} : vector<16xi1> -> vector<16xi32>
    %slice3A_775 = vector.extract_strided_slice %all_reduce_population_count3A_774 {offsets = [0], sizes = [1], strides = [1]} : vector<16xi32> to vector<1xi32>
    %squeeze3A_776 = vector.extract %slice3A_775[0] : i32 from vector<1xi32>
    %add3A_777 = arith.addi %add3A_738, %squeeze3A_776 : i32
    %ne3A_778 = arith.constant 0 : i32
    %ne3A_779 = vector.broadcast %ne3A_778 : i32 to vector<16xi32>
    %ne3A_780 = arith.cmpi ne, %get3A_3, %ne3A_779 : vector<16xi32>
    %get3A_781 = arith.constant 320 : index
    %get3A_782 = tpu.vector_load %arg9[%get3A_781] {strides = array<i32>} : memref<512xi32, #tpu.memory_space<vmem>>, vector<16xi32>,
    %ne3A_783 = arith.constant 0 : i32
    %ne3A_784 = vector.broadcast %ne3A_783 : i32 to vector<16xi32>
    %ne3A_785 = arith.cmpi ne, %get3A_782, %ne3A_784 : vector<16xi32>
    %and3A_786 = arith.andi %ne3A_780, %ne3A_785 : vector<16xi1>
    %get3A_787 = arith.constant 320 : index
    %get3A_788 = tpu.vector_load %arg8[%get3A_787] {strides = array<i32>} : memref<512xi32, #tpu.memory_space<vmem>>, vector<16xi32>,
    %sub3A_789 = arith.constant 0 : i32
    %sub3A_790 = vector.broadcast %sub3A_789 : i32 to vector<16xi32>
    %sub3A_791 = arith.subi %get3A_788, %sub3A_790 : vector<16xi32>
    %not3A_792 = arith.constant dense<true> : vector<16xi1>
    %not3A_793 = arith.xori %and3A_786, %not3A_792 : vector<16xi1>
    %ge3A_794 = arith.constant 0 : i32
    %ge3A_795 = vector.broadcast %ge3A_794 : i32 to vector<16xi32>
    %ge3A_796 = arith.cmpi sge, %sub3A_791, %ge3A_795 : vector<16xi32>
    %and3A_797 = arith.andi %not3A_793, %ge3A_796 : vector<16xi1>
    %lt3A_798 = arith.constant 1000000 : i32
    %lt3A_799 = vector.broadcast %lt3A_798 : i32 to vector<16xi32>
    %lt3A_800 = arith.cmpi slt, %sub3A_791, %lt3A_799 : vector<16xi32>
    %and3A_801 = arith.andi %and3A_797, %lt3A_800 : vector<16xi1>
    %jit3A_802 = arith.constant 0 : i32
    %broadcast_in_dim3A_803 = vector.broadcast %jit3A_802 : i32 to vector<16xi32>
    %select_n3A_804 = arith.select %and3A_801, %sub3A_791, %broadcast_in_dim3A_803 : vector<16xi1>, vector<16xi32>
    %swap3A_805 = arith.constant 320 : index
    %swap3A_806 = tpu.vector_load %arg8[%swap3A_805] {strides = array<i32>} : memref<512xi32, #tpu.memory_space<vmem>>, vector<16xi32>,
    tpu.vector_store %arg8[%swap3A_805], %select_n3A_804 {strides = array<i32>} : memref<512xi32, #tpu.memory_space<vmem>>, vector<16xi32>,
    %select_n3A_807 = arith.select %and3A_801, %broadcast_in_dim3A_4, %broadcast_in_dim3A_6 : vector<16xi1>, vector<16xi32>
    %swap3A_808 = arith.constant 320 : index
    %swap3A_809 = tpu.vector_load %arg10[%swap3A_808] {strides = array<i32>} : memref<512xi32, #tpu.memory_space<vmem>>, vector<16xi32>,
    tpu.vector_store %arg10[%swap3A_808], %select_n3A_807 {strides = array<i32>} : memref<512xi32, #tpu.memory_space<vmem>>, vector<16xi32>,
    %select_n3A_810 = arith.select %and3A_786, %broadcast_in_dim3A_4, %broadcast_in_dim3A_6 : vector<16xi1>, vector<16xi32>
    %swap3A_811 = arith.constant 320 : index
    %swap3A_812 = tpu.vector_load %arg11[%swap3A_811] {strides = array<i32>} : memref<512xi32, #tpu.memory_space<vmem>>, vector<16xi32>,
    tpu.vector_store %arg11[%swap3A_811], %select_n3A_810 {strides = array<i32>} : memref<512xi32, #tpu.memory_space<vmem>>, vector<16xi32>,
    %all_reduce_population_count3A_813 = tpu.all_reduce %and3A_801 {dim = 0 : i64, kind = #tpu.reduction_kind<sum>} : vector<16xi1> -> vector<16xi32>
    %slice3A_814 = vector.extract_strided_slice %all_reduce_population_count3A_813 {offsets = [0], sizes = [1], strides = [1]} : vector<16xi32> to vector<1xi32>
    %squeeze3A_815 = vector.extract %slice3A_814[0] : i32 from vector<1xi32>
    %add3A_816 = arith.addi %add3A_777, %squeeze3A_815 : i32
    %ne3A_817 = arith.constant 0 : i32
    %ne3A_818 = vector.broadcast %ne3A_817 : i32 to vector<16xi32>
    %ne3A_819 = arith.cmpi ne, %get3A_3, %ne3A_818 : vector<16xi32>
    %get3A_820 = arith.constant 336 : index
    %get3A_821 = tpu.vector_load %arg9[%get3A_820] {strides = array<i32>} : memref<512xi32, #tpu.memory_space<vmem>>, vector<16xi32>,
    %ne3A_822 = arith.constant 0 : i32
    %ne3A_823 = vector.broadcast %ne3A_822 : i32 to vector<16xi32>
    %ne3A_824 = arith.cmpi ne, %get3A_821, %ne3A_823 : vector<16xi32>
    %and3A_825 = arith.andi %ne3A_819, %ne3A_824 : vector<16xi1>
    %get3A_826 = arith.constant 336 : index
    %get3A_827 = tpu.vector_load %arg8[%get3A_826] {strides = array<i32>} : memref<512xi32, #tpu.memory_space<vmem>>, vector<16xi32>,
    %sub3A_828 = arith.constant 0 : i32
    %sub3A_829 = vector.broadcast %sub3A_828 : i32 to vector<16xi32>
    %sub3A_830 = arith.subi %get3A_827, %sub3A_829 : vector<16xi32>
    %not3A_831 = arith.constant dense<true> : vector<16xi1>
    %not3A_832 = arith.xori %and3A_825, %not3A_831 : vector<16xi1>
    %ge3A_833 = arith.constant 0 : i32
    %ge3A_834 = vector.broadcast %ge3A_833 : i32 to vector<16xi32>
    %ge3A_835 = arith.cmpi sge, %sub3A_830, %ge3A_834 : vector<16xi32>
    %and3A_836 = arith.andi %not3A_832, %ge3A_835 : vector<16xi1>
    %lt3A_837 = arith.constant 1000000 : i32
    %lt3A_838 = vector.broadcast %lt3A_837 : i32 to vector<16xi32>
    %lt3A_839 = arith.cmpi slt, %sub3A_830, %lt3A_838 : vector<16xi32>
    %and3A_840 = arith.andi %and3A_836, %lt3A_839 : vector<16xi1>
    %jit3A_841 = arith.constant 0 : i32
    %broadcast_in_dim3A_842 = vector.broadcast %jit3A_841 : i32 to vector<16xi32>
    %select_n3A_843 = arith.select %and3A_840, %sub3A_830, %broadcast_in_dim3A_842 : vector<16xi1>, vector<16xi32>
    %swap3A_844 = arith.constant 336 : index
    %swap3A_845 = tpu.vector_load %arg8[%swap3A_844] {strides = array<i32>} : memref<512xi32, #tpu.memory_space<vmem>>, vector<16xi32>,
    tpu.vector_store %arg8[%swap3A_844], %select_n3A_843 {strides = array<i32>} : memref<512xi32, #tpu.memory_space<vmem>>, vector<16xi32>,
    %select_n3A_846 = arith.select %and3A_840, %broadcast_in_dim3A_4, %broadcast_in_dim3A_6 : vector<16xi1>, vector<16xi32>
    %swap3A_847 = arith.constant 336 : index
    %swap3A_848 = tpu.vector_load %arg10[%swap3A_847] {strides = array<i32>} : memref<512xi32, #tpu.memory_space<vmem>>, vector<16xi32>,
    tpu.vector_store %arg10[%swap3A_847], %select_n3A_846 {strides = array<i32>} : memref<512xi32, #tpu.memory_space<vmem>>, vector<16xi32>,
    %select_n3A_849 = arith.select %and3A_825, %broadcast_in_dim3A_4, %broadcast_in_dim3A_6 : vector<16xi1>, vector<16xi32>
    %swap3A_850 = arith.constant 336 : index
    %swap3A_851 = tpu.vector_load %arg11[%swap3A_850] {strides = array<i32>} : memref<512xi32, #tpu.memory_space<vmem>>, vector<16xi32>,
    tpu.vector_store %arg11[%swap3A_850], %select_n3A_849 {strides = array<i32>} : memref<512xi32, #tpu.memory_space<vmem>>, vector<16xi32>,
    %all_reduce_population_count3A_852 = tpu.all_reduce %and3A_840 {dim = 0 : i64, kind = #tpu.reduction_kind<sum>} : vector<16xi1> -> vector<16xi32>
    %slice3A_853 = vector.extract_strided_slice %all_reduce_population_count3A_852 {offsets = [0], sizes = [1], strides = [1]} : vector<16xi32> to vector<1xi32>
    %squeeze3A_854 = vector.extract %slice3A_853[0] : i32 from vector<1xi32>
    %add3A_855 = arith.addi %add3A_816, %squeeze3A_854 : i32
    %ne3A_856 = arith.constant 0 : i32
    %ne3A_857 = vector.broadcast %ne3A_856 : i32 to vector<16xi32>
    %ne3A_858 = arith.cmpi ne, %get3A_3, %ne3A_857 : vector<16xi32>
    %get3A_859 = arith.constant 352 : index
    %get3A_860 = tpu.vector_load %arg9[%get3A_859] {strides = array<i32>} : memref<512xi32, #tpu.memory_space<vmem>>, vector<16xi32>,
    %ne3A_861 = arith.constant 0 : i32
    %ne3A_862 = vector.broadcast %ne3A_861 : i32 to vector<16xi32>
    %ne3A_863 = arith.cmpi ne, %get3A_860, %ne3A_862 : vector<16xi32>
    %and3A_864 = arith.andi %ne3A_858, %ne3A_863 : vector<16xi1>
    %get3A_865 = arith.constant 352 : index
    %get3A_866 = tpu.vector_load %arg8[%get3A_865] {strides = array<i32>} : memref<512xi32, #tpu.memory_space<vmem>>, vector<16xi32>,
    %sub3A_867 = arith.constant 0 : i32
    %sub3A_868 = vector.broadcast %sub3A_867 : i32 to vector<16xi32>
    %sub3A_869 = arith.subi %get3A_866, %sub3A_868 : vector<16xi32>
    %not3A_870 = arith.constant dense<true> : vector<16xi1>
    %not3A_871 = arith.xori %and3A_864, %not3A_870 : vector<16xi1>
    %ge3A_872 = arith.constant 0 : i32
    %ge3A_873 = vector.broadcast %ge3A_872 : i32 to vector<16xi32>
    %ge3A_874 = arith.cmpi sge, %sub3A_869, %ge3A_873 : vector<16xi32>
    %and3A_875 = arith.andi %not3A_871, %ge3A_874 : vector<16xi1>
    %lt3A_876 = arith.constant 1000000 : i32
    %lt3A_877 = vector.broadcast %lt3A_876 : i32 to vector<16xi32>
    %lt3A_878 = arith.cmpi slt, %sub3A_869, %lt3A_877 : vector<16xi32>
    %and3A_879 = arith.andi %and3A_875, %lt3A_878 : vector<16xi1>
    %jit3A_880 = arith.constant 0 : i32
    %broadcast_in_dim3A_881 = vector.broadcast %jit3A_880 : i32 to vector<16xi32>
    %select_n3A_882 = arith.select %and3A_879, %sub3A_869, %broadcast_in_dim3A_881 : vector<16xi1>, vector<16xi32>
    %swap3A_883 = arith.constant 352 : index
    %swap3A_884 = tpu.vector_load %arg8[%swap3A_883] {strides = array<i32>} : memref<512xi32, #tpu.memory_space<vmem>>, vector<16xi32>,
    tpu.vector_store %arg8[%swap3A_883], %select_n3A_882 {strides = array<i32>} : memref<512xi32, #tpu.memory_space<vmem>>, vector<16xi32>,
    %select_n3A_885 = arith.select %and3A_879, %broadcast_in_dim3A_4, %broadcast_in_dim3A_6 : vector<16xi1>, vector<16xi32>
    %swap3A_886 = arith.constant 352 : index
    %swap3A_887 = tpu.vector_load %arg10[%swap3A_886] {strides = array<i32>} : memref<512xi32, #tpu.memory_space<vmem>>, vector<16xi32>,
    tpu.vector_store %arg10[%swap3A_886], %select_n3A_885 {strides = array<i32>} : memref<512xi32, #tpu.memory_space<vmem>>, vector<16xi32>,
    %select_n3A_888 = arith.select %and3A_864, %broadcast_in_dim3A_4, %broadcast_in_dim3A_6 : vector<16xi1>, vector<16xi32>
    %swap3A_889 = arith.constant 352 : index
    %swap3A_890 = tpu.vector_load %arg11[%swap3A_889] {strides = array<i32>} : memref<512xi32, #tpu.memory_space<vmem>>, vector<16xi32>,
    tpu.vector_store %arg11[%swap3A_889], %select_n3A_888 {strides = array<i32>} : memref<512xi32, #tpu.memory_space<vmem>>, vector<16xi32>,
    %all_reduce_population_count3A_891 = tpu.all_reduce %and3A_879 {dim = 0 : i64, kind = #tpu.reduction_kind<sum>} : vector<16xi1> -> vector<16xi32>
    %slice3A_892 = vector.extract_strided_slice %all_reduce_population_count3A_891 {offsets = [0], sizes = [1], strides = [1]} : vector<16xi32> to vector<1xi32>
    %squeeze3A_893 = vector.extract %slice3A_892[0] : i32 from vector<1xi32>
    %add3A_894 = arith.addi %add3A_855, %squeeze3A_893 : i32
    %ne3A_895 = arith.constant 0 : i32
    %ne3A_896 = vector.broadcast %ne3A_895 : i32 to vector<16xi32>
    %ne3A_897 = arith.cmpi ne, %get3A_3, %ne3A_896 : vector<16xi32>
    %get3A_898 = arith.constant 368 : index
    %get3A_899 = tpu.vector_load %arg9[%get3A_898] {strides = array<i32>} : memref<512xi32, #tpu.memory_space<vmem>>, vector<16xi32>,
    %ne3A_900 = arith.constant 0 : i32
    %ne3A_901 = vector.broadcast %ne3A_900 : i32 to vector<16xi32>
    %ne3A_902 = arith.cmpi ne, %get3A_899, %ne3A_901 : vector<16xi32>
    %and3A_903 = arith.andi %ne3A_897, %ne3A_902 : vector<16xi1>
    %get3A_904 = arith.constant 368 : index
    %get3A_905 = tpu.vector_load %arg8[%get3A_904] {strides = array<i32>} : memref<512xi32, #tpu.memory_space<vmem>>, vector<16xi32>,
    %sub3A_906 = arith.constant 0 : i32
    %sub3A_907 = vector.broadcast %sub3A_906 : i32 to vector<16xi32>
    %sub3A_908 = arith.subi %get3A_905, %sub3A_907 : vector<16xi32>
    %not3A_909 = arith.constant dense<true> : vector<16xi1>
    %not3A_910 = arith.xori %and3A_903, %not3A_909 : vector<16xi1>
    %ge3A_911 = arith.constant 0 : i32
    %ge3A_912 = vector.broadcast %ge3A_911 : i32 to vector<16xi32>
    %ge3A_913 = arith.cmpi sge, %sub3A_908, %ge3A_912 : vector<16xi32>
    %and3A_914 = arith.andi %not3A_910, %ge3A_913 : vector<16xi1>
    %lt3A_915 = arith.constant 1000000 : i32
    %lt3A_916 = vector.broadcast %lt3A_915 : i32 to vector<16xi32>
    %lt3A_917 = arith.cmpi slt, %sub3A_908, %lt3A_916 : vector<16xi32>
    %and3A_918 = arith.andi %and3A_914, %lt3A_917 : vector<16xi1>
    %jit3A_919 = arith.constant 0 : i32
    %broadcast_in_dim3A_920 = vector.broadcast %jit3A_919 : i32 to vector<16xi32>
    %select_n3A_921 = arith.select %and3A_918, %sub3A_908, %broadcast_in_dim3A_920 : vector<16xi1>, vector<16xi32>
    %swap3A_922 = arith.constant 368 : index
    %swap3A_923 = tpu.vector_load %arg8[%swap3A_922] {strides = array<i32>} : memref<512xi32, #tpu.memory_space<vmem>>, vector<16xi32>,
    tpu.vector_store %arg8[%swap3A_922], %select_n3A_921 {strides = array<i32>} : memref<512xi32, #tpu.memory_space<vmem>>, vector<16xi32>,
    %select_n3A_924 = arith.select %and3A_918, %broadcast_in_dim3A_4, %broadcast_in_dim3A_6 : vector<16xi1>, vector<16xi32>
    %swap3A_925 = arith.constant 368 : index
    %swap3A_926 = tpu.vector_load %arg10[%swap3A_925] {strides = array<i32>} : memref<512xi32, #tpu.memory_space<vmem>>, vector<16xi32>,
    tpu.vector_store %arg10[%swap3A_925], %select_n3A_924 {strides = array<i32>} : memref<512xi32, #tpu.memory_space<vmem>>, vector<16xi32>,
    %select_n3A_927 = arith.select %and3A_903, %broadcast_in_dim3A_4, %broadcast_in_dim3A_6 : vector<16xi1>, vector<16xi32>
    %swap3A_928 = arith.constant 368 : index
    %swap3A_929 = tpu.vector_load %arg11[%swap3A_928] {strides = array<i32>} : memref<512xi32, #tpu.memory_space<vmem>>, vector<16xi32>,
    tpu.vector_store %arg11[%swap3A_928], %select_n3A_927 {strides = array<i32>} : memref<512xi32, #tpu.memory_space<vmem>>, vector<16xi32>,
    %all_reduce_population_count3A_930 = tpu.all_reduce %and3A_918 {dim = 0 : i64, kind = #tpu.reduction_kind<sum>} : vector<16xi1> -> vector<16xi32>
    %slice3A_931 = vector.extract_strided_slice %all_reduce_population_count3A_930 {offsets = [0], sizes = [1], strides = [1]} : vector<16xi32> to vector<1xi32>
    %squeeze3A_932 = vector.extract %slice3A_931[0] : i32 from vector<1xi32>
    %add3A_933 = arith.addi %add3A_894, %squeeze3A_932 : i32
    %ne3A_934 = arith.constant 0 : i32
    %ne3A_935 = vector.broadcast %ne3A_934 : i32 to vector<16xi32>
    %ne3A_936 = arith.cmpi ne, %get3A_3, %ne3A_935 : vector<16xi32>
    %get3A_937 = arith.constant 384 : index
    %get3A_938 = tpu.vector_load %arg9[%get3A_937] {strides = array<i32>} : memref<512xi32, #tpu.memory_space<vmem>>, vector<16xi32>,
    %ne3A_939 = arith.constant 0 : i32
    %ne3A_940 = vector.broadcast %ne3A_939 : i32 to vector<16xi32>
    %ne3A_941 = arith.cmpi ne, %get3A_938, %ne3A_940 : vector<16xi32>
    %and3A_942 = arith.andi %ne3A_936, %ne3A_941 : vector<16xi1>
    %get3A_943 = arith.constant 384 : index
    %get3A_944 = tpu.vector_load %arg8[%get3A_943] {strides = array<i32>} : memref<512xi32, #tpu.memory_space<vmem>>, vector<16xi32>,
    %sub3A_945 = arith.constant 0 : i32
    %sub3A_946 = vector.broadcast %sub3A_945 : i32 to vector<16xi32>
    %sub3A_947 = arith.subi %get3A_944, %sub3A_946 : vector<16xi32>
    %not3A_948 = arith.constant dense<true> : vector<16xi1>
    %not3A_949 = arith.xori %and3A_942, %not3A_948 : vector<16xi1>
    %ge3A_950 = arith.constant 0 : i32
    %ge3A_951 = vector.broadcast %ge3A_950 : i32 to vector<16xi32>
    %ge3A_952 = arith.cmpi sge, %sub3A_947, %ge3A_951 : vector<16xi32>
    %and3A_953 = arith.andi %not3A_949, %ge3A_952 : vector<16xi1>
    %lt3A_954 = arith.constant 1000000 : i32
    %lt3A_955 = vector.broadcast %lt3A_954 : i32 to vector<16xi32>
    %lt3A_956 = arith.cmpi slt, %sub3A_947, %lt3A_955 : vector<16xi32>
    %and3A_957 = arith.andi %and3A_953, %lt3A_956 : vector<16xi1>
    %jit3A_958 = arith.constant 0 : i32
    %broadcast_in_dim3A_959 = vector.broadcast %jit3A_958 : i32 to vector<16xi32>
    %select_n3A_960 = arith.select %and3A_957, %sub3A_947, %broadcast_in_dim3A_959 : vector<16xi1>, vector<16xi32>
    %swap3A_961 = arith.constant 384 : index
    %swap3A_962 = tpu.vector_load %arg8[%swap3A_961] {strides = array<i32>} : memref<512xi32, #tpu.memory_space<vmem>>, vector<16xi32>,
    tpu.vector_store %arg8[%swap3A_961], %select_n3A_960 {strides = array<i32>} : memref<512xi32, #tpu.memory_space<vmem>>, vector<16xi32>,
    %select_n3A_963 = arith.select %and3A_957, %broadcast_in_dim3A_4, %broadcast_in_dim3A_6 : vector<16xi1>, vector<16xi32>
    %swap3A_964 = arith.constant 384 : index
    %swap3A_965 = tpu.vector_load %arg10[%swap3A_964] {strides = array<i32>} : memref<512xi32, #tpu.memory_space<vmem>>, vector<16xi32>,
    tpu.vector_store %arg10[%swap3A_964], %select_n3A_963 {strides = array<i32>} : memref<512xi32, #tpu.memory_space<vmem>>, vector<16xi32>,
    %select_n3A_966 = arith.select %and3A_942, %broadcast_in_dim3A_4, %broadcast_in_dim3A_6 : vector<16xi1>, vector<16xi32>
    %swap3A_967 = arith.constant 384 : index
    %swap3A_968 = tpu.vector_load %arg11[%swap3A_967] {strides = array<i32>} : memref<512xi32, #tpu.memory_space<vmem>>, vector<16xi32>,
    tpu.vector_store %arg11[%swap3A_967], %select_n3A_966 {strides = array<i32>} : memref<512xi32, #tpu.memory_space<vmem>>, vector<16xi32>,
    %all_reduce_population_count3A_969 = tpu.all_reduce %and3A_957 {dim = 0 : i64, kind = #tpu.reduction_kind<sum>} : vector<16xi1> -> vector<16xi32>
    %slice3A_970 = vector.extract_strided_slice %all_reduce_population_count3A_969 {offsets = [0], sizes = [1], strides = [1]} : vector<16xi32> to vector<1xi32>
    %squeeze3A_971 = vector.extract %slice3A_970[0] : i32 from vector<1xi32>
    %add3A_972 = arith.addi %add3A_933, %squeeze3A_971 : i32
    %ne3A_973 = arith.constant 0 : i32
    %ne3A_974 = vector.broadcast %ne3A_973 : i32 to vector<16xi32>
    %ne3A_975 = arith.cmpi ne, %get3A_3, %ne3A_974 : vector<16xi32>
    %get3A_976 = arith.constant 400 : index
    %get3A_977 = tpu.vector_load %arg9[%get3A_976] {strides = array<i32>} : memref<512xi32, #tpu.memory_space<vmem>>, vector<16xi32>,
    %ne3A_978 = arith.constant 0 : i32
    %ne3A_979 = vector.broadcast %ne3A_978 : i32 to vector<16xi32>
    %ne3A_980 = arith.cmpi ne, %get3A_977, %ne3A_979 : vector<16xi32>
    %and3A_981 = arith.andi %ne3A_975, %ne3A_980 : vector<16xi1>
    %get3A_982 = arith.constant 400 : index
    %get3A_983 = tpu.vector_load %arg8[%get3A_982] {strides = array<i32>} : memref<512xi32, #tpu.memory_space<vmem>>, vector<16xi32>,
    %sub3A_984 = arith.constant 0 : i32
    %sub3A_985 = vector.broadcast %sub3A_984 : i32 to vector<16xi32>
    %sub3A_986 = arith.subi %get3A_983, %sub3A_985 : vector<16xi32>
    %not3A_987 = arith.constant dense<true> : vector<16xi1>
    %not3A_988 = arith.xori %and3A_981, %not3A_987 : vector<16xi1>
    %ge3A_989 = arith.constant 0 : i32
    %ge3A_990 = vector.broadcast %ge3A_989 : i32 to vector<16xi32>
    %ge3A_991 = arith.cmpi sge, %sub3A_986, %ge3A_990 : vector<16xi32>
    %and3A_992 = arith.andi %not3A_988, %ge3A_991 : vector<16xi1>
    %lt3A_993 = arith.constant 1000000 : i32
    %lt3A_994 = vector.broadcast %lt3A_993 : i32 to vector<16xi32>
    %lt3A_995 = arith.cmpi slt, %sub3A_986, %lt3A_994 : vector<16xi32>
    %and3A_996 = arith.andi %and3A_992, %lt3A_995 : vector<16xi1>
    %jit3A_997 = arith.constant 0 : i32
    %broadcast_in_dim3A_998 = vector.broadcast %jit3A_997 : i32 to vector<16xi32>
    %select_n3A_999 = arith.select %and3A_996, %sub3A_986, %broadcast_in_dim3A_998 : vector<16xi1>, vector<16xi32>
    %swap3A_1000 = arith.constant 400 : index
    %swap3A_1001 = tpu.vector_load %arg8[%swap3A_1000] {strides = array<i32>} : memref<512xi32, #tpu.memory_space<vmem>>, vector<16xi32>,
    tpu.vector_store %arg8[%swap3A_1000], %select_n3A_999 {strides = array<i32>} : memref<512xi32, #tpu.memory_space<vmem>>, vector<16xi32>,
    %select_n3A_1002 = arith.select %and3A_996, %broadcast_in_dim3A_4, %broadcast_in_dim3A_6 : vector<16xi1>, vector<16xi32>
    %swap3A_1003 = arith.constant 400 : index
    %swap3A_1004 = tpu.vector_load %arg10[%swap3A_1003] {strides = array<i32>} : memref<512xi32, #tpu.memory_space<vmem>>, vector<16xi32>,
    tpu.vector_store %arg10[%swap3A_1003], %select_n3A_1002 {strides = array<i32>} : memref<512xi32, #tpu.memory_space<vmem>>, vector<16xi32>,
    %select_n3A_1005 = arith.select %and3A_981, %broadcast_in_dim3A_4, %broadcast_in_dim3A_6 : vector<16xi1>, vector<16xi32>
    %swap3A_1006 = arith.constant 400 : index
    %swap3A_1007 = tpu.vector_load %arg11[%swap3A_1006] {strides = array<i32>} : memref<512xi32, #tpu.memory_space<vmem>>, vector<16xi32>,
    tpu.vector_store %arg11[%swap3A_1006], %select_n3A_1005 {strides = array<i32>} : memref<512xi32, #tpu.memory_space<vmem>>, vector<16xi32>,
    %all_reduce_population_count3A_1008 = tpu.all_reduce %and3A_996 {dim = 0 : i64, kind = #tpu.reduction_kind<sum>} : vector<16xi1> -> vector<16xi32>
    %slice3A_1009 = vector.extract_strided_slice %all_reduce_population_count3A_1008 {offsets = [0], sizes = [1], strides = [1]} : vector<16xi32> to vector<1xi32>
    %squeeze3A_1010 = vector.extract %slice3A_1009[0] : i32 from vector<1xi32>
    %add3A_1011 = arith.addi %add3A_972, %squeeze3A_1010 : i32
    %ne3A_1012 = arith.constant 0 : i32
    %ne3A_1013 = vector.broadcast %ne3A_1012 : i32 to vector<16xi32>
    %ne3A_1014 = arith.cmpi ne, %get3A_3, %ne3A_1013 : vector<16xi32>
    %get3A_1015 = arith.constant 416 : index
    %get3A_1016 = tpu.vector_load %arg9[%get3A_1015] {strides = array<i32>} : memref<512xi32, #tpu.memory_space<vmem>>, vector<16xi32>,
    %ne3A_1017 = arith.constant 0 : i32
    %ne3A_1018 = vector.broadcast %ne3A_1017 : i32 to vector<16xi32>
    %ne3A_1019 = arith.cmpi ne, %get3A_1016, %ne3A_1018 : vector<16xi32>
    %and3A_1020 = arith.andi %ne3A_1014, %ne3A_1019 : vector<16xi1>
    %get3A_1021 = arith.constant 416 : index
    %get3A_1022 = tpu.vector_load %arg8[%get3A_1021] {strides = array<i32>} : memref<512xi32, #tpu.memory_space<vmem>>, vector<16xi32>,
    %sub3A_1023 = arith.constant 0 : i32
    %sub3A_1024 = vector.broadcast %sub3A_1023 : i32 to vector<16xi32>
    %sub3A_1025 = arith.subi %get3A_1022, %sub3A_1024 : vector<16xi32>
    %not3A_1026 = arith.constant dense<true> : vector<16xi1>
    %not3A_1027 = arith.xori %and3A_1020, %not3A_1026 : vector<16xi1>
    %ge3A_1028 = arith.constant 0 : i32
    %ge3A_1029 = vector.broadcast %ge3A_1028 : i32 to vector<16xi32>
    %ge3A_1030 = arith.cmpi sge, %sub3A_1025, %ge3A_1029 : vector<16xi32>
    %and3A_1031 = arith.andi %not3A_1027, %ge3A_1030 : vector<16xi1>
    %lt3A_1032 = arith.constant 1000000 : i32
    %lt3A_1033 = vector.broadcast %lt3A_1032 : i32 to vector<16xi32>
    %lt3A_1034 = arith.cmpi slt, %sub3A_1025, %lt3A_1033 : vector<16xi32>
    %and3A_1035 = arith.andi %and3A_1031, %lt3A_1034 : vector<16xi1>
    %jit3A_1036 = arith.constant 0 : i32
    %broadcast_in_dim3A_1037 = vector.broadcast %jit3A_1036 : i32 to vector<16xi32>
    %select_n3A_1038 = arith.select %and3A_1035, %sub3A_1025, %broadcast_in_dim3A_1037 : vector<16xi1>, vector<16xi32>
    %swap3A_1039 = arith.constant 416 : index
    %swap3A_1040 = tpu.vector_load %arg8[%swap3A_1039] {strides = array<i32>} : memref<512xi32, #tpu.memory_space<vmem>>, vector<16xi32>,
    tpu.vector_store %arg8[%swap3A_1039], %select_n3A_1038 {strides = array<i32>} : memref<512xi32, #tpu.memory_space<vmem>>, vector<16xi32>,
    %select_n3A_1041 = arith.select %and3A_1035, %broadcast_in_dim3A_4, %broadcast_in_dim3A_6 : vector<16xi1>, vector<16xi32>
    %swap3A_1042 = arith.constant 416 : index
    %swap3A_1043 = tpu.vector_load %arg10[%swap3A_1042] {strides = array<i32>} : memref<512xi32, #tpu.memory_space<vmem>>, vector<16xi32>,
    tpu.vector_store %arg10[%swap3A_1042], %select_n3A_1041 {strides = array<i32>} : memref<512xi32, #tpu.memory_space<vmem>>, vector<16xi32>,
    %select_n3A_1044 = arith.select %and3A_1020, %broadcast_in_dim3A_4, %broadcast_in_dim3A_6 : vector<16xi1>, vector<16xi32>
    %swap3A_1045 = arith.constant 416 : index
    %swap3A_1046 = tpu.vector_load %arg11[%swap3A_1045] {strides = array<i32>} : memref<512xi32, #tpu.memory_space<vmem>>, vector<16xi32>,
    tpu.vector_store %arg11[%swap3A_1045], %select_n3A_1044 {strides = array<i32>} : memref<512xi32, #tpu.memory_space<vmem>>, vector<16xi32>,
    %all_reduce_population_count3A_1047 = tpu.all_reduce %and3A_1035 {dim = 0 : i64, kind = #tpu.reduction_kind<sum>} : vector<16xi1> -> vector<16xi32>
    %slice3A_1048 = vector.extract_strided_slice %all_reduce_population_count3A_1047 {offsets = [0], sizes = [1], strides = [1]} : vector<16xi32> to vector<1xi32>
    %squeeze3A_1049 = vector.extract %slice3A_1048[0] : i32 from vector<1xi32>
    %add3A_1050 = arith.addi %add3A_1011, %squeeze3A_1049 : i32
    %ne3A_1051 = arith.constant 0 : i32
    %ne3A_1052 = vector.broadcast %ne3A_1051 : i32 to vector<16xi32>
    %ne3A_1053 = arith.cmpi ne, %get3A_3, %ne3A_1052 : vector<16xi32>
    %get3A_1054 = arith.constant 432 : index
    %get3A_1055 = tpu.vector_load %arg9[%get3A_1054] {strides = array<i32>} : memref<512xi32, #tpu.memory_space<vmem>>, vector<16xi32>,
    %ne3A_1056 = arith.constant 0 : i32
    %ne3A_1057 = vector.broadcast %ne3A_1056 : i32 to vector<16xi32>
    %ne3A_1058 = arith.cmpi ne, %get3A_1055, %ne3A_1057 : vector<16xi32>
    %and3A_1059 = arith.andi %ne3A_1053, %ne3A_1058 : vector<16xi1>
    %get3A_1060 = arith.constant 432 : index
    %get3A_1061 = tpu.vector_load %arg8[%get3A_1060] {strides = array<i32>} : memref<512xi32, #tpu.memory_space<vmem>>, vector<16xi32>,
    %sub3A_1062 = arith.constant 0 : i32
    %sub3A_1063 = vector.broadcast %sub3A_1062 : i32 to vector<16xi32>
    %sub3A_1064 = arith.subi %get3A_1061, %sub3A_1063 : vector<16xi32>
    %not3A_1065 = arith.constant dense<true> : vector<16xi1>
    %not3A_1066 = arith.xori %and3A_1059, %not3A_1065 : vector<16xi1>
    %ge3A_1067 = arith.constant 0 : i32
    %ge3A_1068 = vector.broadcast %ge3A_1067 : i32 to vector<16xi32>
    %ge3A_1069 = arith.cmpi sge, %sub3A_1064, %ge3A_1068 : vector<16xi32>
    %and3A_1070 = arith.andi %not3A_1066, %ge3A_1069 : vector<16xi1>
    %lt3A_1071 = arith.constant 1000000 : i32
    %lt3A_1072 = vector.broadcast %lt3A_1071 : i32 to vector<16xi32>
    %lt3A_1073 = arith.cmpi slt, %sub3A_1064, %lt3A_1072 : vector<16xi32>
    %and3A_1074 = arith.andi %and3A_1070, %lt3A_1073 : vector<16xi1>
    %jit3A_1075 = arith.constant 0 : i32
    %broadcast_in_dim3A_1076 = vector.broadcast %jit3A_1075 : i32 to vector<16xi32>
    %select_n3A_1077 = arith.select %and3A_1074, %sub3A_1064, %broadcast_in_dim3A_1076 : vector<16xi1>, vector<16xi32>
    %swap3A_1078 = arith.constant 432 : index
    %swap3A_1079 = tpu.vector_load %arg8[%swap3A_1078] {strides = array<i32>} : memref<512xi32, #tpu.memory_space<vmem>>, vector<16xi32>,
    tpu.vector_store %arg8[%swap3A_1078], %select_n3A_1077 {strides = array<i32>} : memref<512xi32, #tpu.memory_space<vmem>>, vector<16xi32>,
    %select_n3A_1080 = arith.select %and3A_1074, %broadcast_in_dim3A_4, %broadcast_in_dim3A_6 : vector<16xi1>, vector<16xi32>
    %swap3A_1081 = arith.constant 432 : index
    %swap3A_1082 = tpu.vector_load %arg10[%swap3A_1081] {strides = array<i32>} : memref<512xi32, #tpu.memory_space<vmem>>, vector<16xi32>,
    tpu.vector_store %arg10[%swap3A_1081], %select_n3A_1080 {strides = array<i32>} : memref<512xi32, #tpu.memory_space<vmem>>, vector<16xi32>,
    %select_n3A_1083 = arith.select %and3A_1059, %broadcast_in_dim3A_4, %broadcast_in_dim3A_6 : vector<16xi1>, vector<16xi32>
    %swap3A_1084 = arith.constant 432 : index
    %swap3A_1085 = tpu.vector_load %arg11[%swap3A_1084] {strides = array<i32>} : memref<512xi32, #tpu.memory_space<vmem>>, vector<16xi32>,
    tpu.vector_store %arg11[%swap3A_1084], %select_n3A_1083 {strides = array<i32>} : memref<512xi32, #tpu.memory_space<vmem>>, vector<16xi32>,
    %all_reduce_population_count3A_1086 = tpu.all_reduce %and3A_1074 {dim = 0 : i64, kind = #tpu.reduction_kind<sum>} : vector<16xi1> -> vector<16xi32>
    %slice3A_1087 = vector.extract_strided_slice %all_reduce_population_count3A_1086 {offsets = [0], sizes = [1], strides = [1]} : vector<16xi32> to vector<1xi32>
    %squeeze3A_1088 = vector.extract %slice3A_1087[0] : i32 from vector<1xi32>
    %add3A_1089 = arith.addi %add3A_1050, %squeeze3A_1088 : i32
    %ne3A_1090 = arith.constant 0 : i32
    %ne3A_1091 = vector.broadcast %ne3A_1090 : i32 to vector<16xi32>
    %ne3A_1092 = arith.cmpi ne, %get3A_3, %ne3A_1091 : vector<16xi32>
    %get3A_1093 = arith.constant 448 : index
    %get3A_1094 = tpu.vector_load %arg9[%get3A_1093] {strides = array<i32>} : memref<512xi32, #tpu.memory_space<vmem>>, vector<16xi32>,
    %ne3A_1095 = arith.constant 0 : i32
    %ne3A_1096 = vector.broadcast %ne3A_1095 : i32 to vector<16xi32>
    %ne3A_1097 = arith.cmpi ne, %get3A_1094, %ne3A_1096 : vector<16xi32>
    %and3A_1098 = arith.andi %ne3A_1092, %ne3A_1097 : vector<16xi1>
    %get3A_1099 = arith.constant 448 : index
    %get3A_1100 = tpu.vector_load %arg8[%get3A_1099] {strides = array<i32>} : memref<512xi32, #tpu.memory_space<vmem>>, vector<16xi32>,
    %sub3A_1101 = arith.constant 0 : i32
    %sub3A_1102 = vector.broadcast %sub3A_1101 : i32 to vector<16xi32>
    %sub3A_1103 = arith.subi %get3A_1100, %sub3A_1102 : vector<16xi32>
    %not3A_1104 = arith.constant dense<true> : vector<16xi1>
    %not3A_1105 = arith.xori %and3A_1098, %not3A_1104 : vector<16xi1>
    %ge3A_1106 = arith.constant 0 : i32
    %ge3A_1107 = vector.broadcast %ge3A_1106 : i32 to vector<16xi32>
    %ge3A_1108 = arith.cmpi sge, %sub3A_1103, %ge3A_1107 : vector<16xi32>
    %and3A_1109 = arith.andi %not3A_1105, %ge3A_1108 : vector<16xi1>
    %lt3A_1110 = arith.constant 1000000 : i32
    %lt3A_1111 = vector.broadcast %lt3A_1110 : i32 to vector<16xi32>
    %lt3A_1112 = arith.cmpi slt, %sub3A_1103, %lt3A_1111 : vector<16xi32>
    %and3A_1113 = arith.andi %and3A_1109, %lt3A_1112 : vector<16xi1>
    %jit3A_1114 = arith.constant 0 : i32
    %broadcast_in_dim3A_1115 = vector.broadcast %jit3A_1114 : i32 to vector<16xi32>
    %select_n3A_1116 = arith.select %and3A_1113, %sub3A_1103, %broadcast_in_dim3A_1115 : vector<16xi1>, vector<16xi32>
    %swap3A_1117 = arith.constant 448 : index
    %swap3A_1118 = tpu.vector_load %arg8[%swap3A_1117] {strides = array<i32>} : memref<512xi32, #tpu.memory_space<vmem>>, vector<16xi32>,
    tpu.vector_store %arg8[%swap3A_1117], %select_n3A_1116 {strides = array<i32>} : memref<512xi32, #tpu.memory_space<vmem>>, vector<16xi32>,
    %select_n3A_1119 = arith.select %and3A_1113, %broadcast_in_dim3A_4, %broadcast_in_dim3A_6 : vector<16xi1>, vector<16xi32>
    %swap3A_1120 = arith.constant 448 : index
    %swap3A_1121 = tpu.vector_load %arg10[%swap3A_1120] {strides = array<i32>} : memref<512xi32, #tpu.memory_space<vmem>>, vector<16xi32>,
    tpu.vector_store %arg10[%swap3A_1120], %select_n3A_1119 {strides = array<i32>} : memref<512xi32, #tpu.memory_space<vmem>>, vector<16xi32>,
    %select_n3A_1122 = arith.select %and3A_1098, %broadcast_in_dim3A_4, %broadcast_in_dim3A_6 : vector<16xi1>, vector<16xi32>
    %swap3A_1123 = arith.constant 448 : index
    %swap3A_1124 = tpu.vector_load %arg11[%swap3A_1123] {strides = array<i32>} : memref<512xi32, #tpu.memory_space<vmem>>, vector<16xi32>,
    tpu.vector_store %arg11[%swap3A_1123], %select_n3A_1122 {strides = array<i32>} : memref<512xi32, #tpu.memory_space<vmem>>, vector<16xi32>,
    %all_reduce_population_count3A_1125 = tpu.all_reduce %and3A_1113 {dim = 0 : i64, kind = #tpu.reduction_kind<sum>} : vector<16xi1> -> vector<16xi32>
    %slice3A_1126 = vector.extract_strided_slice %all_reduce_population_count3A_1125 {offsets = [0], sizes = [1], strides = [1]} : vector<16xi32> to vector<1xi32>
    %squeeze3A_1127 = vector.extract %slice3A_1126[0] : i32 from vector<1xi32>
    %add3A_1128 = arith.addi %add3A_1089, %squeeze3A_1127 : i32
    %ne3A_1129 = arith.constant 0 : i32
    %ne3A_1130 = vector.broadcast %ne3A_1129 : i32 to vector<16xi32>
    %ne3A_1131 = arith.cmpi ne, %get3A_3, %ne3A_1130 : vector<16xi32>
    %get3A_1132 = arith.constant 464 : index
    %get3A_1133 = tpu.vector_load %arg9[%get3A_1132] {strides = array<i32>} : memref<512xi32, #tpu.memory_space<vmem>>, vector<16xi32>,
    %ne3A_1134 = arith.constant 0 : i32
    %ne3A_1135 = vector.broadcast %ne3A_1134 : i32 to vector<16xi32>
    %ne3A_1136 = arith.cmpi ne, %get3A_1133, %ne3A_1135 : vector<16xi32>
    %and3A_1137 = arith.andi %ne3A_1131, %ne3A_1136 : vector<16xi1>
    %get3A_1138 = arith.constant 464 : index
    %get3A_1139 = tpu.vector_load %arg8[%get3A_1138] {strides = array<i32>} : memref<512xi32, #tpu.memory_space<vmem>>, vector<16xi32>,
    %sub3A_1140 = arith.constant 0 : i32
    %sub3A_1141 = vector.broadcast %sub3A_1140 : i32 to vector<16xi32>
    %sub3A_1142 = arith.subi %get3A_1139, %sub3A_1141 : vector<16xi32>
    %not3A_1143 = arith.constant dense<true> : vector<16xi1>
    %not3A_1144 = arith.xori %and3A_1137, %not3A_1143 : vector<16xi1>
    %ge3A_1145 = arith.constant 0 : i32
    %ge3A_1146 = vector.broadcast %ge3A_1145 : i32 to vector<16xi32>
    %ge3A_1147 = arith.cmpi sge, %sub3A_1142, %ge3A_1146 : vector<16xi32>
    %and3A_1148 = arith.andi %not3A_1144, %ge3A_1147 : vector<16xi1>
    %lt3A_1149 = arith.constant 1000000 : i32
    %lt3A_1150 = vector.broadcast %lt3A_1149 : i32 to vector<16xi32>
    %lt3A_1151 = arith.cmpi slt, %sub3A_1142, %lt3A_1150 : vector<16xi32>
    %and3A_1152 = arith.andi %and3A_1148, %lt3A_1151 : vector<16xi1>
    %jit3A_1153 = arith.constant 0 : i32
    %broadcast_in_dim3A_1154 = vector.broadcast %jit3A_1153 : i32 to vector<16xi32>
    %select_n3A_1155 = arith.select %and3A_1152, %sub3A_1142, %broadcast_in_dim3A_1154 : vector<16xi1>, vector<16xi32>
    %swap3A_1156 = arith.constant 464 : index
    %swap3A_1157 = tpu.vector_load %arg8[%swap3A_1156] {strides = array<i32>} : memref<512xi32, #tpu.memory_space<vmem>>, vector<16xi32>,
    tpu.vector_store %arg8[%swap3A_1156], %select_n3A_1155 {strides = array<i32>} : memref<512xi32, #tpu.memory_space<vmem>>, vector<16xi32>,
    %select_n3A_1158 = arith.select %and3A_1152, %broadcast_in_dim3A_4, %broadcast_in_dim3A_6 : vector<16xi1>, vector<16xi32>
    %swap3A_1159 = arith.constant 464 : index
    %swap3A_1160 = tpu.vector_load %arg10[%swap3A_1159] {strides = array<i32>} : memref<512xi32, #tpu.memory_space<vmem>>, vector<16xi32>,
    tpu.vector_store %arg10[%swap3A_1159], %select_n3A_1158 {strides = array<i32>} : memref<512xi32, #tpu.memory_space<vmem>>, vector<16xi32>,
    %select_n3A_1161 = arith.select %and3A_1137, %broadcast_in_dim3A_4, %broadcast_in_dim3A_6 : vector<16xi1>, vector<16xi32>
    %swap3A_1162 = arith.constant 464 : index
    %swap3A_1163 = tpu.vector_load %arg11[%swap3A_1162] {strides = array<i32>} : memref<512xi32, #tpu.memory_space<vmem>>, vector<16xi32>,
    tpu.vector_store %arg11[%swap3A_1162], %select_n3A_1161 {strides = array<i32>} : memref<512xi32, #tpu.memory_space<vmem>>, vector<16xi32>,
    %all_reduce_population_count3A_1164 = tpu.all_reduce %and3A_1152 {dim = 0 : i64, kind = #tpu.reduction_kind<sum>} : vector<16xi1> -> vector<16xi32>
    %slice3A_1165 = vector.extract_strided_slice %all_reduce_population_count3A_1164 {offsets = [0], sizes = [1], strides = [1]} : vector<16xi32> to vector<1xi32>
    %squeeze3A_1166 = vector.extract %slice3A_1165[0] : i32 from vector<1xi32>
    %add3A_1167 = arith.addi %add3A_1128, %squeeze3A_1166 : i32
    %ne3A_1168 = arith.constant 0 : i32
    %ne3A_1169 = vector.broadcast %ne3A_1168 : i32 to vector<16xi32>
    %ne3A_1170 = arith.cmpi ne, %get3A_3, %ne3A_1169 : vector<16xi32>
    %get3A_1171 = arith.constant 480 : index
    %get3A_1172 = tpu.vector_load %arg9[%get3A_1171] {strides = array<i32>} : memref<512xi32, #tpu.memory_space<vmem>>, vector<16xi32>,
    %ne3A_1173 = arith.constant 0 : i32
    %ne3A_1174 = vector.broadcast %ne3A_1173 : i32 to vector<16xi32>
    %ne3A_1175 = arith.cmpi ne, %get3A_1172, %ne3A_1174 : vector<16xi32>
    %and3A_1176 = arith.andi %ne3A_1170, %ne3A_1175 : vector<16xi1>
    %get3A_1177 = arith.constant 480 : index
    %get3A_1178 = tpu.vector_load %arg8[%get3A_1177] {strides = array<i32>} : memref<512xi32, #tpu.memory_space<vmem>>, vector<16xi32>,
    %sub3A_1179 = arith.constant 0 : i32
    %sub3A_1180 = vector.broadcast %sub3A_1179 : i32 to vector<16xi32>
    %sub3A_1181 = arith.subi %get3A_1178, %sub3A_1180 : vector<16xi32>
    %not3A_1182 = arith.constant dense<true> : vector<16xi1>
    %not3A_1183 = arith.xori %and3A_1176, %not3A_1182 : vector<16xi1>
    %ge3A_1184 = arith.constant 0 : i32
    %ge3A_1185 = vector.broadcast %ge3A_1184 : i32 to vector<16xi32>
    %ge3A_1186 = arith.cmpi sge, %sub3A_1181, %ge3A_1185 : vector<16xi32>
    %and3A_1187 = arith.andi %not3A_1183, %ge3A_1186 : vector<16xi1>
    %lt3A_1188 = arith.constant 1000000 : i32
    %lt3A_1189 = vector.broadcast %lt3A_1188 : i32 to vector<16xi32>
    %lt3A_1190 = arith.cmpi slt, %sub3A_1181, %lt3A_1189 : vector<16xi32>
    %and3A_1191 = arith.andi %and3A_1187, %lt3A_1190 : vector<16xi1>
    %jit3A_1192 = arith.constant 0 : i32
    %broadcast_in_dim3A_1193 = vector.broadcast %jit3A_1192 : i32 to vector<16xi32>
    %select_n3A_1194 = arith.select %and3A_1191, %sub3A_1181, %broadcast_in_dim3A_1193 : vector<16xi1>, vector<16xi32>
    %swap3A_1195 = arith.constant 480 : index
    %swap3A_1196 = tpu.vector_load %arg8[%swap3A_1195] {strides = array<i32>} : memref<512xi32, #tpu.memory_space<vmem>>, vector<16xi32>,
    tpu.vector_store %arg8[%swap3A_1195], %select_n3A_1194 {strides = array<i32>} : memref<512xi32, #tpu.memory_space<vmem>>, vector<16xi32>,
    %select_n3A_1197 = arith.select %and3A_1191, %broadcast_in_dim3A_4, %broadcast_in_dim3A_6 : vector<16xi1>, vector<16xi32>
    %swap3A_1198 = arith.constant 480 : index
    %swap3A_1199 = tpu.vector_load %arg10[%swap3A_1198] {strides = array<i32>} : memref<512xi32, #tpu.memory_space<vmem>>, vector<16xi32>,
    tpu.vector_store %arg10[%swap3A_1198], %select_n3A_1197 {strides = array<i32>} : memref<512xi32, #tpu.memory_space<vmem>>, vector<16xi32>,
    %select_n3A_1200 = arith.select %and3A_1176, %broadcast_in_dim3A_4, %broadcast_in_dim3A_6 : vector<16xi1>, vector<16xi32>
    %swap3A_1201 = arith.constant 480 : index
    %swap3A_1202 = tpu.vector_load %arg11[%swap3A_1201] {strides = array<i32>} : memref<512xi32, #tpu.memory_space<vmem>>, vector<16xi32>,
    tpu.vector_store %arg11[%swap3A_1201], %select_n3A_1200 {strides = array<i32>} : memref<512xi32, #tpu.memory_space<vmem>>, vector<16xi32>,
    %all_reduce_population_count3A_1203 = tpu.all_reduce %and3A_1191 {dim = 0 : i64, kind = #tpu.reduction_kind<sum>} : vector<16xi1> -> vector<16xi32>
    %slice3A_1204 = vector.extract_strided_slice %all_reduce_population_count3A_1203 {offsets = [0], sizes = [1], strides = [1]} : vector<16xi32> to vector<1xi32>
    %squeeze3A_1205 = vector.extract %slice3A_1204[0] : i32 from vector<1xi32>
    %add3A_1206 = arith.addi %add3A_1167, %squeeze3A_1205 : i32
    %ne3A_1207 = arith.constant 0 : i32
    %ne3A_1208 = vector.broadcast %ne3A_1207 : i32 to vector<16xi32>
    %ne3A_1209 = arith.cmpi ne, %get3A_3, %ne3A_1208 : vector<16xi32>
    %get3A_1210 = arith.constant 496 : index
    %get3A_1211 = tpu.vector_load %arg9[%get3A_1210] {strides = array<i32>} : memref<512xi32, #tpu.memory_space<vmem>>, vector<16xi32>,
    %ne3A_1212 = arith.constant 0 : i32
    %ne3A_1213 = vector.broadcast %ne3A_1212 : i32 to vector<16xi32>
    %ne3A_1214 = arith.cmpi ne, %get3A_1211, %ne3A_1213 : vector<16xi32>
    %and3A_1215 = arith.andi %ne3A_1209, %ne3A_1214 : vector<16xi1>
    %get3A_1216 = arith.constant 496 : index
    %get3A_1217 = tpu.vector_load %arg8[%get3A_1216] {strides = array<i32>} : memref<512xi32, #tpu.memory_space<vmem>>, vector<16xi32>,
    %sub3A_1218 = arith.constant 0 : i32
    %sub3A_1219 = vector.broadcast %sub3A_1218 : i32 to vector<16xi32>
    %sub3A_1220 = arith.subi %get3A_1217, %sub3A_1219 : vector<16xi32>
    %not3A_1221 = arith.constant dense<true> : vector<16xi1>
    %not3A_1222 = arith.xori %and3A_1215, %not3A_1221 : vector<16xi1>
    %ge3A_1223 = arith.constant 0 : i32
    %ge3A_1224 = vector.broadcast %ge3A_1223 : i32 to vector<16xi32>
    %ge3A_1225 = arith.cmpi sge, %sub3A_1220, %ge3A_1224 : vector<16xi32>
    %and3A_1226 = arith.andi %not3A_1222, %ge3A_1225 : vector<16xi1>
    %lt3A_1227 = arith.constant 1000000 : i32
    %lt3A_1228 = vector.broadcast %lt3A_1227 : i32 to vector<16xi32>
    %lt3A_1229 = arith.cmpi slt, %sub3A_1220, %lt3A_1228 : vector<16xi32>
    %and3A_1230 = arith.andi %and3A_1226, %lt3A_1229 : vector<16xi1>
    %jit3A_1231 = arith.constant 0 : i32
    %broadcast_in_dim3A_1232 = vector.broadcast %jit3A_1231 : i32 to vector<16xi32>
    %select_n3A_1233 = arith.select %and3A_1230, %sub3A_1220, %broadcast_in_dim3A_1232 : vector<16xi1>, vector<16xi32>
    %swap3A_1234 = arith.constant 496 : index
    %swap3A_1235 = tpu.vector_load %arg8[%swap3A_1234] {strides = array<i32>} : memref<512xi32, #tpu.memory_space<vmem>>, vector<16xi32>,
    tpu.vector_store %arg8[%swap3A_1234], %select_n3A_1233 {strides = array<i32>} : memref<512xi32, #tpu.memory_space<vmem>>, vector<16xi32>,
    %select_n3A_1236 = arith.select %and3A_1230, %broadcast_in_dim3A_4, %broadcast_in_dim3A_6 : vector<16xi1>, vector<16xi32>
    %swap3A_1237 = arith.constant 496 : index
    %swap3A_1238 = tpu.vector_load %arg10[%swap3A_1237] {strides = array<i32>} : memref<512xi32, #tpu.memory_space<vmem>>, vector<16xi32>,
    tpu.vector_store %arg10[%swap3A_1237], %select_n3A_1236 {strides = array<i32>} : memref<512xi32, #tpu.memory_space<vmem>>, vector<16xi32>,
    %select_n3A_1239 = arith.select %and3A_1215, %broadcast_in_dim3A_4, %broadcast_in_dim3A_6 : vector<16xi1>, vector<16xi32>
    %swap3A_1240 = arith.constant 496 : index
    %swap3A_1241 = tpu.vector_load %arg11[%swap3A_1240] {strides = array<i32>} : memref<512xi32, #tpu.memory_space<vmem>>, vector<16xi32>,
    tpu.vector_store %arg11[%swap3A_1240], %select_n3A_1239 {strides = array<i32>} : memref<512xi32, #tpu.memory_space<vmem>>, vector<16xi32>,
    %all_reduce_population_count3A_1242 = tpu.all_reduce %and3A_1230 {dim = 0 : i64, kind = #tpu.reduction_kind<sum>} : vector<16xi1> -> vector<16xi32>
    %slice3A_1243 = vector.extract_strided_slice %all_reduce_population_count3A_1242 {offsets = [0], sizes = [1], strides = [1]} : vector<16xi32> to vector<1xi32>
    %squeeze3A_1244 = vector.extract %slice3A_1243[0] : i32 from vector<1xi32>
    %add3A_1245 = arith.addi %add3A_1206, %squeeze3A_1244 : i32
    %scan3A = arith.constant 0 : i32
    %scan3A_1246 = arith.constant 512 : i32
    %scan3A_1247 = arith.addi %scan3A, %scan3A_1246 : i32
    %scan3A_1248 = arith.constant 1 : i32
    scf.for %scan3A_1287 = %scan3A to %scan3A_1247 step %scan3A_1248  : i32 {
      %mul3A_1288 = arith.constant 1 : i32
      %mul3A_1289 = arith.muli %scan3A_1287, %mul3A_1288 : i32
      %add3A_1290 = arith.constant 0 : i32
      %add3A_1291 = arith.addi %add3A_1290, %mul3A_1289 : i32
      %swap3A_1292 = arith.index_cast %add3A_1291 : i32 to index
      %swap3A_1293 = arith.constant 0 : index
      %swap3A_1294 = tpu.vector_load %arg14[%swap3A_1292, %swap3A_1293] {strides = array<i32>} : memref<512x64xf32, #tpu.memory_space<vmem>>, vector<16xf32>,
      tpu.vector_store %arg14[%swap3A_1292, %swap3A_1293], %broadcast_in_dim3A_8 {strides = array<i32>} : memref<512x64xf32, #tpu.memory_space<vmem>>, vector<16xf32>,
      %swap3A_1295 = arith.index_cast %add3A_1291 : i32 to index
      %swap3A_1296 = arith.constant 16 : index
      %swap3A_1297 = tpu.vector_load %arg14[%swap3A_1295, %swap3A_1296] {strides = array<i32>} : memref<512x64xf32, #tpu.memory_space<vmem>>, vector<16xf32>,
      tpu.vector_store %arg14[%swap3A_1295, %swap3A_1296], %broadcast_in_dim3A_8 {strides = array<i32>} : memref<512x64xf32, #tpu.memory_space<vmem>>, vector<16xf32>,
      %swap3A_1298 = arith.index_cast %add3A_1291 : i32 to index
      %swap3A_1299 = arith.constant 32 : index
      %swap3A_1300 = tpu.vector_load %arg14[%swap3A_1298, %swap3A_1299] {strides = array<i32>} : memref<512x64xf32, #tpu.memory_space<vmem>>, vector<16xf32>,
      tpu.vector_store %arg14[%swap3A_1298, %swap3A_1299], %broadcast_in_dim3A_8 {strides = array<i32>} : memref<512x64xf32, #tpu.memory_space<vmem>>, vector<16xf32>,
      %swap3A_1301 = arith.index_cast %add3A_1291 : i32 to index
      %swap3A_1302 = arith.constant 48 : index
      %swap3A_1303 = tpu.vector_load %arg14[%swap3A_1301, %swap3A_1302] {strides = array<i32>} : memref<512x64xf32, #tpu.memory_space<vmem>>, vector<16xf32>,
      tpu.vector_store %arg14[%swap3A_1301, %swap3A_1302], %broadcast_in_dim3A_8 {strides = array<i32>} : memref<512x64xf32, #tpu.memory_space<vmem>>, vector<16xf32>,
    }
    %scan3A_1249 = arith.constant 512 : i32
    %scan3A_1250 = arith.constant 0 : i32
    %scan3A_1251 = arith.constant 32 : i32
    %scan3A_1252 = arith.addi %scan3A_1250, %scan3A_1251 : i32
    %scan3A_1253 = arith.constant 1 : i32
    scf.for %scan3A_1287 = %scan3A_1250 to %scan3A_1252 step %scan3A_1253  : i32 {
      %mul3A_1288 = arith.constant 1 : i32
      %mul3A_1289 = arith.muli %scan3A_1287, %mul3A_1288 : i32
      %add3A_1290 = arith.constant 0 : i32
      %add3A_1291 = arith.addi %add3A_1290, %mul3A_1289 : i32
      %mul3A_1292 = arith.constant 16 : i32
      %mul3A_1293 = arith.muli %add3A_1291, %mul3A_1292 : i32
      %get3A_1294 = arith.index_cast %mul3A_1293 : i32 to index
      %get3A_1295 = tpu.vector_load %arg8[%get3A_1294] {strides = array<i32>} : memref<512xi32, #tpu.memory_space<vmem>>, vector<16xi32>,
      %mul3A_1296 = arith.constant 16 : i32
      %mul3A_1297 = arith.muli %add3A_1291, %mul3A_1296 : i32
      %get3A_1298 = arith.index_cast %mul3A_1297 : i32 to index
      %get3A_1299 = tpu.vector_load %arg10[%get3A_1298] {strides = array<i32>} : memref<512xi32, #tpu.memory_space<vmem>>, vector<16xi32>,
      %slice3A_1300 = vector.extract_strided_slice %get3A_1299 {offsets = [0], sizes = [1], strides = [1]} : vector<16xi32> to vector<1xi32>
      %squeeze3A_1301 = vector.extract %slice3A_1300[0] : i32 from vector<1xi32>
      %ne3A_1302 = arith.constant 0 : i32
      %ne3A_1303 = arith.cmpi ne, %squeeze3A_1301, %ne3A_1302 : i32
      %convert_element_type3A = arith.extui %ne3A_1303 : i1 to i32
      %cond3A = arith.constant 0 : i32
      %cond3A_1304 = arith.cmpi ne, %convert_element_type3A, %cond3A : i32
      scf.if %cond3A_1304 {
        %slice3A_1410 = vector.extract_strided_slice %get3A_1295 {offsets = [0], sizes = [1], strides = [1]} : vector<16xi32> to vector<1xi32>
        %squeeze3A_1411 = vector.extract %slice3A_1410[0] : i32 from vector<1xi32>
        %mul3A_1412 = arith.constant 16 : i32
        %mul3A_1413 = arith.muli %add3A_1291, %mul3A_1412 : i32
        %add3A_1414 = arith.constant 0 : i32
        %add3A_1415 = arith.addi %mul3A_1413, %add3A_1414 : i32
        %dma_start3A_1416 = arith.constant 0 : i32
        %dma_start3A_1417 = tpu.memref_slice %arg14[%add3A_1415, %dma_start3A_1416] : memref<512x64xf32, #tpu.memory_space<vmem>> -> memref<1x64xf32, #tpu.memory_space<vmem>>
        %dma_start3A_1418 = arith.constant 0 : i32
        %dma_start3A_1419 = tpu.memref_slice %arg5[%squeeze3A_1411, %dma_start3A_1418] : memref<1000000x64xf32, #tpu.memory_space<hbm>> -> memref<1x64xf32, #tpu.memory_space<hbm>>
        %dma_start3A_1420 = arith.constant 0 : i32
        %dma_start3A_1421 = tpu.memref_slice %arg14[%add3A_1415, %dma_start3A_1420] : memref<512x64xf32, #tpu.memory_space<vmem>> -> memref<1x64xf32, #tpu.memory_space<vmem>>
        %dma_start3A_1422 = arith.constant 0 : i32
        %dma_start3A_1423 = tpu.memref_slice %arg5[%squeeze3A_1411, %dma_start3A_1422] : memref<1000000x64xf32, #tpu.memory_space<hbm>> -> memref<1x64xf32, #tpu.memory_space<hbm>>
        tpu.enqueue_dma source(%dma_start3A_1423 : memref<1x64xf32, #tpu.memory_space<hbm>>) target(%dma_start3A_1421 : memref<1x64xf32, #tpu.memory_space<vmem>>) target_semaphore(%arg15 : memref<!tpu.dma_semaphore, #tpu.memory_space<semaphore_mem>>)
      } else {
      }
      %slice3A_1305 = vector.extract_strided_slice %get3A_1299 {offsets = [1], sizes = [1], strides = [1]} : vector<16xi32> to vector<1xi32>
      %squeeze3A_1306 = vector.extract %slice3A_1305[0] : i32 from vector<1xi32>
      %ne3A_1307 = arith.constant 0 : i32
      %ne3A_1308 = arith.cmpi ne, %squeeze3A_1306, %ne3A_1307 : i32
      %convert_element_type3A_1309 = arith.extui %ne3A_1308 : i1 to i32
      %cond3A_1310 = arith.constant 0 : i32
      %cond3A_1311 = arith.cmpi ne, %convert_element_type3A_1309, %cond3A_1310 : i32
      scf.if %cond3A_1311 {
        %slice3A_1410 = vector.extract_strided_slice %get3A_1295 {offsets = [1], sizes = [1], strides = [1]} : vector<16xi32> to vector<1xi32>
        %squeeze3A_1411 = vector.extract %slice3A_1410[0] : i32 from vector<1xi32>
        %mul3A_1412 = arith.constant 16 : i32
        %mul3A_1413 = arith.muli %add3A_1291, %mul3A_1412 : i32
        %add3A_1414 = arith.constant 1 : i32
        %add3A_1415 = arith.addi %mul3A_1413, %add3A_1414 : i32
        %dma_start3A_1416 = arith.constant 0 : i32
        %dma_start3A_1417 = tpu.memref_slice %arg14[%add3A_1415, %dma_start3A_1416] : memref<512x64xf32, #tpu.memory_space<vmem>> -> memref<1x64xf32, #tpu.memory_space<vmem>>
        %dma_start3A_1418 = arith.constant 0 : i32
        %dma_start3A_1419 = tpu.memref_slice %arg5[%squeeze3A_1411, %dma_start3A_1418] : memref<1000000x64xf32, #tpu.memory_space<hbm>> -> memref<1x64xf32, #tpu.memory_space<hbm>>
        %dma_start3A_1420 = arith.constant 0 : i32
        %dma_start3A_1421 = tpu.memref_slice %arg14[%add3A_1415, %dma_start3A_1420] : memref<512x64xf32, #tpu.memory_space<vmem>> -> memref<1x64xf32, #tpu.memory_space<vmem>>
        %dma_start3A_1422 = arith.constant 0 : i32
        %dma_start3A_1423 = tpu.memref_slice %arg5[%squeeze3A_1411, %dma_start3A_1422] : memref<1000000x64xf32, #tpu.memory_space<hbm>> -> memref<1x64xf32, #tpu.memory_space<hbm>>
        tpu.enqueue_dma source(%dma_start3A_1423 : memref<1x64xf32, #tpu.memory_space<hbm>>) target(%dma_start3A_1421 : memref<1x64xf32, #tpu.memory_space<vmem>>) target_semaphore(%arg15 : memref<!tpu.dma_semaphore, #tpu.memory_space<semaphore_mem>>)
      } else {
      }
      %slice3A_1312 = vector.extract_strided_slice %get3A_1299 {offsets = [2], sizes = [1], strides = [1]} : vector<16xi32> to vector<1xi32>
      %squeeze3A_1313 = vector.extract %slice3A_1312[0] : i32 from vector<1xi32>
      %ne3A_1314 = arith.constant 0 : i32
      %ne3A_1315 = arith.cmpi ne, %squeeze3A_1313, %ne3A_1314 : i32
      %convert_element_type3A_1316 = arith.extui %ne3A_1315 : i1 to i32
      %cond3A_1317 = arith.constant 0 : i32
      %cond3A_1318 = arith.cmpi ne, %convert_element_type3A_1316, %cond3A_1317 : i32
      scf.if %cond3A_1318 {
        %slice3A_1410 = vector.extract_strided_slice %get3A_1295 {offsets = [2], sizes = [1], strides = [1]} : vector<16xi32> to vector<1xi32>
        %squeeze3A_1411 = vector.extract %slice3A_1410[0] : i32 from vector<1xi32>
        %mul3A_1412 = arith.constant 16 : i32
        %mul3A_1413 = arith.muli %add3A_1291, %mul3A_1412 : i32
        %add3A_1414 = arith.constant 2 : i32
        %add3A_1415 = arith.addi %mul3A_1413, %add3A_1414 : i32
        %dma_start3A_1416 = arith.constant 0 : i32
        %dma_start3A_1417 = tpu.memref_slice %arg14[%add3A_1415, %dma_start3A_1416] : memref<512x64xf32, #tpu.memory_space<vmem>> -> memref<1x64xf32, #tpu.memory_space<vmem>>
        %dma_start3A_1418 = arith.constant 0 : i32
        %dma_start3A_1419 = tpu.memref_slice %arg5[%squeeze3A_1411, %dma_start3A_1418] : memref<1000000x64xf32, #tpu.memory_space<hbm>> -> memref<1x64xf32, #tpu.memory_space<hbm>>
        %dma_start3A_1420 = arith.constant 0 : i32
        %dma_start3A_1421 = tpu.memref_slice %arg14[%add3A_1415, %dma_start3A_1420] : memref<512x64xf32, #tpu.memory_space<vmem>> -> memref<1x64xf32, #tpu.memory_space<vmem>>
        %dma_start3A_1422 = arith.constant 0 : i32
        %dma_start3A_1423 = tpu.memref_slice %arg5[%squeeze3A_1411, %dma_start3A_1422] : memref<1000000x64xf32, #tpu.memory_space<hbm>> -> memref<1x64xf32, #tpu.memory_space<hbm>>
        tpu.enqueue_dma source(%dma_start3A_1423 : memref<1x64xf32, #tpu.memory_space<hbm>>) target(%dma_start3A_1421 : memref<1x64xf32, #tpu.memory_space<vmem>>) target_semaphore(%arg15 : memref<!tpu.dma_semaphore, #tpu.memory_space<semaphore_mem>>)
      } else {
      }
      %slice3A_1319 = vector.extract_strided_slice %get3A_1299 {offsets = [3], sizes = [1], strides = [1]} : vector<16xi32> to vector<1xi32>
      %squeeze3A_1320 = vector.extract %slice3A_1319[0] : i32 from vector<1xi32>
      %ne3A_1321 = arith.constant 0 : i32
      %ne3A_1322 = arith.cmpi ne, %squeeze3A_1320, %ne3A_1321 : i32
      %convert_element_type3A_1323 = arith.extui %ne3A_1322 : i1 to i32
      %cond3A_1324 = arith.constant 0 : i32
      %cond3A_1325 = arith.cmpi ne, %convert_element_type3A_1323, %cond3A_1324 : i32
      scf.if %cond3A_1325 {
        %slice3A_1410 = vector.extract_strided_slice %get3A_1295 {offsets = [3], sizes = [1], strides = [1]} : vector<16xi32> to vector<1xi32>
        %squeeze3A_1411 = vector.extract %slice3A_1410[0] : i32 from vector<1xi32>
        %mul3A_1412 = arith.constant 16 : i32
        %mul3A_1413 = arith.muli %add3A_1291, %mul3A_1412 : i32
        %add3A_1414 = arith.constant 3 : i32
        %add3A_1415 = arith.addi %mul3A_1413, %add3A_1414 : i32
        %dma_start3A_1416 = arith.constant 0 : i32
        %dma_start3A_1417 = tpu.memref_slice %arg14[%add3A_1415, %dma_start3A_1416] : memref<512x64xf32, #tpu.memory_space<vmem>> -> memref<1x64xf32, #tpu.memory_space<vmem>>
        %dma_start3A_1418 = arith.constant 0 : i32
        %dma_start3A_1419 = tpu.memref_slice %arg5[%squeeze3A_1411, %dma_start3A_1418] : memref<1000000x64xf32, #tpu.memory_space<hbm>> -> memref<1x64xf32, #tpu.memory_space<hbm>>
        %dma_start3A_1420 = arith.constant 0 : i32
        %dma_start3A_1421 = tpu.memref_slice %arg14[%add3A_1415, %dma_start3A_1420] : memref<512x64xf32, #tpu.memory_space<vmem>> -> memref<1x64xf32, #tpu.memory_space<vmem>>
        %dma_start3A_1422 = arith.constant 0 : i32
        %dma_start3A_1423 = tpu.memref_slice %arg5[%squeeze3A_1411, %dma_start3A_1422] : memref<1000000x64xf32, #tpu.memory_space<hbm>> -> memref<1x64xf32, #tpu.memory_space<hbm>>
        tpu.enqueue_dma source(%dma_start3A_1423 : memref<1x64xf32, #tpu.memory_space<hbm>>) target(%dma_start3A_1421 : memref<1x64xf32, #tpu.memory_space<vmem>>) target_semaphore(%arg15 : memref<!tpu.dma_semaphore, #tpu.memory_space<semaphore_mem>>)
      } else {
      }
      %slice3A_1326 = vector.extract_strided_slice %get3A_1299 {offsets = [4], sizes = [1], strides = [1]} : vector<16xi32> to vector<1xi32>
      %squeeze3A_1327 = vector.extract %slice3A_1326[0] : i32 from vector<1xi32>
      %ne3A_1328 = arith.constant 0 : i32
      %ne3A_1329 = arith.cmpi ne, %squeeze3A_1327, %ne3A_1328 : i32
      %convert_element_type3A_1330 = arith.extui %ne3A_1329 : i1 to i32
      %cond3A_1331 = arith.constant 0 : i32
      %cond3A_1332 = arith.cmpi ne, %convert_element_type3A_1330, %cond3A_1331 : i32
      scf.if %cond3A_1332 {
        %slice3A_1410 = vector.extract_strided_slice %get3A_1295 {offsets = [4], sizes = [1], strides = [1]} : vector<16xi32> to vector<1xi32>
        %squeeze3A_1411 = vector.extract %slice3A_1410[0] : i32 from vector<1xi32>
        %mul3A_1412 = arith.constant 16 : i32
        %mul3A_1413 = arith.muli %add3A_1291, %mul3A_1412 : i32
        %add3A_1414 = arith.constant 4 : i32
        %add3A_1415 = arith.addi %mul3A_1413, %add3A_1414 : i32
        %dma_start3A_1416 = arith.constant 0 : i32
        %dma_start3A_1417 = tpu.memref_slice %arg14[%add3A_1415, %dma_start3A_1416] : memref<512x64xf32, #tpu.memory_space<vmem>> -> memref<1x64xf32, #tpu.memory_space<vmem>>
        %dma_start3A_1418 = arith.constant 0 : i32
        %dma_start3A_1419 = tpu.memref_slice %arg5[%squeeze3A_1411, %dma_start3A_1418] : memref<1000000x64xf32, #tpu.memory_space<hbm>> -> memref<1x64xf32, #tpu.memory_space<hbm>>
        %dma_start3A_1420 = arith.constant 0 : i32
        %dma_start3A_1421 = tpu.memref_slice %arg14[%add3A_1415, %dma_start3A_1420] : memref<512x64xf32, #tpu.memory_space<vmem>> -> memref<1x64xf32, #tpu.memory_space<vmem>>
        %dma_start3A_1422 = arith.constant 0 : i32
        %dma_start3A_1423 = tpu.memref_slice %arg5[%squeeze3A_1411, %dma_start3A_1422] : memref<1000000x64xf32, #tpu.memory_space<hbm>> -> memref<1x64xf32, #tpu.memory_space<hbm>>
        tpu.enqueue_dma source(%dma_start3A_1423 : memref<1x64xf32, #tpu.memory_space<hbm>>) target(%dma_start3A_1421 : memref<1x64xf32, #tpu.memory_space<vmem>>) target_semaphore(%arg15 : memref<!tpu.dma_semaphore, #tpu.memory_space<semaphore_mem>>)
      } else {
      }
      %slice3A_1333 = vector.extract_strided_slice %get3A_1299 {offsets = [5], sizes = [1], strides = [1]} : vector<16xi32> to vector<1xi32>
      %squeeze3A_1334 = vector.extract %slice3A_1333[0] : i32 from vector<1xi32>
      %ne3A_1335 = arith.constant 0 : i32
      %ne3A_1336 = arith.cmpi ne, %squeeze3A_1334, %ne3A_1335 : i32
      %convert_element_type3A_1337 = arith.extui %ne3A_1336 : i1 to i32
      %cond3A_1338 = arith.constant 0 : i32
      %cond3A_1339 = arith.cmpi ne, %convert_element_type3A_1337, %cond3A_1338 : i32
      scf.if %cond3A_1339 {
        %slice3A_1410 = vector.extract_strided_slice %get3A_1295 {offsets = [5], sizes = [1], strides = [1]} : vector<16xi32> to vector<1xi32>
        %squeeze3A_1411 = vector.extract %slice3A_1410[0] : i32 from vector<1xi32>
        %mul3A_1412 = arith.constant 16 : i32
        %mul3A_1413 = arith.muli %add3A_1291, %mul3A_1412 : i32
        %add3A_1414 = arith.constant 5 : i32
        %add3A_1415 = arith.addi %mul3A_1413, %add3A_1414 : i32
        %dma_start3A_1416 = arith.constant 0 : i32
        %dma_start3A_1417 = tpu.memref_slice %arg14[%add3A_1415, %dma_start3A_1416] : memref<512x64xf32, #tpu.memory_space<vmem>> -> memref<1x64xf32, #tpu.memory_space<vmem>>
        %dma_start3A_1418 = arith.constant 0 : i32
        %dma_start3A_1419 = tpu.memref_slice %arg5[%squeeze3A_1411, %dma_start3A_1418] : memref<1000000x64xf32, #tpu.memory_space<hbm>> -> memref<1x64xf32, #tpu.memory_space<hbm>>
        %dma_start3A_1420 = arith.constant 0 : i32
        %dma_start3A_1421 = tpu.memref_slice %arg14[%add3A_1415, %dma_start3A_1420] : memref<512x64xf32, #tpu.memory_space<vmem>> -> memref<1x64xf32, #tpu.memory_space<vmem>>
        %dma_start3A_1422 = arith.constant 0 : i32
        %dma_start3A_1423 = tpu.memref_slice %arg5[%squeeze3A_1411, %dma_start3A_1422] : memref<1000000x64xf32, #tpu.memory_space<hbm>> -> memref<1x64xf32, #tpu.memory_space<hbm>>
        tpu.enqueue_dma source(%dma_start3A_1423 : memref<1x64xf32, #tpu.memory_space<hbm>>) target(%dma_start3A_1421 : memref<1x64xf32, #tpu.memory_space<vmem>>) target_semaphore(%arg15 : memref<!tpu.dma_semaphore, #tpu.memory_space<semaphore_mem>>)
      } else {
      }
      %slice3A_1340 = vector.extract_strided_slice %get3A_1299 {offsets = [6], sizes = [1], strides = [1]} : vector<16xi32> to vector<1xi32>
      %squeeze3A_1341 = vector.extract %slice3A_1340[0] : i32 from vector<1xi32>
      %ne3A_1342 = arith.constant 0 : i32
      %ne3A_1343 = arith.cmpi ne, %squeeze3A_1341, %ne3A_1342 : i32
      %convert_element_type3A_1344 = arith.extui %ne3A_1343 : i1 to i32
      %cond3A_1345 = arith.constant 0 : i32
      %cond3A_1346 = arith.cmpi ne, %convert_element_type3A_1344, %cond3A_1345 : i32
      scf.if %cond3A_1346 {
        %slice3A_1410 = vector.extract_strided_slice %get3A_1295 {offsets = [6], sizes = [1], strides = [1]} : vector<16xi32> to vector<1xi32>
        %squeeze3A_1411 = vector.extract %slice3A_1410[0] : i32 from vector<1xi32>
        %mul3A_1412 = arith.constant 16 : i32
        %mul3A_1413 = arith.muli %add3A_1291, %mul3A_1412 : i32
        %add3A_1414 = arith.constant 6 : i32
        %add3A_1415 = arith.addi %mul3A_1413, %add3A_1414 : i32
        %dma_start3A_1416 = arith.constant 0 : i32
        %dma_start3A_1417 = tpu.memref_slice %arg14[%add3A_1415, %dma_start3A_1416] : memref<512x64xf32, #tpu.memory_space<vmem>> -> memref<1x64xf32, #tpu.memory_space<vmem>>
        %dma_start3A_1418 = arith.constant 0 : i32
        %dma_start3A_1419 = tpu.memref_slice %arg5[%squeeze3A_1411, %dma_start3A_1418] : memref<1000000x64xf32, #tpu.memory_space<hbm>> -> memref<1x64xf32, #tpu.memory_space<hbm>>
        %dma_start3A_1420 = arith.constant 0 : i32
        %dma_start3A_1421 = tpu.memref_slice %arg14[%add3A_1415, %dma_start3A_1420] : memref<512x64xf32, #tpu.memory_space<vmem>> -> memref<1x64xf32, #tpu.memory_space<vmem>>
        %dma_start3A_1422 = arith.constant 0 : i32
        %dma_start3A_1423 = tpu.memref_slice %arg5[%squeeze3A_1411, %dma_start3A_1422] : memref<1000000x64xf32, #tpu.memory_space<hbm>> -> memref<1x64xf32, #tpu.memory_space<hbm>>
        tpu.enqueue_dma source(%dma_start3A_1423 : memref<1x64xf32, #tpu.memory_space<hbm>>) target(%dma_start3A_1421 : memref<1x64xf32, #tpu.memory_space<vmem>>) target_semaphore(%arg15 : memref<!tpu.dma_semaphore, #tpu.memory_space<semaphore_mem>>)
      } else {
      }
      %slice3A_1347 = vector.extract_strided_slice %get3A_1299 {offsets = [7], sizes = [1], strides = [1]} : vector<16xi32> to vector<1xi32>
      %squeeze3A_1348 = vector.extract %slice3A_1347[0] : i32 from vector<1xi32>
      %ne3A_1349 = arith.constant 0 : i32
      %ne3A_1350 = arith.cmpi ne, %squeeze3A_1348, %ne3A_1349 : i32
      %convert_element_type3A_1351 = arith.extui %ne3A_1350 : i1 to i32
      %cond3A_1352 = arith.constant 0 : i32
      %cond3A_1353 = arith.cmpi ne, %convert_element_type3A_1351, %cond3A_1352 : i32
      scf.if %cond3A_1353 {
        %slice3A_1410 = vector.extract_strided_slice %get3A_1295 {offsets = [7], sizes = [1], strides = [1]} : vector<16xi32> to vector<1xi32>
        %squeeze3A_1411 = vector.extract %slice3A_1410[0] : i32 from vector<1xi32>
        %mul3A_1412 = arith.constant 16 : i32
        %mul3A_1413 = arith.muli %add3A_1291, %mul3A_1412 : i32
        %add3A_1414 = arith.constant 7 : i32
        %add3A_1415 = arith.addi %mul3A_1413, %add3A_1414 : i32
        %dma_start3A_1416 = arith.constant 0 : i32
        %dma_start3A_1417 = tpu.memref_slice %arg14[%add3A_1415, %dma_start3A_1416] : memref<512x64xf32, #tpu.memory_space<vmem>> -> memref<1x64xf32, #tpu.memory_space<vmem>>
        %dma_start3A_1418 = arith.constant 0 : i32
        %dma_start3A_1419 = tpu.memref_slice %arg5[%squeeze3A_1411, %dma_start3A_1418] : memref<1000000x64xf32, #tpu.memory_space<hbm>> -> memref<1x64xf32, #tpu.memory_space<hbm>>
        %dma_start3A_1420 = arith.constant 0 : i32
        %dma_start3A_1421 = tpu.memref_slice %arg14[%add3A_1415, %dma_start3A_1420] : memref<512x64xf32, #tpu.memory_space<vmem>> -> memref<1x64xf32, #tpu.memory_space<vmem>>
        %dma_start3A_1422 = arith.constant 0 : i32
        %dma_start3A_1423 = tpu.memref_slice %arg5[%squeeze3A_1411, %dma_start3A_1422] : memref<1000000x64xf32, #tpu.memory_space<hbm>> -> memref<1x64xf32, #tpu.memory_space<hbm>>
        tpu.enqueue_dma source(%dma_start3A_1423 : memref<1x64xf32, #tpu.memory_space<hbm>>) target(%dma_start3A_1421 : memref<1x64xf32, #tpu.memory_space<vmem>>) target_semaphore(%arg15 : memref<!tpu.dma_semaphore, #tpu.memory_space<semaphore_mem>>)
      } else {
      }
      %slice3A_1354 = vector.extract_strided_slice %get3A_1299 {offsets = [8], sizes = [1], strides = [1]} : vector<16xi32> to vector<1xi32>
      %squeeze3A_1355 = vector.extract %slice3A_1354[0] : i32 from vector<1xi32>
      %ne3A_1356 = arith.constant 0 : i32
      %ne3A_1357 = arith.cmpi ne, %squeeze3A_1355, %ne3A_1356 : i32
      %convert_element_type3A_1358 = arith.extui %ne3A_1357 : i1 to i32
      %cond3A_1359 = arith.constant 0 : i32
      %cond3A_1360 = arith.cmpi ne, %convert_element_type3A_1358, %cond3A_1359 : i32
      scf.if %cond3A_1360 {
        %slice3A_1410 = vector.extract_strided_slice %get3A_1295 {offsets = [8], sizes = [1], strides = [1]} : vector<16xi32> to vector<1xi32>
        %squeeze3A_1411 = vector.extract %slice3A_1410[0] : i32 from vector<1xi32>
        %mul3A_1412 = arith.constant 16 : i32
        %mul3A_1413 = arith.muli %add3A_1291, %mul3A_1412 : i32
        %add3A_1414 = arith.constant 8 : i32
        %add3A_1415 = arith.addi %mul3A_1413, %add3A_1414 : i32
        %dma_start3A_1416 = arith.constant 0 : i32
        %dma_start3A_1417 = tpu.memref_slice %arg14[%add3A_1415, %dma_start3A_1416] : memref<512x64xf32, #tpu.memory_space<vmem>> -> memref<1x64xf32, #tpu.memory_space<vmem>>
        %dma_start3A_1418 = arith.constant 0 : i32
        %dma_start3A_1419 = tpu.memref_slice %arg5[%squeeze3A_1411, %dma_start3A_1418] : memref<1000000x64xf32, #tpu.memory_space<hbm>> -> memref<1x64xf32, #tpu.memory_space<hbm>>
        %dma_start3A_1420 = arith.constant 0 : i32
        %dma_start3A_1421 = tpu.memref_slice %arg14[%add3A_1415, %dma_start3A_1420] : memref<512x64xf32, #tpu.memory_space<vmem>> -> memref<1x64xf32, #tpu.memory_space<vmem>>
        %dma_start3A_1422 = arith.constant 0 : i32
        %dma_start3A_1423 = tpu.memref_slice %arg5[%squeeze3A_1411, %dma_start3A_1422] : memref<1000000x64xf32, #tpu.memory_space<hbm>> -> memref<1x64xf32, #tpu.memory_space<hbm>>
        tpu.enqueue_dma source(%dma_start3A_1423 : memref<1x64xf32, #tpu.memory_space<hbm>>) target(%dma_start3A_1421 : memref<1x64xf32, #tpu.memory_space<vmem>>) target_semaphore(%arg15 : memref<!tpu.dma_semaphore, #tpu.memory_space<semaphore_mem>>)
      } else {
      }
      %slice3A_1361 = vector.extract_strided_slice %get3A_1299 {offsets = [9], sizes = [1], strides = [1]} : vector<16xi32> to vector<1xi32>
      %squeeze3A_1362 = vector.extract %slice3A_1361[0] : i32 from vector<1xi32>
      %ne3A_1363 = arith.constant 0 : i32
      %ne3A_1364 = arith.cmpi ne, %squeeze3A_1362, %ne3A_1363 : i32
      %convert_element_type3A_1365 = arith.extui %ne3A_1364 : i1 to i32
      %cond3A_1366 = arith.constant 0 : i32
      %cond3A_1367 = arith.cmpi ne, %convert_element_type3A_1365, %cond3A_1366 : i32
      scf.if %cond3A_1367 {
        %slice3A_1410 = vector.extract_strided_slice %get3A_1295 {offsets = [9], sizes = [1], strides = [1]} : vector<16xi32> to vector<1xi32>
        %squeeze3A_1411 = vector.extract %slice3A_1410[0] : i32 from vector<1xi32>
        %mul3A_1412 = arith.constant 16 : i32
        %mul3A_1413 = arith.muli %add3A_1291, %mul3A_1412 : i32
        %add3A_1414 = arith.constant 9 : i32
        %add3A_1415 = arith.addi %mul3A_1413, %add3A_1414 : i32
        %dma_start3A_1416 = arith.constant 0 : i32
        %dma_start3A_1417 = tpu.memref_slice %arg14[%add3A_1415, %dma_start3A_1416] : memref<512x64xf32, #tpu.memory_space<vmem>> -> memref<1x64xf32, #tpu.memory_space<vmem>>
        %dma_start3A_1418 = arith.constant 0 : i32
        %dma_start3A_1419 = tpu.memref_slice %arg5[%squeeze3A_1411, %dma_start3A_1418] : memref<1000000x64xf32, #tpu.memory_space<hbm>> -> memref<1x64xf32, #tpu.memory_space<hbm>>
        %dma_start3A_1420 = arith.constant 0 : i32
        %dma_start3A_1421 = tpu.memref_slice %arg14[%add3A_1415, %dma_start3A_1420] : memref<512x64xf32, #tpu.memory_space<vmem>> -> memref<1x64xf32, #tpu.memory_space<vmem>>
        %dma_start3A_1422 = arith.constant 0 : i32
        %dma_start3A_1423 = tpu.memref_slice %arg5[%squeeze3A_1411, %dma_start3A_1422] : memref<1000000x64xf32, #tpu.memory_space<hbm>> -> memref<1x64xf32, #tpu.memory_space<hbm>>
        tpu.enqueue_dma source(%dma_start3A_1423 : memref<1x64xf32, #tpu.memory_space<hbm>>) target(%dma_start3A_1421 : memref<1x64xf32, #tpu.memory_space<vmem>>) target_semaphore(%arg15 : memref<!tpu.dma_semaphore, #tpu.memory_space<semaphore_mem>>)
      } else {
      }
      %slice3A_1368 = vector.extract_strided_slice %get3A_1299 {offsets = [10], sizes = [1], strides = [1]} : vector<16xi32> to vector<1xi32>
      %squeeze3A_1369 = vector.extract %slice3A_1368[0] : i32 from vector<1xi32>
      %ne3A_1370 = arith.constant 0 : i32
      %ne3A_1371 = arith.cmpi ne, %squeeze3A_1369, %ne3A_1370 : i32
      %convert_element_type3A_1372 = arith.extui %ne3A_1371 : i1 to i32
      %cond3A_1373 = arith.constant 0 : i32
      %cond3A_1374 = arith.cmpi ne, %convert_element_type3A_1372, %cond3A_1373 : i32
      scf.if %cond3A_1374 {
        %slice3A_1410 = vector.extract_strided_slice %get3A_1295 {offsets = [10], sizes = [1], strides = [1]} : vector<16xi32> to vector<1xi32>
        %squeeze3A_1411 = vector.extract %slice3A_1410[0] : i32 from vector<1xi32>
        %mul3A_1412 = arith.constant 16 : i32
        %mul3A_1413 = arith.muli %add3A_1291, %mul3A_1412 : i32
        %add3A_1414 = arith.constant 10 : i32
        %add3A_1415 = arith.addi %mul3A_1413, %add3A_1414 : i32
        %dma_start3A_1416 = arith.constant 0 : i32
        %dma_start3A_1417 = tpu.memref_slice %arg14[%add3A_1415, %dma_start3A_1416] : memref<512x64xf32, #tpu.memory_space<vmem>> -> memref<1x64xf32, #tpu.memory_space<vmem>>
        %dma_start3A_1418 = arith.constant 0 : i32
        %dma_start3A_1419 = tpu.memref_slice %arg5[%squeeze3A_1411, %dma_start3A_1418] : memref<1000000x64xf32, #tpu.memory_space<hbm>> -> memref<1x64xf32, #tpu.memory_space<hbm>>
        %dma_start3A_1420 = arith.constant 0 : i32
        %dma_start3A_1421 = tpu.memref_slice %arg14[%add3A_1415, %dma_start3A_1420] : memref<512x64xf32, #tpu.memory_space<vmem>> -> memref<1x64xf32, #tpu.memory_space<vmem>>
        %dma_start3A_1422 = arith.constant 0 : i32
        %dma_start3A_1423 = tpu.memref_slice %arg5[%squeeze3A_1411, %dma_start3A_1422] : memref<1000000x64xf32, #tpu.memory_space<hbm>> -> memref<1x64xf32, #tpu.memory_space<hbm>>
        tpu.enqueue_dma source(%dma_start3A_1423 : memref<1x64xf32, #tpu.memory_space<hbm>>) target(%dma_start3A_1421 : memref<1x64xf32, #tpu.memory_space<vmem>>) target_semaphore(%arg15 : memref<!tpu.dma_semaphore, #tpu.memory_space<semaphore_mem>>)
      } else {
      }
      %slice3A_1375 = vector.extract_strided_slice %get3A_1299 {offsets = [11], sizes = [1], strides = [1]} : vector<16xi32> to vector<1xi32>
      %squeeze3A_1376 = vector.extract %slice3A_1375[0] : i32 from vector<1xi32>
      %ne3A_1377 = arith.constant 0 : i32
      %ne3A_1378 = arith.cmpi ne, %squeeze3A_1376, %ne3A_1377 : i32
      %convert_element_type3A_1379 = arith.extui %ne3A_1378 : i1 to i32
      %cond3A_1380 = arith.constant 0 : i32
      %cond3A_1381 = arith.cmpi ne, %convert_element_type3A_1379, %cond3A_1380 : i32
      scf.if %cond3A_1381 {
        %slice3A_1410 = vector.extract_strided_slice %get3A_1295 {offsets = [11], sizes = [1], strides = [1]} : vector<16xi32> to vector<1xi32>
        %squeeze3A_1411 = vector.extract %slice3A_1410[0] : i32 from vector<1xi32>
        %mul3A_1412 = arith.constant 16 : i32
        %mul3A_1413 = arith.muli %add3A_1291, %mul3A_1412 : i32
        %add3A_1414 = arith.constant 11 : i32
        %add3A_1415 = arith.addi %mul3A_1413, %add3A_1414 : i32
        %dma_start3A_1416 = arith.constant 0 : i32
        %dma_start3A_1417 = tpu.memref_slice %arg14[%add3A_1415, %dma_start3A_1416] : memref<512x64xf32, #tpu.memory_space<vmem>> -> memref<1x64xf32, #tpu.memory_space<vmem>>
        %dma_start3A_1418 = arith.constant 0 : i32
        %dma_start3A_1419 = tpu.memref_slice %arg5[%squeeze3A_1411, %dma_start3A_1418] : memref<1000000x64xf32, #tpu.memory_space<hbm>> -> memref<1x64xf32, #tpu.memory_space<hbm>>
        %dma_start3A_1420 = arith.constant 0 : i32
        %dma_start3A_1421 = tpu.memref_slice %arg14[%add3A_1415, %dma_start3A_1420] : memref<512x64xf32, #tpu.memory_space<vmem>> -> memref<1x64xf32, #tpu.memory_space<vmem>>
        %dma_start3A_1422 = arith.constant 0 : i32
        %dma_start3A_1423 = tpu.memref_slice %arg5[%squeeze3A_1411, %dma_start3A_1422] : memref<1000000x64xf32, #tpu.memory_space<hbm>> -> memref<1x64xf32, #tpu.memory_space<hbm>>
        tpu.enqueue_dma source(%dma_start3A_1423 : memref<1x64xf32, #tpu.memory_space<hbm>>) target(%dma_start3A_1421 : memref<1x64xf32, #tpu.memory_space<vmem>>) target_semaphore(%arg15 : memref<!tpu.dma_semaphore, #tpu.memory_space<semaphore_mem>>)
      } else {
      }
      %slice3A_1382 = vector.extract_strided_slice %get3A_1299 {offsets = [12], sizes = [1], strides = [1]} : vector<16xi32> to vector<1xi32>
      %squeeze3A_1383 = vector.extract %slice3A_1382[0] : i32 from vector<1xi32>
      %ne3A_1384 = arith.constant 0 : i32
      %ne3A_1385 = arith.cmpi ne, %squeeze3A_1383, %ne3A_1384 : i32
      %convert_element_type3A_1386 = arith.extui %ne3A_1385 : i1 to i32
      %cond3A_1387 = arith.constant 0 : i32
      %cond3A_1388 = arith.cmpi ne, %convert_element_type3A_1386, %cond3A_1387 : i32
      scf.if %cond3A_1388 {
        %slice3A_1410 = vector.extract_strided_slice %get3A_1295 {offsets = [12], sizes = [1], strides = [1]} : vector<16xi32> to vector<1xi32>
        %squeeze3A_1411 = vector.extract %slice3A_1410[0] : i32 from vector<1xi32>
        %mul3A_1412 = arith.constant 16 : i32
        %mul3A_1413 = arith.muli %add3A_1291, %mul3A_1412 : i32
        %add3A_1414 = arith.constant 12 : i32
        %add3A_1415 = arith.addi %mul3A_1413, %add3A_1414 : i32
        %dma_start3A_1416 = arith.constant 0 : i32
        %dma_start3A_1417 = tpu.memref_slice %arg14[%add3A_1415, %dma_start3A_1416] : memref<512x64xf32, #tpu.memory_space<vmem>> -> memref<1x64xf32, #tpu.memory_space<vmem>>
        %dma_start3A_1418 = arith.constant 0 : i32
        %dma_start3A_1419 = tpu.memref_slice %arg5[%squeeze3A_1411, %dma_start3A_1418] : memref<1000000x64xf32, #tpu.memory_space<hbm>> -> memref<1x64xf32, #tpu.memory_space<hbm>>
        %dma_start3A_1420 = arith.constant 0 : i32
        %dma_start3A_1421 = tpu.memref_slice %arg14[%add3A_1415, %dma_start3A_1420] : memref<512x64xf32, #tpu.memory_space<vmem>> -> memref<1x64xf32, #tpu.memory_space<vmem>>
        %dma_start3A_1422 = arith.constant 0 : i32
        %dma_start3A_1423 = tpu.memref_slice %arg5[%squeeze3A_1411, %dma_start3A_1422] : memref<1000000x64xf32, #tpu.memory_space<hbm>> -> memref<1x64xf32, #tpu.memory_space<hbm>>
        tpu.enqueue_dma source(%dma_start3A_1423 : memref<1x64xf32, #tpu.memory_space<hbm>>) target(%dma_start3A_1421 : memref<1x64xf32, #tpu.memory_space<vmem>>) target_semaphore(%arg15 : memref<!tpu.dma_semaphore, #tpu.memory_space<semaphore_mem>>)
      } else {
      }
      %slice3A_1389 = vector.extract_strided_slice %get3A_1299 {offsets = [13], sizes = [1], strides = [1]} : vector<16xi32> to vector<1xi32>
      %squeeze3A_1390 = vector.extract %slice3A_1389[0] : i32 from vector<1xi32>
      %ne3A_1391 = arith.constant 0 : i32
      %ne3A_1392 = arith.cmpi ne, %squeeze3A_1390, %ne3A_1391 : i32
      %convert_element_type3A_1393 = arith.extui %ne3A_1392 : i1 to i32
      %cond3A_1394 = arith.constant 0 : i32
      %cond3A_1395 = arith.cmpi ne, %convert_element_type3A_1393, %cond3A_1394 : i32
      scf.if %cond3A_1395 {
        %slice3A_1410 = vector.extract_strided_slice %get3A_1295 {offsets = [13], sizes = [1], strides = [1]} : vector<16xi32> to vector<1xi32>
        %squeeze3A_1411 = vector.extract %slice3A_1410[0] : i32 from vector<1xi32>
        %mul3A_1412 = arith.constant 16 : i32
        %mul3A_1413 = arith.muli %add3A_1291, %mul3A_1412 : i32
        %add3A_1414 = arith.constant 13 : i32
        %add3A_1415 = arith.addi %mul3A_1413, %add3A_1414 : i32
        %dma_start3A_1416 = arith.constant 0 : i32
        %dma_start3A_1417 = tpu.memref_slice %arg14[%add3A_1415, %dma_start3A_1416] : memref<512x64xf32, #tpu.memory_space<vmem>> -> memref<1x64xf32, #tpu.memory_space<vmem>>
        %dma_start3A_1418 = arith.constant 0 : i32
        %dma_start3A_1419 = tpu.memref_slice %arg5[%squeeze3A_1411, %dma_start3A_1418] : memref<1000000x64xf32, #tpu.memory_space<hbm>> -> memref<1x64xf32, #tpu.memory_space<hbm>>
        %dma_start3A_1420 = arith.constant 0 : i32
        %dma_start3A_1421 = tpu.memref_slice %arg14[%add3A_1415, %dma_start3A_1420] : memref<512x64xf32, #tpu.memory_space<vmem>> -> memref<1x64xf32, #tpu.memory_space<vmem>>
        %dma_start3A_1422 = arith.constant 0 : i32
        %dma_start3A_1423 = tpu.memref_slice %arg5[%squeeze3A_1411, %dma_start3A_1422] : memref<1000000x64xf32, #tpu.memory_space<hbm>> -> memref<1x64xf32, #tpu.memory_space<hbm>>
        tpu.enqueue_dma source(%dma_start3A_1423 : memref<1x64xf32, #tpu.memory_space<hbm>>) target(%dma_start3A_1421 : memref<1x64xf32, #tpu.memory_space<vmem>>) target_semaphore(%arg15 : memref<!tpu.dma_semaphore, #tpu.memory_space<semaphore_mem>>)
      } else {
      }
      %slice3A_1396 = vector.extract_strided_slice %get3A_1299 {offsets = [14], sizes = [1], strides = [1]} : vector<16xi32> to vector<1xi32>
      %squeeze3A_1397 = vector.extract %slice3A_1396[0] : i32 from vector<1xi32>
      %ne3A_1398 = arith.constant 0 : i32
      %ne3A_1399 = arith.cmpi ne, %squeeze3A_1397, %ne3A_1398 : i32
      %convert_element_type3A_1400 = arith.extui %ne3A_1399 : i1 to i32
      %cond3A_1401 = arith.constant 0 : i32
      %cond3A_1402 = arith.cmpi ne, %convert_element_type3A_1400, %cond3A_1401 : i32
      scf.if %cond3A_1402 {
        %slice3A_1410 = vector.extract_strided_slice %get3A_1295 {offsets = [14], sizes = [1], strides = [1]} : vector<16xi32> to vector<1xi32>
        %squeeze3A_1411 = vector.extract %slice3A_1410[0] : i32 from vector<1xi32>
        %mul3A_1412 = arith.constant 16 : i32
        %mul3A_1413 = arith.muli %add3A_1291, %mul3A_1412 : i32
        %add3A_1414 = arith.constant 14 : i32
        %add3A_1415 = arith.addi %mul3A_1413, %add3A_1414 : i32
        %dma_start3A_1416 = arith.constant 0 : i32
        %dma_start3A_1417 = tpu.memref_slice %arg14[%add3A_1415, %dma_start3A_1416] : memref<512x64xf32, #tpu.memory_space<vmem>> -> memref<1x64xf32, #tpu.memory_space<vmem>>
        %dma_start3A_1418 = arith.constant 0 : i32
        %dma_start3A_1419 = tpu.memref_slice %arg5[%squeeze3A_1411, %dma_start3A_1418] : memref<1000000x64xf32, #tpu.memory_space<hbm>> -> memref<1x64xf32, #tpu.memory_space<hbm>>
        %dma_start3A_1420 = arith.constant 0 : i32
        %dma_start3A_1421 = tpu.memref_slice %arg14[%add3A_1415, %dma_start3A_1420] : memref<512x64xf32, #tpu.memory_space<vmem>> -> memref<1x64xf32, #tpu.memory_space<vmem>>
        %dma_start3A_1422 = arith.constant 0 : i32
        %dma_start3A_1423 = tpu.memref_slice %arg5[%squeeze3A_1411, %dma_start3A_1422] : memref<1000000x64xf32, #tpu.memory_space<hbm>> -> memref<1x64xf32, #tpu.memory_space<hbm>>
        tpu.enqueue_dma source(%dma_start3A_1423 : memref<1x64xf32, #tpu.memory_space<hbm>>) target(%dma_start3A_1421 : memref<1x64xf32, #tpu.memory_space<vmem>>) target_semaphore(%arg15 : memref<!tpu.dma_semaphore, #tpu.memory_space<semaphore_mem>>)
      } else {
      }
      %slice3A_1403 = vector.extract_strided_slice %get3A_1299 {offsets = [15], sizes = [1], strides = [1]} : vector<16xi32> to vector<1xi32>
      %squeeze3A_1404 = vector.extract %slice3A_1403[0] : i32 from vector<1xi32>
      %ne3A_1405 = arith.constant 0 : i32
      %ne3A_1406 = arith.cmpi ne, %squeeze3A_1404, %ne3A_1405 : i32
      %convert_element_type3A_1407 = arith.extui %ne3A_1406 : i1 to i32
      %cond3A_1408 = arith.constant 0 : i32
      %cond3A_1409 = arith.cmpi ne, %convert_element_type3A_1407, %cond3A_1408 : i32
      scf.if %cond3A_1409 {
        %slice3A_1410 = vector.extract_strided_slice %get3A_1295 {offsets = [15], sizes = [1], strides = [1]} : vector<16xi32> to vector<1xi32>
        %squeeze3A_1411 = vector.extract %slice3A_1410[0] : i32 from vector<1xi32>
        %mul3A_1412 = arith.constant 16 : i32
        %mul3A_1413 = arith.muli %add3A_1291, %mul3A_1412 : i32
        %add3A_1414 = arith.constant 15 : i32
        %add3A_1415 = arith.addi %mul3A_1413, %add3A_1414 : i32
        %dma_start3A_1416 = arith.constant 0 : i32
        %dma_start3A_1417 = tpu.memref_slice %arg14[%add3A_1415, %dma_start3A_1416] : memref<512x64xf32, #tpu.memory_space<vmem>> -> memref<1x64xf32, #tpu.memory_space<vmem>>
        %dma_start3A_1418 = arith.constant 0 : i32
        %dma_start3A_1419 = tpu.memref_slice %arg5[%squeeze3A_1411, %dma_start3A_1418] : memref<1000000x64xf32, #tpu.memory_space<hbm>> -> memref<1x64xf32, #tpu.memory_space<hbm>>
        %dma_start3A_1420 = arith.constant 0 : i32
        %dma_start3A_1421 = tpu.memref_slice %arg14[%add3A_1415, %dma_start3A_1420] : memref<512x64xf32, #tpu.memory_space<vmem>> -> memref<1x64xf32, #tpu.memory_space<vmem>>
        %dma_start3A_1422 = arith.constant 0 : i32
        %dma_start3A_1423 = tpu.memref_slice %arg5[%squeeze3A_1411, %dma_start3A_1422] : memref<1000000x64xf32, #tpu.memory_space<hbm>> -> memref<1x64xf32, #tpu.memory_space<hbm>>
        tpu.enqueue_dma source(%dma_start3A_1423 : memref<1x64xf32, #tpu.memory_space<hbm>>) target(%dma_start3A_1421 : memref<1x64xf32, #tpu.memory_space<vmem>>) target_semaphore(%arg15 : memref<!tpu.dma_semaphore, #tpu.memory_space<semaphore_mem>>)
      } else {
      }
    }
    %scan3A_1254 = arith.constant 32 : i32
    %get3A_1255 = arith.constant 0 : i32
    %get3A_1256 = arith.index_cast %get3A_1255 : i32 to index
    %get3A_1257 = arith.constant 0 : index
    %get3A_1258 = tpu.vector_load %arg13[%get3A_1256, %get3A_1257] {strides = array<i32>} : memref<1x64xf32, #tpu.memory_space<vmem>>, vector<16xf32>,
    %get3A_1259 = arith.constant 0 : i32
    %get3A_1260 = arith.index_cast %get3A_1259 : i32 to index
    %get3A_1261 = arith.constant 16 : index
    %get3A_1262 = tpu.vector_load %arg13[%get3A_1260, %get3A_1261] {strides = array<i32>} : memref<1x64xf32, #tpu.memory_space<vmem>>, vector<16xf32>,
    %get3A_1263 = arith.constant 0 : i32
    %get3A_1264 = arith.index_cast %get3A_1263 : i32 to index
    %get3A_1265 = arith.constant 32 : index
    %get3A_1266 = tpu.vector_load %arg13[%get3A_1264, %get3A_1265] {strides = array<i32>} : memref<1x64xf32, #tpu.memory_space<vmem>>, vector<16xf32>,
    %get3A_1267 = arith.constant 0 : i32
    %get3A_1268 = arith.index_cast %get3A_1267 : i32 to index
    %get3A_1269 = arith.constant 48 : index
    %get3A_1270 = tpu.vector_load %arg13[%get3A_1268, %get3A_1269] {strides = array<i32>} : memref<1x64xf32, #tpu.memory_space<vmem>>, vector<16xf32>,
    %scan3A_1271 = arith.constant 0 : i32
    %scan3A_1272 = arith.constant 32 : i32
    %scan3A_1273 = arith.addi %scan3A_1271, %scan3A_1272 : i32
    %scan3A_1274 = arith.constant 1 : i32
    scf.for %scan3A_1287 = %scan3A_1271 to %scan3A_1273 step %scan3A_1274  : i32 {
      %mul3A_1288 = arith.constant 1 : i32
      %mul3A_1289 = arith.muli %scan3A_1287, %mul3A_1288 : i32
      %add3A_1290 = arith.constant 0 : i32
      %add3A_1291 = arith.addi %add3A_1290, %mul3A_1289 : i32
      %mul3A_1292 = arith.constant 16 : i32
      %mul3A_1293 = arith.muli %add3A_1291, %mul3A_1292 : i32
      %get3A_1294 = arith.index_cast %mul3A_1293 : i32 to index
      %get3A_1295 = tpu.vector_load %arg11[%get3A_1294] {strides = array<i32>} : memref<512xi32, #tpu.memory_space<vmem>>, vector<16xi32>,
      %slice3A_1296 = vector.extract_strided_slice %get3A_1295 {offsets = [0], sizes = [1], strides = [1]} : vector<16xi32> to vector<1xi32>
      %squeeze3A_1297 = vector.extract %slice3A_1296[0] : i32 from vector<1xi32>
      %ne3A_1298 = arith.constant 0 : i32
      %ne3A_1299 = arith.cmpi ne, %squeeze3A_1297, %ne3A_1298 : i32
      %convert_element_type3A = arith.extui %ne3A_1299 : i1 to i32
      %cond3A = arith.constant 0 : i32
      %cond3A_1300 = arith.cmpi ne, %convert_element_type3A, %cond3A : i32
      scf.if %cond3A_1300 {
        %mul3A_1406 = arith.constant 16 : i32
        %mul3A_1407 = arith.muli %add3A_1291, %mul3A_1406 : i32
        %add3A_1408 = arith.constant 0 : i32
        %add3A_1409 = arith.addi %mul3A_1407, %add3A_1408 : i32
        %swap3A_1410 = arith.index_cast %add3A_1409 : i32 to index
        %swap3A_1411 = arith.constant 0 : index
        %swap3A_1412 = tpu.vector_load %arg14[%swap3A_1410, %swap3A_1411] {strides = array<i32>} : memref<512x64xf32, #tpu.memory_space<vmem>>, vector<16xf32>,
        tpu.vector_store %arg14[%swap3A_1410, %swap3A_1411], %get3A_1258 {strides = array<i32>} : memref<512x64xf32, #tpu.memory_space<vmem>>, vector<16xf32>,
        %mul3A_1413 = arith.constant 16 : i32
        %mul3A_1414 = arith.muli %add3A_1291, %mul3A_1413 : i32
        %add3A_1415 = arith.constant 0 : i32
        %add3A_1416 = arith.addi %mul3A_1414, %add3A_1415 : i32
        %swap3A_1417 = arith.index_cast %add3A_1416 : i32 to index
        %swap3A_1418 = arith.constant 16 : index
        %swap3A_1419 = tpu.vector_load %arg14[%swap3A_1417, %swap3A_1418] {strides = array<i32>} : memref<512x64xf32, #tpu.memory_space<vmem>>, vector<16xf32>,
        tpu.vector_store %arg14[%swap3A_1417, %swap3A_1418], %get3A_1262 {strides = array<i32>} : memref<512x64xf32, #tpu.memory_space<vmem>>, vector<16xf32>,
        %mul3A_1420 = arith.constant 16 : i32
        %mul3A_1421 = arith.muli %add3A_1291, %mul3A_1420 : i32
        %add3A_1422 = arith.constant 0 : i32
        %add3A_1423 = arith.addi %mul3A_1421, %add3A_1422 : i32
        %swap3A_1424 = arith.index_cast %add3A_1423 : i32 to index
        %swap3A_1425 = arith.constant 32 : index
        %swap3A_1426 = tpu.vector_load %arg14[%swap3A_1424, %swap3A_1425] {strides = array<i32>} : memref<512x64xf32, #tpu.memory_space<vmem>>, vector<16xf32>,
        tpu.vector_store %arg14[%swap3A_1424, %swap3A_1425], %get3A_1266 {strides = array<i32>} : memref<512x64xf32, #tpu.memory_space<vmem>>, vector<16xf32>,
        %mul3A_1427 = arith.constant 16 : i32
        %mul3A_1428 = arith.muli %add3A_1291, %mul3A_1427 : i32
        %add3A_1429 = arith.constant 0 : i32
        %add3A_1430 = arith.addi %mul3A_1428, %add3A_1429 : i32
        %swap3A_1431 = arith.index_cast %add3A_1430 : i32 to index
        %swap3A_1432 = arith.constant 48 : index
        %swap3A_1433 = tpu.vector_load %arg14[%swap3A_1431, %swap3A_1432] {strides = array<i32>} : memref<512x64xf32, #tpu.memory_space<vmem>>, vector<16xf32>,
        tpu.vector_store %arg14[%swap3A_1431, %swap3A_1432], %get3A_1270 {strides = array<i32>} : memref<512x64xf32, #tpu.memory_space<vmem>>, vector<16xf32>,
      } else {
      }
      %slice3A_1301 = vector.extract_strided_slice %get3A_1295 {offsets = [1], sizes = [1], strides = [1]} : vector<16xi32> to vector<1xi32>
      %squeeze3A_1302 = vector.extract %slice3A_1301[0] : i32 from vector<1xi32>
      %ne3A_1303 = arith.constant 0 : i32
      %ne3A_1304 = arith.cmpi ne, %squeeze3A_1302, %ne3A_1303 : i32
      %convert_element_type3A_1305 = arith.extui %ne3A_1304 : i1 to i32
      %cond3A_1306 = arith.constant 0 : i32
      %cond3A_1307 = arith.cmpi ne, %convert_element_type3A_1305, %cond3A_1306 : i32
      scf.if %cond3A_1307 {
        %mul3A_1406 = arith.constant 16 : i32
        %mul3A_1407 = arith.muli %add3A_1291, %mul3A_1406 : i32
        %add3A_1408 = arith.constant 1 : i32
        %add3A_1409 = arith.addi %mul3A_1407, %add3A_1408 : i32
        %swap3A_1410 = arith.index_cast %add3A_1409 : i32 to index
        %swap3A_1411 = arith.constant 0 : index
        %swap3A_1412 = tpu.vector_load %arg14[%swap3A_1410, %swap3A_1411] {strides = array<i32>} : memref<512x64xf32, #tpu.memory_space<vmem>>, vector<16xf32>,
        tpu.vector_store %arg14[%swap3A_1410, %swap3A_1411], %get3A_1258 {strides = array<i32>} : memref<512x64xf32, #tpu.memory_space<vmem>>, vector<16xf32>,
        %mul3A_1413 = arith.constant 16 : i32
        %mul3A_1414 = arith.muli %add3A_1291, %mul3A_1413 : i32
        %add3A_1415 = arith.constant 1 : i32
        %add3A_1416 = arith.addi %mul3A_1414, %add3A_1415 : i32
        %swap3A_1417 = arith.index_cast %add3A_1416 : i32 to index
        %swap3A_1418 = arith.constant 16 : index
        %swap3A_1419 = tpu.vector_load %arg14[%swap3A_1417, %swap3A_1418] {strides = array<i32>} : memref<512x64xf32, #tpu.memory_space<vmem>>, vector<16xf32>,
        tpu.vector_store %arg14[%swap3A_1417, %swap3A_1418], %get3A_1262 {strides = array<i32>} : memref<512x64xf32, #tpu.memory_space<vmem>>, vector<16xf32>,
        %mul3A_1420 = arith.constant 16 : i32
        %mul3A_1421 = arith.muli %add3A_1291, %mul3A_1420 : i32
        %add3A_1422 = arith.constant 1 : i32
        %add3A_1423 = arith.addi %mul3A_1421, %add3A_1422 : i32
        %swap3A_1424 = arith.index_cast %add3A_1423 : i32 to index
        %swap3A_1425 = arith.constant 32 : index
        %swap3A_1426 = tpu.vector_load %arg14[%swap3A_1424, %swap3A_1425] {strides = array<i32>} : memref<512x64xf32, #tpu.memory_space<vmem>>, vector<16xf32>,
        tpu.vector_store %arg14[%swap3A_1424, %swap3A_1425], %get3A_1266 {strides = array<i32>} : memref<512x64xf32, #tpu.memory_space<vmem>>, vector<16xf32>,
        %mul3A_1427 = arith.constant 16 : i32
        %mul3A_1428 = arith.muli %add3A_1291, %mul3A_1427 : i32
        %add3A_1429 = arith.constant 1 : i32
        %add3A_1430 = arith.addi %mul3A_1428, %add3A_1429 : i32
        %swap3A_1431 = arith.index_cast %add3A_1430 : i32 to index
        %swap3A_1432 = arith.constant 48 : index
        %swap3A_1433 = tpu.vector_load %arg14[%swap3A_1431, %swap3A_1432] {strides = array<i32>} : memref<512x64xf32, #tpu.memory_space<vmem>>, vector<16xf32>,
        tpu.vector_store %arg14[%swap3A_1431, %swap3A_1432], %get3A_1270 {strides = array<i32>} : memref<512x64xf32, #tpu.memory_space<vmem>>, vector<16xf32>,
      } else {
      }
      %slice3A_1308 = vector.extract_strided_slice %get3A_1295 {offsets = [2], sizes = [1], strides = [1]} : vector<16xi32> to vector<1xi32>
      %squeeze3A_1309 = vector.extract %slice3A_1308[0] : i32 from vector<1xi32>
      %ne3A_1310 = arith.constant 0 : i32
      %ne3A_1311 = arith.cmpi ne, %squeeze3A_1309, %ne3A_1310 : i32
      %convert_element_type3A_1312 = arith.extui %ne3A_1311 : i1 to i32
      %cond3A_1313 = arith.constant 0 : i32
      %cond3A_1314 = arith.cmpi ne, %convert_element_type3A_1312, %cond3A_1313 : i32
      scf.if %cond3A_1314 {
        %mul3A_1406 = arith.constant 16 : i32
        %mul3A_1407 = arith.muli %add3A_1291, %mul3A_1406 : i32
        %add3A_1408 = arith.constant 2 : i32
        %add3A_1409 = arith.addi %mul3A_1407, %add3A_1408 : i32
        %swap3A_1410 = arith.index_cast %add3A_1409 : i32 to index
        %swap3A_1411 = arith.constant 0 : index
        %swap3A_1412 = tpu.vector_load %arg14[%swap3A_1410, %swap3A_1411] {strides = array<i32>} : memref<512x64xf32, #tpu.memory_space<vmem>>, vector<16xf32>,
        tpu.vector_store %arg14[%swap3A_1410, %swap3A_1411], %get3A_1258 {strides = array<i32>} : memref<512x64xf32, #tpu.memory_space<vmem>>, vector<16xf32>,
        %mul3A_1413 = arith.constant 16 : i32
        %mul3A_1414 = arith.muli %add3A_1291, %mul3A_1413 : i32
        %add3A_1415 = arith.constant 2 : i32
        %add3A_1416 = arith.addi %mul3A_1414, %add3A_1415 : i32
        %swap3A_1417 = arith.index_cast %add3A_1416 : i32 to index
        %swap3A_1418 = arith.constant 16 : index
        %swap3A_1419 = tpu.vector_load %arg14[%swap3A_1417, %swap3A_1418] {strides = array<i32>} : memref<512x64xf32, #tpu.memory_space<vmem>>, vector<16xf32>,
        tpu.vector_store %arg14[%swap3A_1417, %swap3A_1418], %get3A_1262 {strides = array<i32>} : memref<512x64xf32, #tpu.memory_space<vmem>>, vector<16xf32>,
        %mul3A_1420 = arith.constant 16 : i32
        %mul3A_1421 = arith.muli %add3A_1291, %mul3A_1420 : i32
        %add3A_1422 = arith.constant 2 : i32
        %add3A_1423 = arith.addi %mul3A_1421, %add3A_1422 : i32
        %swap3A_1424 = arith.index_cast %add3A_1423 : i32 to index
        %swap3A_1425 = arith.constant 32 : index
        %swap3A_1426 = tpu.vector_load %arg14[%swap3A_1424, %swap3A_1425] {strides = array<i32>} : memref<512x64xf32, #tpu.memory_space<vmem>>, vector<16xf32>,
        tpu.vector_store %arg14[%swap3A_1424, %swap3A_1425], %get3A_1266 {strides = array<i32>} : memref<512x64xf32, #tpu.memory_space<vmem>>, vector<16xf32>,
        %mul3A_1427 = arith.constant 16 : i32
        %mul3A_1428 = arith.muli %add3A_1291, %mul3A_1427 : i32
        %add3A_1429 = arith.constant 2 : i32
        %add3A_1430 = arith.addi %mul3A_1428, %add3A_1429 : i32
        %swap3A_1431 = arith.index_cast %add3A_1430 : i32 to index
        %swap3A_1432 = arith.constant 48 : index
        %swap3A_1433 = tpu.vector_load %arg14[%swap3A_1431, %swap3A_1432] {strides = array<i32>} : memref<512x64xf32, #tpu.memory_space<vmem>>, vector<16xf32>,
        tpu.vector_store %arg14[%swap3A_1431, %swap3A_1432], %get3A_1270 {strides = array<i32>} : memref<512x64xf32, #tpu.memory_space<vmem>>, vector<16xf32>,
      } else {
      }
      %slice3A_1315 = vector.extract_strided_slice %get3A_1295 {offsets = [3], sizes = [1], strides = [1]} : vector<16xi32> to vector<1xi32>
      %squeeze3A_1316 = vector.extract %slice3A_1315[0] : i32 from vector<1xi32>
      %ne3A_1317 = arith.constant 0 : i32
      %ne3A_1318 = arith.cmpi ne, %squeeze3A_1316, %ne3A_1317 : i32
      %convert_element_type3A_1319 = arith.extui %ne3A_1318 : i1 to i32
      %cond3A_1320 = arith.constant 0 : i32
      %cond3A_1321 = arith.cmpi ne, %convert_element_type3A_1319, %cond3A_1320 : i32
      scf.if %cond3A_1321 {
        %mul3A_1406 = arith.constant 16 : i32
        %mul3A_1407 = arith.muli %add3A_1291, %mul3A_1406 : i32
        %add3A_1408 = arith.constant 3 : i32
        %add3A_1409 = arith.addi %mul3A_1407, %add3A_1408 : i32
        %swap3A_1410 = arith.index_cast %add3A_1409 : i32 to index
        %swap3A_1411 = arith.constant 0 : index
        %swap3A_1412 = tpu.vector_load %arg14[%swap3A_1410, %swap3A_1411] {strides = array<i32>} : memref<512x64xf32, #tpu.memory_space<vmem>>, vector<16xf32>,
        tpu.vector_store %arg14[%swap3A_1410, %swap3A_1411], %get3A_1258 {strides = array<i32>} : memref<512x64xf32, #tpu.memory_space<vmem>>, vector<16xf32>,
        %mul3A_1413 = arith.constant 16 : i32
        %mul3A_1414 = arith.muli %add3A_1291, %mul3A_1413 : i32
        %add3A_1415 = arith.constant 3 : i32
        %add3A_1416 = arith.addi %mul3A_1414, %add3A_1415 : i32
        %swap3A_1417 = arith.index_cast %add3A_1416 : i32 to index
        %swap3A_1418 = arith.constant 16 : index
        %swap3A_1419 = tpu.vector_load %arg14[%swap3A_1417, %swap3A_1418] {strides = array<i32>} : memref<512x64xf32, #tpu.memory_space<vmem>>, vector<16xf32>,
        tpu.vector_store %arg14[%swap3A_1417, %swap3A_1418], %get3A_1262 {strides = array<i32>} : memref<512x64xf32, #tpu.memory_space<vmem>>, vector<16xf32>,
        %mul3A_1420 = arith.constant 16 : i32
        %mul3A_1421 = arith.muli %add3A_1291, %mul3A_1420 : i32
        %add3A_1422 = arith.constant 3 : i32
        %add3A_1423 = arith.addi %mul3A_1421, %add3A_1422 : i32
        %swap3A_1424 = arith.index_cast %add3A_1423 : i32 to index
        %swap3A_1425 = arith.constant 32 : index
        %swap3A_1426 = tpu.vector_load %arg14[%swap3A_1424, %swap3A_1425] {strides = array<i32>} : memref<512x64xf32, #tpu.memory_space<vmem>>, vector<16xf32>,
        tpu.vector_store %arg14[%swap3A_1424, %swap3A_1425], %get3A_1266 {strides = array<i32>} : memref<512x64xf32, #tpu.memory_space<vmem>>, vector<16xf32>,
        %mul3A_1427 = arith.constant 16 : i32
        %mul3A_1428 = arith.muli %add3A_1291, %mul3A_1427 : i32
        %add3A_1429 = arith.constant 3 : i32
        %add3A_1430 = arith.addi %mul3A_1428, %add3A_1429 : i32
        %swap3A_1431 = arith.index_cast %add3A_1430 : i32 to index
        %swap3A_1432 = arith.constant 48 : index
        %swap3A_1433 = tpu.vector_load %arg14[%swap3A_1431, %swap3A_1432] {strides = array<i32>} : memref<512x64xf32, #tpu.memory_space<vmem>>, vector<16xf32>,
        tpu.vector_store %arg14[%swap3A_1431, %swap3A_1432], %get3A_1270 {strides = array<i32>} : memref<512x64xf32, #tpu.memory_space<vmem>>, vector<16xf32>,
      } else {
      }
      %slice3A_1322 = vector.extract_strided_slice %get3A_1295 {offsets = [4], sizes = [1], strides = [1]} : vector<16xi32> to vector<1xi32>
      %squeeze3A_1323 = vector.extract %slice3A_1322[0] : i32 from vector<1xi32>
      %ne3A_1324 = arith.constant 0 : i32
      %ne3A_1325 = arith.cmpi ne, %squeeze3A_1323, %ne3A_1324 : i32
      %convert_element_type3A_1326 = arith.extui %ne3A_1325 : i1 to i32
      %cond3A_1327 = arith.constant 0 : i32
      %cond3A_1328 = arith.cmpi ne, %convert_element_type3A_1326, %cond3A_1327 : i32
      scf.if %cond3A_1328 {
        %mul3A_1406 = arith.constant 16 : i32
        %mul3A_1407 = arith.muli %add3A_1291, %mul3A_1406 : i32
        %add3A_1408 = arith.constant 4 : i32
        %add3A_1409 = arith.addi %mul3A_1407, %add3A_1408 : i32
        %swap3A_1410 = arith.index_cast %add3A_1409 : i32 to index
        %swap3A_1411 = arith.constant 0 : index
        %swap3A_1412 = tpu.vector_load %arg14[%swap3A_1410, %swap3A_1411] {strides = array<i32>} : memref<512x64xf32, #tpu.memory_space<vmem>>, vector<16xf32>,
        tpu.vector_store %arg14[%swap3A_1410, %swap3A_1411], %get3A_1258 {strides = array<i32>} : memref<512x64xf32, #tpu.memory_space<vmem>>, vector<16xf32>,
        %mul3A_1413 = arith.constant 16 : i32
        %mul3A_1414 = arith.muli %add3A_1291, %mul3A_1413 : i32
        %add3A_1415 = arith.constant 4 : i32
        %add3A_1416 = arith.addi %mul3A_1414, %add3A_1415 : i32
        %swap3A_1417 = arith.index_cast %add3A_1416 : i32 to index
        %swap3A_1418 = arith.constant 16 : index
        %swap3A_1419 = tpu.vector_load %arg14[%swap3A_1417, %swap3A_1418] {strides = array<i32>} : memref<512x64xf32, #tpu.memory_space<vmem>>, vector<16xf32>,
        tpu.vector_store %arg14[%swap3A_1417, %swap3A_1418], %get3A_1262 {strides = array<i32>} : memref<512x64xf32, #tpu.memory_space<vmem>>, vector<16xf32>,
        %mul3A_1420 = arith.constant 16 : i32
        %mul3A_1421 = arith.muli %add3A_1291, %mul3A_1420 : i32
        %add3A_1422 = arith.constant 4 : i32
        %add3A_1423 = arith.addi %mul3A_1421, %add3A_1422 : i32
        %swap3A_1424 = arith.index_cast %add3A_1423 : i32 to index
        %swap3A_1425 = arith.constant 32 : index
        %swap3A_1426 = tpu.vector_load %arg14[%swap3A_1424, %swap3A_1425] {strides = array<i32>} : memref<512x64xf32, #tpu.memory_space<vmem>>, vector<16xf32>,
        tpu.vector_store %arg14[%swap3A_1424, %swap3A_1425], %get3A_1266 {strides = array<i32>} : memref<512x64xf32, #tpu.memory_space<vmem>>, vector<16xf32>,
        %mul3A_1427 = arith.constant 16 : i32
        %mul3A_1428 = arith.muli %add3A_1291, %mul3A_1427 : i32
        %add3A_1429 = arith.constant 4 : i32
        %add3A_1430 = arith.addi %mul3A_1428, %add3A_1429 : i32
        %swap3A_1431 = arith.index_cast %add3A_1430 : i32 to index
        %swap3A_1432 = arith.constant 48 : index
        %swap3A_1433 = tpu.vector_load %arg14[%swap3A_1431, %swap3A_1432] {strides = array<i32>} : memref<512x64xf32, #tpu.memory_space<vmem>>, vector<16xf32>,
        tpu.vector_store %arg14[%swap3A_1431, %swap3A_1432], %get3A_1270 {strides = array<i32>} : memref<512x64xf32, #tpu.memory_space<vmem>>, vector<16xf32>,
      } else {
      }
      %slice3A_1329 = vector.extract_strided_slice %get3A_1295 {offsets = [5], sizes = [1], strides = [1]} : vector<16xi32> to vector<1xi32>
      %squeeze3A_1330 = vector.extract %slice3A_1329[0] : i32 from vector<1xi32>
      %ne3A_1331 = arith.constant 0 : i32
      %ne3A_1332 = arith.cmpi ne, %squeeze3A_1330, %ne3A_1331 : i32
      %convert_element_type3A_1333 = arith.extui %ne3A_1332 : i1 to i32
      %cond3A_1334 = arith.constant 0 : i32
      %cond3A_1335 = arith.cmpi ne, %convert_element_type3A_1333, %cond3A_1334 : i32
      scf.if %cond3A_1335 {
        %mul3A_1406 = arith.constant 16 : i32
        %mul3A_1407 = arith.muli %add3A_1291, %mul3A_1406 : i32
        %add3A_1408 = arith.constant 5 : i32
        %add3A_1409 = arith.addi %mul3A_1407, %add3A_1408 : i32
        %swap3A_1410 = arith.index_cast %add3A_1409 : i32 to index
        %swap3A_1411 = arith.constant 0 : index
        %swap3A_1412 = tpu.vector_load %arg14[%swap3A_1410, %swap3A_1411] {strides = array<i32>} : memref<512x64xf32, #tpu.memory_space<vmem>>, vector<16xf32>,
        tpu.vector_store %arg14[%swap3A_1410, %swap3A_1411], %get3A_1258 {strides = array<i32>} : memref<512x64xf32, #tpu.memory_space<vmem>>, vector<16xf32>,
        %mul3A_1413 = arith.constant 16 : i32
        %mul3A_1414 = arith.muli %add3A_1291, %mul3A_1413 : i32
        %add3A_1415 = arith.constant 5 : i32
        %add3A_1416 = arith.addi %mul3A_1414, %add3A_1415 : i32
        %swap3A_1417 = arith.index_cast %add3A_1416 : i32 to index
        %swap3A_1418 = arith.constant 16 : index
        %swap3A_1419 = tpu.vector_load %arg14[%swap3A_1417, %swap3A_1418] {strides = array<i32>} : memref<512x64xf32, #tpu.memory_space<vmem>>, vector<16xf32>,
        tpu.vector_store %arg14[%swap3A_1417, %swap3A_1418], %get3A_1262 {strides = array<i32>} : memref<512x64xf32, #tpu.memory_space<vmem>>, vector<16xf32>,
        %mul3A_1420 = arith.constant 16 : i32
        %mul3A_1421 = arith.muli %add3A_1291, %mul3A_1420 : i32
        %add3A_1422 = arith.constant 5 : i32
        %add3A_1423 = arith.addi %mul3A_1421, %add3A_1422 : i32
        %swap3A_1424 = arith.index_cast %add3A_1423 : i32 to index
        %swap3A_1425 = arith.constant 32 : index
        %swap3A_1426 = tpu.vector_load %arg14[%swap3A_1424, %swap3A_1425] {strides = array<i32>} : memref<512x64xf32, #tpu.memory_space<vmem>>, vector<16xf32>,
        tpu.vector_store %arg14[%swap3A_1424, %swap3A_1425], %get3A_1266 {strides = array<i32>} : memref<512x64xf32, #tpu.memory_space<vmem>>, vector<16xf32>,
        %mul3A_1427 = arith.constant 16 : i32
        %mul3A_1428 = arith.muli %add3A_1291, %mul3A_1427 : i32
        %add3A_1429 = arith.constant 5 : i32
        %add3A_1430 = arith.addi %mul3A_1428, %add3A_1429 : i32
        %swap3A_1431 = arith.index_cast %add3A_1430 : i32 to index
        %swap3A_1432 = arith.constant 48 : index
        %swap3A_1433 = tpu.vector_load %arg14[%swap3A_1431, %swap3A_1432] {strides = array<i32>} : memref<512x64xf32, #tpu.memory_space<vmem>>, vector<16xf32>,
        tpu.vector_store %arg14[%swap3A_1431, %swap3A_1432], %get3A_1270 {strides = array<i32>} : memref<512x64xf32, #tpu.memory_space<vmem>>, vector<16xf32>,
      } else {
      }
      %slice3A_1336 = vector.extract_strided_slice %get3A_1295 {offsets = [6], sizes = [1], strides = [1]} : vector<16xi32> to vector<1xi32>
      %squeeze3A_1337 = vector.extract %slice3A_1336[0] : i32 from vector<1xi32>
      %ne3A_1338 = arith.constant 0 : i32
      %ne3A_1339 = arith.cmpi ne, %squeeze3A_1337, %ne3A_1338 : i32
      %convert_element_type3A_1340 = arith.extui %ne3A_1339 : i1 to i32
      %cond3A_1341 = arith.constant 0 : i32
      %cond3A_1342 = arith.cmpi ne, %convert_element_type3A_1340, %cond3A_1341 : i32
      scf.if %cond3A_1342 {
        %mul3A_1406 = arith.constant 16 : i32
        %mul3A_1407 = arith.muli %add3A_1291, %mul3A_1406 : i32
        %add3A_1408 = arith.constant 6 : i32
        %add3A_1409 = arith.addi %mul3A_1407, %add3A_1408 : i32
        %swap3A_1410 = arith.index_cast %add3A_1409 : i32 to index
        %swap3A_1411 = arith.constant 0 : index
        %swap3A_1412 = tpu.vector_load %arg14[%swap3A_1410, %swap3A_1411] {strides = array<i32>} : memref<512x64xf32, #tpu.memory_space<vmem>>, vector<16xf32>,
        tpu.vector_store %arg14[%swap3A_1410, %swap3A_1411], %get3A_1258 {strides = array<i32>} : memref<512x64xf32, #tpu.memory_space<vmem>>, vector<16xf32>,
        %mul3A_1413 = arith.constant 16 : i32
        %mul3A_1414 = arith.muli %add3A_1291, %mul3A_1413 : i32
        %add3A_1415 = arith.constant 6 : i32
        %add3A_1416 = arith.addi %mul3A_1414, %add3A_1415 : i32
        %swap3A_1417 = arith.index_cast %add3A_1416 : i32 to index
        %swap3A_1418 = arith.constant 16 : index
        %swap3A_1419 = tpu.vector_load %arg14[%swap3A_1417, %swap3A_1418] {strides = array<i32>} : memref<512x64xf32, #tpu.memory_space<vmem>>, vector<16xf32>,
        tpu.vector_store %arg14[%swap3A_1417, %swap3A_1418], %get3A_1262 {strides = array<i32>} : memref<512x64xf32, #tpu.memory_space<vmem>>, vector<16xf32>,
        %mul3A_1420 = arith.constant 16 : i32
        %mul3A_1421 = arith.muli %add3A_1291, %mul3A_1420 : i32
        %add3A_1422 = arith.constant 6 : i32
        %add3A_1423 = arith.addi %mul3A_1421, %add3A_1422 : i32
        %swap3A_1424 = arith.index_cast %add3A_1423 : i32 to index
        %swap3A_1425 = arith.constant 32 : index
        %swap3A_1426 = tpu.vector_load %arg14[%swap3A_1424, %swap3A_1425] {strides = array<i32>} : memref<512x64xf32, #tpu.memory_space<vmem>>, vector<16xf32>,
        tpu.vector_store %arg14[%swap3A_1424, %swap3A_1425], %get3A_1266 {strides = array<i32>} : memref<512x64xf32, #tpu.memory_space<vmem>>, vector<16xf32>,
        %mul3A_1427 = arith.constant 16 : i32
        %mul3A_1428 = arith.muli %add3A_1291, %mul3A_1427 : i32
        %add3A_1429 = arith.constant 6 : i32
        %add3A_1430 = arith.addi %mul3A_1428, %add3A_1429 : i32
        %swap3A_1431 = arith.index_cast %add3A_1430 : i32 to index
        %swap3A_1432 = arith.constant 48 : index
        %swap3A_1433 = tpu.vector_load %arg14[%swap3A_1431, %swap3A_1432] {strides = array<i32>} : memref<512x64xf32, #tpu.memory_space<vmem>>, vector<16xf32>,
        tpu.vector_store %arg14[%swap3A_1431, %swap3A_1432], %get3A_1270 {strides = array<i32>} : memref<512x64xf32, #tpu.memory_space<vmem>>, vector<16xf32>,
      } else {
      }
      %slice3A_1343 = vector.extract_strided_slice %get3A_1295 {offsets = [7], sizes = [1], strides = [1]} : vector<16xi32> to vector<1xi32>
      %squeeze3A_1344 = vector.extract %slice3A_1343[0] : i32 from vector<1xi32>
      %ne3A_1345 = arith.constant 0 : i32
      %ne3A_1346 = arith.cmpi ne, %squeeze3A_1344, %ne3A_1345 : i32
      %convert_element_type3A_1347 = arith.extui %ne3A_1346 : i1 to i32
      %cond3A_1348 = arith.constant 0 : i32
      %cond3A_1349 = arith.cmpi ne, %convert_element_type3A_1347, %cond3A_1348 : i32
      scf.if %cond3A_1349 {
        %mul3A_1406 = arith.constant 16 : i32
        %mul3A_1407 = arith.muli %add3A_1291, %mul3A_1406 : i32
        %add3A_1408 = arith.constant 7 : i32
        %add3A_1409 = arith.addi %mul3A_1407, %add3A_1408 : i32
        %swap3A_1410 = arith.index_cast %add3A_1409 : i32 to index
        %swap3A_1411 = arith.constant 0 : index
        %swap3A_1412 = tpu.vector_load %arg14[%swap3A_1410, %swap3A_1411] {strides = array<i32>} : memref<512x64xf32, #tpu.memory_space<vmem>>, vector<16xf32>,
        tpu.vector_store %arg14[%swap3A_1410, %swap3A_1411], %get3A_1258 {strides = array<i32>} : memref<512x64xf32, #tpu.memory_space<vmem>>, vector<16xf32>,
        %mul3A_1413 = arith.constant 16 : i32
        %mul3A_1414 = arith.muli %add3A_1291, %mul3A_1413 : i32
        %add3A_1415 = arith.constant 7 : i32
        %add3A_1416 = arith.addi %mul3A_1414, %add3A_1415 : i32
        %swap3A_1417 = arith.index_cast %add3A_1416 : i32 to index
        %swap3A_1418 = arith.constant 16 : index
        %swap3A_1419 = tpu.vector_load %arg14[%swap3A_1417, %swap3A_1418] {strides = array<i32>} : memref<512x64xf32, #tpu.memory_space<vmem>>, vector<16xf32>,
        tpu.vector_store %arg14[%swap3A_1417, %swap3A_1418], %get3A_1262 {strides = array<i32>} : memref<512x64xf32, #tpu.memory_space<vmem>>, vector<16xf32>,
        %mul3A_1420 = arith.constant 16 : i32
        %mul3A_1421 = arith.muli %add3A_1291, %mul3A_1420 : i32
        %add3A_1422 = arith.constant 7 : i32
        %add3A_1423 = arith.addi %mul3A_1421, %add3A_1422 : i32
        %swap3A_1424 = arith.index_cast %add3A_1423 : i32 to index
        %swap3A_1425 = arith.constant 32 : index
        %swap3A_1426 = tpu.vector_load %arg14[%swap3A_1424, %swap3A_1425] {strides = array<i32>} : memref<512x64xf32, #tpu.memory_space<vmem>>, vector<16xf32>,
        tpu.vector_store %arg14[%swap3A_1424, %swap3A_1425], %get3A_1266 {strides = array<i32>} : memref<512x64xf32, #tpu.memory_space<vmem>>, vector<16xf32>,
        %mul3A_1427 = arith.constant 16 : i32
        %mul3A_1428 = arith.muli %add3A_1291, %mul3A_1427 : i32
        %add3A_1429 = arith.constant 7 : i32
        %add3A_1430 = arith.addi %mul3A_1428, %add3A_1429 : i32
        %swap3A_1431 = arith.index_cast %add3A_1430 : i32 to index
        %swap3A_1432 = arith.constant 48 : index
        %swap3A_1433 = tpu.vector_load %arg14[%swap3A_1431, %swap3A_1432] {strides = array<i32>} : memref<512x64xf32, #tpu.memory_space<vmem>>, vector<16xf32>,
        tpu.vector_store %arg14[%swap3A_1431, %swap3A_1432], %get3A_1270 {strides = array<i32>} : memref<512x64xf32, #tpu.memory_space<vmem>>, vector<16xf32>,
      } else {
      }
      %slice3A_1350 = vector.extract_strided_slice %get3A_1295 {offsets = [8], sizes = [1], strides = [1]} : vector<16xi32> to vector<1xi32>
      %squeeze3A_1351 = vector.extract %slice3A_1350[0] : i32 from vector<1xi32>
      %ne3A_1352 = arith.constant 0 : i32
      %ne3A_1353 = arith.cmpi ne, %squeeze3A_1351, %ne3A_1352 : i32
      %convert_element_type3A_1354 = arith.extui %ne3A_1353 : i1 to i32
      %cond3A_1355 = arith.constant 0 : i32
      %cond3A_1356 = arith.cmpi ne, %convert_element_type3A_1354, %cond3A_1355 : i32
      scf.if %cond3A_1356 {
        %mul3A_1406 = arith.constant 16 : i32
        %mul3A_1407 = arith.muli %add3A_1291, %mul3A_1406 : i32
        %add3A_1408 = arith.constant 8 : i32
        %add3A_1409 = arith.addi %mul3A_1407, %add3A_1408 : i32
        %swap3A_1410 = arith.index_cast %add3A_1409 : i32 to index
        %swap3A_1411 = arith.constant 0 : index
        %swap3A_1412 = tpu.vector_load %arg14[%swap3A_1410, %swap3A_1411] {strides = array<i32>} : memref<512x64xf32, #tpu.memory_space<vmem>>, vector<16xf32>,
        tpu.vector_store %arg14[%swap3A_1410, %swap3A_1411], %get3A_1258 {strides = array<i32>} : memref<512x64xf32, #tpu.memory_space<vmem>>, vector<16xf32>,
        %mul3A_1413 = arith.constant 16 : i32
        %mul3A_1414 = arith.muli %add3A_1291, %mul3A_1413 : i32
        %add3A_1415 = arith.constant 8 : i32
        %add3A_1416 = arith.addi %mul3A_1414, %add3A_1415 : i32
        %swap3A_1417 = arith.index_cast %add3A_1416 : i32 to index
        %swap3A_1418 = arith.constant 16 : index
        %swap3A_1419 = tpu.vector_load %arg14[%swap3A_1417, %swap3A_1418] {strides = array<i32>} : memref<512x64xf32, #tpu.memory_space<vmem>>, vector<16xf32>,
        tpu.vector_store %arg14[%swap3A_1417, %swap3A_1418], %get3A_1262 {strides = array<i32>} : memref<512x64xf32, #tpu.memory_space<vmem>>, vector<16xf32>,
        %mul3A_1420 = arith.constant 16 : i32
        %mul3A_1421 = arith.muli %add3A_1291, %mul3A_1420 : i32
        %add3A_1422 = arith.constant 8 : i32
        %add3A_1423 = arith.addi %mul3A_1421, %add3A_1422 : i32
        %swap3A_1424 = arith.index_cast %add3A_1423 : i32 to index
        %swap3A_1425 = arith.constant 32 : index
        %swap3A_1426 = tpu.vector_load %arg14[%swap3A_1424, %swap3A_1425] {strides = array<i32>} : memref<512x64xf32, #tpu.memory_space<vmem>>, vector<16xf32>,
        tpu.vector_store %arg14[%swap3A_1424, %swap3A_1425], %get3A_1266 {strides = array<i32>} : memref<512x64xf32, #tpu.memory_space<vmem>>, vector<16xf32>,
        %mul3A_1427 = arith.constant 16 : i32
        %mul3A_1428 = arith.muli %add3A_1291, %mul3A_1427 : i32
        %add3A_1429 = arith.constant 8 : i32
        %add3A_1430 = arith.addi %mul3A_1428, %add3A_1429 : i32
        %swap3A_1431 = arith.index_cast %add3A_1430 : i32 to index
        %swap3A_1432 = arith.constant 48 : index
        %swap3A_1433 = tpu.vector_load %arg14[%swap3A_1431, %swap3A_1432] {strides = array<i32>} : memref<512x64xf32, #tpu.memory_space<vmem>>, vector<16xf32>,
        tpu.vector_store %arg14[%swap3A_1431, %swap3A_1432], %get3A_1270 {strides = array<i32>} : memref<512x64xf32, #tpu.memory_space<vmem>>, vector<16xf32>,
      } else {
      }
      %slice3A_1357 = vector.extract_strided_slice %get3A_1295 {offsets = [9], sizes = [1], strides = [1]} : vector<16xi32> to vector<1xi32>
      %squeeze3A_1358 = vector.extract %slice3A_1357[0] : i32 from vector<1xi32>
      %ne3A_1359 = arith.constant 0 : i32
      %ne3A_1360 = arith.cmpi ne, %squeeze3A_1358, %ne3A_1359 : i32
      %convert_element_type3A_1361 = arith.extui %ne3A_1360 : i1 to i32
      %cond3A_1362 = arith.constant 0 : i32
      %cond3A_1363 = arith.cmpi ne, %convert_element_type3A_1361, %cond3A_1362 : i32
      scf.if %cond3A_1363 {
        %mul3A_1406 = arith.constant 16 : i32
        %mul3A_1407 = arith.muli %add3A_1291, %mul3A_1406 : i32
        %add3A_1408 = arith.constant 9 : i32
        %add3A_1409 = arith.addi %mul3A_1407, %add3A_1408 : i32
        %swap3A_1410 = arith.index_cast %add3A_1409 : i32 to index
        %swap3A_1411 = arith.constant 0 : index
        %swap3A_1412 = tpu.vector_load %arg14[%swap3A_1410, %swap3A_1411] {strides = array<i32>} : memref<512x64xf32, #tpu.memory_space<vmem>>, vector<16xf32>,
        tpu.vector_store %arg14[%swap3A_1410, %swap3A_1411], %get3A_1258 {strides = array<i32>} : memref<512x64xf32, #tpu.memory_space<vmem>>, vector<16xf32>,
        %mul3A_1413 = arith.constant 16 : i32
        %mul3A_1414 = arith.muli %add3A_1291, %mul3A_1413 : i32
        %add3A_1415 = arith.constant 9 : i32
        %add3A_1416 = arith.addi %mul3A_1414, %add3A_1415 : i32
        %swap3A_1417 = arith.index_cast %add3A_1416 : i32 to index
        %swap3A_1418 = arith.constant 16 : index
        %swap3A_1419 = tpu.vector_load %arg14[%swap3A_1417, %swap3A_1418] {strides = array<i32>} : memref<512x64xf32, #tpu.memory_space<vmem>>, vector<16xf32>,
        tpu.vector_store %arg14[%swap3A_1417, %swap3A_1418], %get3A_1262 {strides = array<i32>} : memref<512x64xf32, #tpu.memory_space<vmem>>, vector<16xf32>,
        %mul3A_1420 = arith.constant 16 : i32
        %mul3A_1421 = arith.muli %add3A_1291, %mul3A_1420 : i32
        %add3A_1422 = arith.constant 9 : i32
        %add3A_1423 = arith.addi %mul3A_1421, %add3A_1422 : i32
        %swap3A_1424 = arith.index_cast %add3A_1423 : i32 to index
        %swap3A_1425 = arith.constant 32 : index
        %swap3A_1426 = tpu.vector_load %arg14[%swap3A_1424, %swap3A_1425] {strides = array<i32>} : memref<512x64xf32, #tpu.memory_space<vmem>>, vector<16xf32>,
        tpu.vector_store %arg14[%swap3A_1424, %swap3A_1425], %get3A_1266 {strides = array<i32>} : memref<512x64xf32, #tpu.memory_space<vmem>>, vector<16xf32>,
        %mul3A_1427 = arith.constant 16 : i32
        %mul3A_1428 = arith.muli %add3A_1291, %mul3A_1427 : i32
        %add3A_1429 = arith.constant 9 : i32
        %add3A_1430 = arith.addi %mul3A_1428, %add3A_1429 : i32
        %swap3A_1431 = arith.index_cast %add3A_1430 : i32 to index
        %swap3A_1432 = arith.constant 48 : index
        %swap3A_1433 = tpu.vector_load %arg14[%swap3A_1431, %swap3A_1432] {strides = array<i32>} : memref<512x64xf32, #tpu.memory_space<vmem>>, vector<16xf32>,
        tpu.vector_store %arg14[%swap3A_1431, %swap3A_1432], %get3A_1270 {strides = array<i32>} : memref<512x64xf32, #tpu.memory_space<vmem>>, vector<16xf32>,
      } else {
      }
      %slice3A_1364 = vector.extract_strided_slice %get3A_1295 {offsets = [10], sizes = [1], strides = [1]} : vector<16xi32> to vector<1xi32>
      %squeeze3A_1365 = vector.extract %slice3A_1364[0] : i32 from vector<1xi32>
      %ne3A_1366 = arith.constant 0 : i32
      %ne3A_1367 = arith.cmpi ne, %squeeze3A_1365, %ne3A_1366 : i32
      %convert_element_type3A_1368 = arith.extui %ne3A_1367 : i1 to i32
      %cond3A_1369 = arith.constant 0 : i32
      %cond3A_1370 = arith.cmpi ne, %convert_element_type3A_1368, %cond3A_1369 : i32
      scf.if %cond3A_1370 {
        %mul3A_1406 = arith.constant 16 : i32
        %mul3A_1407 = arith.muli %add3A_1291, %mul3A_1406 : i32
        %add3A_1408 = arith.constant 10 : i32
        %add3A_1409 = arith.addi %mul3A_1407, %add3A_1408 : i32
        %swap3A_1410 = arith.index_cast %add3A_1409 : i32 to index
        %swap3A_1411 = arith.constant 0 : index
        %swap3A_1412 = tpu.vector_load %arg14[%swap3A_1410, %swap3A_1411] {strides = array<i32>} : memref<512x64xf32, #tpu.memory_space<vmem>>, vector<16xf32>,
        tpu.vector_store %arg14[%swap3A_1410, %swap3A_1411], %get3A_1258 {strides = array<i32>} : memref<512x64xf32, #tpu.memory_space<vmem>>, vector<16xf32>,
        %mul3A_1413 = arith.constant 16 : i32
        %mul3A_1414 = arith.muli %add3A_1291, %mul3A_1413 : i32
        %add3A_1415 = arith.constant 10 : i32
        %add3A_1416 = arith.addi %mul3A_1414, %add3A_1415 : i32
        %swap3A_1417 = arith.index_cast %add3A_1416 : i32 to index
        %swap3A_1418 = arith.constant 16 : index
        %swap3A_1419 = tpu.vector_load %arg14[%swap3A_1417, %swap3A_1418] {strides = array<i32>} : memref<512x64xf32, #tpu.memory_space<vmem>>, vector<16xf32>,
        tpu.vector_store %arg14[%swap3A_1417, %swap3A_1418], %get3A_1262 {strides = array<i32>} : memref<512x64xf32, #tpu.memory_space<vmem>>, vector<16xf32>,
        %mul3A_1420 = arith.constant 16 : i32
        %mul3A_1421 = arith.muli %add3A_1291, %mul3A_1420 : i32
        %add3A_1422 = arith.constant 10 : i32
        %add3A_1423 = arith.addi %mul3A_1421, %add3A_1422 : i32
        %swap3A_1424 = arith.index_cast %add3A_1423 : i32 to index
        %swap3A_1425 = arith.constant 32 : index
        %swap3A_1426 = tpu.vector_load %arg14[%swap3A_1424, %swap3A_1425] {strides = array<i32>} : memref<512x64xf32, #tpu.memory_space<vmem>>, vector<16xf32>,
        tpu.vector_store %arg14[%swap3A_1424, %swap3A_1425], %get3A_1266 {strides = array<i32>} : memref<512x64xf32, #tpu.memory_space<vmem>>, vector<16xf32>,
        %mul3A_1427 = arith.constant 16 : i32
        %mul3A_1428 = arith.muli %add3A_1291, %mul3A_1427 : i32
        %add3A_1429 = arith.constant 10 : i32
        %add3A_1430 = arith.addi %mul3A_1428, %add3A_1429 : i32
        %swap3A_1431 = arith.index_cast %add3A_1430 : i32 to index
        %swap3A_1432 = arith.constant 48 : index
        %swap3A_1433 = tpu.vector_load %arg14[%swap3A_1431, %swap3A_1432] {strides = array<i32>} : memref<512x64xf32, #tpu.memory_space<vmem>>, vector<16xf32>,
        tpu.vector_store %arg14[%swap3A_1431, %swap3A_1432], %get3A_1270 {strides = array<i32>} : memref<512x64xf32, #tpu.memory_space<vmem>>, vector<16xf32>,
      } else {
      }
      %slice3A_1371 = vector.extract_strided_slice %get3A_1295 {offsets = [11], sizes = [1], strides = [1]} : vector<16xi32> to vector<1xi32>
      %squeeze3A_1372 = vector.extract %slice3A_1371[0] : i32 from vector<1xi32>
      %ne3A_1373 = arith.constant 0 : i32
      %ne3A_1374 = arith.cmpi ne, %squeeze3A_1372, %ne3A_1373 : i32
      %convert_element_type3A_1375 = arith.extui %ne3A_1374 : i1 to i32
      %cond3A_1376 = arith.constant 0 : i32
      %cond3A_1377 = arith.cmpi ne, %convert_element_type3A_1375, %cond3A_1376 : i32
      scf.if %cond3A_1377 {
        %mul3A_1406 = arith.constant 16 : i32
        %mul3A_1407 = arith.muli %add3A_1291, %mul3A_1406 : i32
        %add3A_1408 = arith.constant 11 : i32
        %add3A_1409 = arith.addi %mul3A_1407, %add3A_1408 : i32
        %swap3A_1410 = arith.index_cast %add3A_1409 : i32 to index
        %swap3A_1411 = arith.constant 0 : index
        %swap3A_1412 = tpu.vector_load %arg14[%swap3A_1410, %swap3A_1411] {strides = array<i32>} : memref<512x64xf32, #tpu.memory_space<vmem>>, vector<16xf32>,
        tpu.vector_store %arg14[%swap3A_1410, %swap3A_1411], %get3A_1258 {strides = array<i32>} : memref<512x64xf32, #tpu.memory_space<vmem>>, vector<16xf32>,
        %mul3A_1413 = arith.constant 16 : i32
        %mul3A_1414 = arith.muli %add3A_1291, %mul3A_1413 : i32
        %add3A_1415 = arith.constant 11 : i32
        %add3A_1416 = arith.addi %mul3A_1414, %add3A_1415 : i32
        %swap3A_1417 = arith.index_cast %add3A_1416 : i32 to index
        %swap3A_1418 = arith.constant 16 : index
        %swap3A_1419 = tpu.vector_load %arg14[%swap3A_1417, %swap3A_1418] {strides = array<i32>} : memref<512x64xf32, #tpu.memory_space<vmem>>, vector<16xf32>,
        tpu.vector_store %arg14[%swap3A_1417, %swap3A_1418], %get3A_1262 {strides = array<i32>} : memref<512x64xf32, #tpu.memory_space<vmem>>, vector<16xf32>,
        %mul3A_1420 = arith.constant 16 : i32
        %mul3A_1421 = arith.muli %add3A_1291, %mul3A_1420 : i32
        %add3A_1422 = arith.constant 11 : i32
        %add3A_1423 = arith.addi %mul3A_1421, %add3A_1422 : i32
        %swap3A_1424 = arith.index_cast %add3A_1423 : i32 to index
        %swap3A_1425 = arith.constant 32 : index
        %swap3A_1426 = tpu.vector_load %arg14[%swap3A_1424, %swap3A_1425] {strides = array<i32>} : memref<512x64xf32, #tpu.memory_space<vmem>>, vector<16xf32>,
        tpu.vector_store %arg14[%swap3A_1424, %swap3A_1425], %get3A_1266 {strides = array<i32>} : memref<512x64xf32, #tpu.memory_space<vmem>>, vector<16xf32>,
        %mul3A_1427 = arith.constant 16 : i32
        %mul3A_1428 = arith.muli %add3A_1291, %mul3A_1427 : i32
        %add3A_1429 = arith.constant 11 : i32
        %add3A_1430 = arith.addi %mul3A_1428, %add3A_1429 : i32
        %swap3A_1431 = arith.index_cast %add3A_1430 : i32 to index
        %swap3A_1432 = arith.constant 48 : index
        %swap3A_1433 = tpu.vector_load %arg14[%swap3A_1431, %swap3A_1432] {strides = array<i32>} : memref<512x64xf32, #tpu.memory_space<vmem>>, vector<16xf32>,
        tpu.vector_store %arg14[%swap3A_1431, %swap3A_1432], %get3A_1270 {strides = array<i32>} : memref<512x64xf32, #tpu.memory_space<vmem>>, vector<16xf32>,
      } else {
      }
      %slice3A_1378 = vector.extract_strided_slice %get3A_1295 {offsets = [12], sizes = [1], strides = [1]} : vector<16xi32> to vector<1xi32>
      %squeeze3A_1379 = vector.extract %slice3A_1378[0] : i32 from vector<1xi32>
      %ne3A_1380 = arith.constant 0 : i32
      %ne3A_1381 = arith.cmpi ne, %squeeze3A_1379, %ne3A_1380 : i32
      %convert_element_type3A_1382 = arith.extui %ne3A_1381 : i1 to i32
      %cond3A_1383 = arith.constant 0 : i32
      %cond3A_1384 = arith.cmpi ne, %convert_element_type3A_1382, %cond3A_1383 : i32
      scf.if %cond3A_1384 {
        %mul3A_1406 = arith.constant 16 : i32
        %mul3A_1407 = arith.muli %add3A_1291, %mul3A_1406 : i32
        %add3A_1408 = arith.constant 12 : i32
        %add3A_1409 = arith.addi %mul3A_1407, %add3A_1408 : i32
        %swap3A_1410 = arith.index_cast %add3A_1409 : i32 to index
        %swap3A_1411 = arith.constant 0 : index
        %swap3A_1412 = tpu.vector_load %arg14[%swap3A_1410, %swap3A_1411] {strides = array<i32>} : memref<512x64xf32, #tpu.memory_space<vmem>>, vector<16xf32>,
        tpu.vector_store %arg14[%swap3A_1410, %swap3A_1411], %get3A_1258 {strides = array<i32>} : memref<512x64xf32, #tpu.memory_space<vmem>>, vector<16xf32>,
        %mul3A_1413 = arith.constant 16 : i32
        %mul3A_1414 = arith.muli %add3A_1291, %mul3A_1413 : i32
        %add3A_1415 = arith.constant 12 : i32
        %add3A_1416 = arith.addi %mul3A_1414, %add3A_1415 : i32
        %swap3A_1417 = arith.index_cast %add3A_1416 : i32 to index
        %swap3A_1418 = arith.constant 16 : index
        %swap3A_1419 = tpu.vector_load %arg14[%swap3A_1417, %swap3A_1418] {strides = array<i32>} : memref<512x64xf32, #tpu.memory_space<vmem>>, vector<16xf32>,
        tpu.vector_store %arg14[%swap3A_1417, %swap3A_1418], %get3A_1262 {strides = array<i32>} : memref<512x64xf32, #tpu.memory_space<vmem>>, vector<16xf32>,
        %mul3A_1420 = arith.constant 16 : i32
        %mul3A_1421 = arith.muli %add3A_1291, %mul3A_1420 : i32
        %add3A_1422 = arith.constant 12 : i32
        %add3A_1423 = arith.addi %mul3A_1421, %add3A_1422 : i32
        %swap3A_1424 = arith.index_cast %add3A_1423 : i32 to index
        %swap3A_1425 = arith.constant 32 : index
        %swap3A_1426 = tpu.vector_load %arg14[%swap3A_1424, %swap3A_1425] {strides = array<i32>} : memref<512x64xf32, #tpu.memory_space<vmem>>, vector<16xf32>,
        tpu.vector_store %arg14[%swap3A_1424, %swap3A_1425], %get3A_1266 {strides = array<i32>} : memref<512x64xf32, #tpu.memory_space<vmem>>, vector<16xf32>,
        %mul3A_1427 = arith.constant 16 : i32
        %mul3A_1428 = arith.muli %add3A_1291, %mul3A_1427 : i32
        %add3A_1429 = arith.constant 12 : i32
        %add3A_1430 = arith.addi %mul3A_1428, %add3A_1429 : i32
        %swap3A_1431 = arith.index_cast %add3A_1430 : i32 to index
        %swap3A_1432 = arith.constant 48 : index
        %swap3A_1433 = tpu.vector_load %arg14[%swap3A_1431, %swap3A_1432] {strides = array<i32>} : memref<512x64xf32, #tpu.memory_space<vmem>>, vector<16xf32>,
        tpu.vector_store %arg14[%swap3A_1431, %swap3A_1432], %get3A_1270 {strides = array<i32>} : memref<512x64xf32, #tpu.memory_space<vmem>>, vector<16xf32>,
      } else {
      }
      %slice3A_1385 = vector.extract_strided_slice %get3A_1295 {offsets = [13], sizes = [1], strides = [1]} : vector<16xi32> to vector<1xi32>
      %squeeze3A_1386 = vector.extract %slice3A_1385[0] : i32 from vector<1xi32>
      %ne3A_1387 = arith.constant 0 : i32
      %ne3A_1388 = arith.cmpi ne, %squeeze3A_1386, %ne3A_1387 : i32
      %convert_element_type3A_1389 = arith.extui %ne3A_1388 : i1 to i32
      %cond3A_1390 = arith.constant 0 : i32
      %cond3A_1391 = arith.cmpi ne, %convert_element_type3A_1389, %cond3A_1390 : i32
      scf.if %cond3A_1391 {
        %mul3A_1406 = arith.constant 16 : i32
        %mul3A_1407 = arith.muli %add3A_1291, %mul3A_1406 : i32
        %add3A_1408 = arith.constant 13 : i32
        %add3A_1409 = arith.addi %mul3A_1407, %add3A_1408 : i32
        %swap3A_1410 = arith.index_cast %add3A_1409 : i32 to index
        %swap3A_1411 = arith.constant 0 : index
        %swap3A_1412 = tpu.vector_load %arg14[%swap3A_1410, %swap3A_1411] {strides = array<i32>} : memref<512x64xf32, #tpu.memory_space<vmem>>, vector<16xf32>,
        tpu.vector_store %arg14[%swap3A_1410, %swap3A_1411], %get3A_1258 {strides = array<i32>} : memref<512x64xf32, #tpu.memory_space<vmem>>, vector<16xf32>,
        %mul3A_1413 = arith.constant 16 : i32
        %mul3A_1414 = arith.muli %add3A_1291, %mul3A_1413 : i32
        %add3A_1415 = arith.constant 13 : i32
        %add3A_1416 = arith.addi %mul3A_1414, %add3A_1415 : i32
        %swap3A_1417 = arith.index_cast %add3A_1416 : i32 to index
        %swap3A_1418 = arith.constant 16 : index
        %swap3A_1419 = tpu.vector_load %arg14[%swap3A_1417, %swap3A_1418] {strides = array<i32>} : memref<512x64xf32, #tpu.memory_space<vmem>>, vector<16xf32>,
        tpu.vector_store %arg14[%swap3A_1417, %swap3A_1418], %get3A_1262 {strides = array<i32>} : memref<512x64xf32, #tpu.memory_space<vmem>>, vector<16xf32>,
        %mul3A_1420 = arith.constant 16 : i32
        %mul3A_1421 = arith.muli %add3A_1291, %mul3A_1420 : i32
        %add3A_1422 = arith.constant 13 : i32
        %add3A_1423 = arith.addi %mul3A_1421, %add3A_1422 : i32
        %swap3A_1424 = arith.index_cast %add3A_1423 : i32 to index
        %swap3A_1425 = arith.constant 32 : index
        %swap3A_1426 = tpu.vector_load %arg14[%swap3A_1424, %swap3A_1425] {strides = array<i32>} : memref<512x64xf32, #tpu.memory_space<vmem>>, vector<16xf32>,
        tpu.vector_store %arg14[%swap3A_1424, %swap3A_1425], %get3A_1266 {strides = array<i32>} : memref<512x64xf32, #tpu.memory_space<vmem>>, vector<16xf32>,
        %mul3A_1427 = arith.constant 16 : i32
        %mul3A_1428 = arith.muli %add3A_1291, %mul3A_1427 : i32
        %add3A_1429 = arith.constant 13 : i32
        %add3A_1430 = arith.addi %mul3A_1428, %add3A_1429 : i32
        %swap3A_1431 = arith.index_cast %add3A_1430 : i32 to index
        %swap3A_1432 = arith.constant 48 : index
        %swap3A_1433 = tpu.vector_load %arg14[%swap3A_1431, %swap3A_1432] {strides = array<i32>} : memref<512x64xf32, #tpu.memory_space<vmem>>, vector<16xf32>,
        tpu.vector_store %arg14[%swap3A_1431, %swap3A_1432], %get3A_1270 {strides = array<i32>} : memref<512x64xf32, #tpu.memory_space<vmem>>, vector<16xf32>,
      } else {
      }
      %slice3A_1392 = vector.extract_strided_slice %get3A_1295 {offsets = [14], sizes = [1], strides = [1]} : vector<16xi32> to vector<1xi32>
      %squeeze3A_1393 = vector.extract %slice3A_1392[0] : i32 from vector<1xi32>
      %ne3A_1394 = arith.constant 0 : i32
      %ne3A_1395 = arith.cmpi ne, %squeeze3A_1393, %ne3A_1394 : i32
      %convert_element_type3A_1396 = arith.extui %ne3A_1395 : i1 to i32
      %cond3A_1397 = arith.constant 0 : i32
      %cond3A_1398 = arith.cmpi ne, %convert_element_type3A_1396, %cond3A_1397 : i32
      scf.if %cond3A_1398 {
        %mul3A_1406 = arith.constant 16 : i32
        %mul3A_1407 = arith.muli %add3A_1291, %mul3A_1406 : i32
        %add3A_1408 = arith.constant 14 : i32
        %add3A_1409 = arith.addi %mul3A_1407, %add3A_1408 : i32
        %swap3A_1410 = arith.index_cast %add3A_1409 : i32 to index
        %swap3A_1411 = arith.constant 0 : index
        %swap3A_1412 = tpu.vector_load %arg14[%swap3A_1410, %swap3A_1411] {strides = array<i32>} : memref<512x64xf32, #tpu.memory_space<vmem>>, vector<16xf32>,
        tpu.vector_store %arg14[%swap3A_1410, %swap3A_1411], %get3A_1258 {strides = array<i32>} : memref<512x64xf32, #tpu.memory_space<vmem>>, vector<16xf32>,
        %mul3A_1413 = arith.constant 16 : i32
        %mul3A_1414 = arith.muli %add3A_1291, %mul3A_1413 : i32
        %add3A_1415 = arith.constant 14 : i32
        %add3A_1416 = arith.addi %mul3A_1414, %add3A_1415 : i32
        %swap3A_1417 = arith.index_cast %add3A_1416 : i32 to index
        %swap3A_1418 = arith.constant 16 : index
        %swap3A_1419 = tpu.vector_load %arg14[%swap3A_1417, %swap3A_1418] {strides = array<i32>} : memref<512x64xf32, #tpu.memory_space<vmem>>, vector<16xf32>,
        tpu.vector_store %arg14[%swap3A_1417, %swap3A_1418], %get3A_1262 {strides = array<i32>} : memref<512x64xf32, #tpu.memory_space<vmem>>, vector<16xf32>,
        %mul3A_1420 = arith.constant 16 : i32
        %mul3A_1421 = arith.muli %add3A_1291, %mul3A_1420 : i32
        %add3A_1422 = arith.constant 14 : i32
        %add3A_1423 = arith.addi %mul3A_1421, %add3A_1422 : i32
        %swap3A_1424 = arith.index_cast %add3A_1423 : i32 to index
        %swap3A_1425 = arith.constant 32 : index
        %swap3A_1426 = tpu.vector_load %arg14[%swap3A_1424, %swap3A_1425] {strides = array<i32>} : memref<512x64xf32, #tpu.memory_space<vmem>>, vector<16xf32>,
        tpu.vector_store %arg14[%swap3A_1424, %swap3A_1425], %get3A_1266 {strides = array<i32>} : memref<512x64xf32, #tpu.memory_space<vmem>>, vector<16xf32>,
        %mul3A_1427 = arith.constant 16 : i32
        %mul3A_1428 = arith.muli %add3A_1291, %mul3A_1427 : i32
        %add3A_1429 = arith.constant 14 : i32
        %add3A_1430 = arith.addi %mul3A_1428, %add3A_1429 : i32
        %swap3A_1431 = arith.index_cast %add3A_1430 : i32 to index
        %swap3A_1432 = arith.constant 48 : index
        %swap3A_1433 = tpu.vector_load %arg14[%swap3A_1431, %swap3A_1432] {strides = array<i32>} : memref<512x64xf32, #tpu.memory_space<vmem>>, vector<16xf32>,
        tpu.vector_store %arg14[%swap3A_1431, %swap3A_1432], %get3A_1270 {strides = array<i32>} : memref<512x64xf32, #tpu.memory_space<vmem>>, vector<16xf32>,
      } else {
      }
      %slice3A_1399 = vector.extract_strided_slice %get3A_1295 {offsets = [15], sizes = [1], strides = [1]} : vector<16xi32> to vector<1xi32>
      %squeeze3A_1400 = vector.extract %slice3A_1399[0] : i32 from vector<1xi32>
      %ne3A_1401 = arith.constant 0 : i32
      %ne3A_1402 = arith.cmpi ne, %squeeze3A_1400, %ne3A_1401 : i32
      %convert_element_type3A_1403 = arith.extui %ne3A_1402 : i1 to i32
      %cond3A_1404 = arith.constant 0 : i32
      %cond3A_1405 = arith.cmpi ne, %convert_element_type3A_1403, %cond3A_1404 : i32
      scf.if %cond3A_1405 {
        %mul3A_1406 = arith.constant 16 : i32
        %mul3A_1407 = arith.muli %add3A_1291, %mul3A_1406 : i32
        %add3A_1408 = arith.constant 15 : i32
        %add3A_1409 = arith.addi %mul3A_1407, %add3A_1408 : i32
        %swap3A_1410 = arith.index_cast %add3A_1409 : i32 to index
        %swap3A_1411 = arith.constant 0 : index
        %swap3A_1412 = tpu.vector_load %arg14[%swap3A_1410, %swap3A_1411] {strides = array<i32>} : memref<512x64xf32, #tpu.memory_space<vmem>>, vector<16xf32>,
        tpu.vector_store %arg14[%swap3A_1410, %swap3A_1411], %get3A_1258 {strides = array<i32>} : memref<512x64xf32, #tpu.memory_space<vmem>>, vector<16xf32>,
        %mul3A_1413 = arith.constant 16 : i32
        %mul3A_1414 = arith.muli %add3A_1291, %mul3A_1413 : i32
        %add3A_1415 = arith.constant 15 : i32
        %add3A_1416 = arith.addi %mul3A_1414, %add3A_1415 : i32
        %swap3A_1417 = arith.index_cast %add3A_1416 : i32 to index
        %swap3A_1418 = arith.constant 16 : index
        %swap3A_1419 = tpu.vector_load %arg14[%swap3A_1417, %swap3A_1418] {strides = array<i32>} : memref<512x64xf32, #tpu.memory_space<vmem>>, vector<16xf32>,
        tpu.vector_store %arg14[%swap3A_1417, %swap3A_1418], %get3A_1262 {strides = array<i32>} : memref<512x64xf32, #tpu.memory_space<vmem>>, vector<16xf32>,
        %mul3A_1420 = arith.constant 16 : i32
        %mul3A_1421 = arith.muli %add3A_1291, %mul3A_1420 : i32
        %add3A_1422 = arith.constant 15 : i32
        %add3A_1423 = arith.addi %mul3A_1421, %add3A_1422 : i32
        %swap3A_1424 = arith.index_cast %add3A_1423 : i32 to index
        %swap3A_1425 = arith.constant 32 : index
        %swap3A_1426 = tpu.vector_load %arg14[%swap3A_1424, %swap3A_1425] {strides = array<i32>} : memref<512x64xf32, #tpu.memory_space<vmem>>, vector<16xf32>,
        tpu.vector_store %arg14[%swap3A_1424, %swap3A_1425], %get3A_1266 {strides = array<i32>} : memref<512x64xf32, #tpu.memory_space<vmem>>, vector<16xf32>,
        %mul3A_1427 = arith.constant 16 : i32
        %mul3A_1428 = arith.muli %add3A_1291, %mul3A_1427 : i32
        %add3A_1429 = arith.constant 15 : i32
        %add3A_1430 = arith.addi %mul3A_1428, %add3A_1429 : i32
        %swap3A_1431 = arith.index_cast %add3A_1430 : i32 to index
        %swap3A_1432 = arith.constant 48 : index
        %swap3A_1433 = tpu.vector_load %arg14[%swap3A_1431, %swap3A_1432] {strides = array<i32>} : memref<512x64xf32, #tpu.memory_space<vmem>>, vector<16xf32>,
        tpu.vector_store %arg14[%swap3A_1431, %swap3A_1432], %get3A_1270 {strides = array<i32>} : memref<512x64xf32, #tpu.memory_space<vmem>>, vector<16xf32>,
      } else {
      }
    }
    %scan3A_1275 = arith.constant 32 : i32
    %scan3A_1276 = arith.constant 0 : i32
    %scan3A_1277 = arith.constant 512 : i32
    %scan3A_1278 = arith.addi %scan3A_1276, %scan3A_1277 : i32
    %scan3A_1279 = arith.constant 1 : i32
    scf.for %scan3A_1287 = %scan3A_1276 to %scan3A_1278 step %scan3A_1279  : i32 {
      %mul3A_1288 = arith.constant 1 : i32
      %mul3A_1289 = arith.muli %scan3A_1287, %mul3A_1288 : i32
      %add3A_1290 = arith.constant 0 : i32
      %add3A_1291 = arith.addi %add3A_1290, %mul3A_1289 : i32
      %lt3A_1292 = arith.cmpi slt, %add3A_1291, %add3A_1245 : i32
      %convert_element_type3A = arith.extui %lt3A_1292 : i1 to i32
      %cond3A = arith.constant 0 : i32
      %cond3A_1293 = arith.cmpi ne, %convert_element_type3A, %cond3A : i32
      scf.if %cond3A_1293 {
        %dma_wait3A_1294 = arith.constant 0 : i32
        %dma_wait3A_1295 = arith.constant 0 : i32
        %dma_wait3A_1296 = tpu.memref_slice %arg14[%dma_wait3A_1294, %dma_wait3A_1295] : memref<512x64xf32, #tpu.memory_space<vmem>> -> memref<1x64xf32, #tpu.memory_space<vmem>>
        %dma_wait3A_1297 = arith.constant 0 : i32
        %dma_wait3A_1298 = arith.constant 0 : i32
        %dma_wait3A_1299 = tpu.memref_slice %arg5[%dma_wait3A_1297, %dma_wait3A_1298] : memref<1000000x64xf32, #tpu.memory_space<hbm>> -> memref<1x64xf32, #tpu.memory_space<hbm>>
        %dma_wait3A_1300 = arith.constant 0 : i32
        %dma_wait3A_1301 = arith.constant 0 : i32
        %dma_wait3A_1302 = tpu.memref_slice %arg14[%dma_wait3A_1300, %dma_wait3A_1301] : memref<512x64xf32, #tpu.memory_space<vmem>> -> memref<1x64xf32, #tpu.memory_space<vmem>>
        %dma_wait3A_1303 = arith.constant 0 : i32
        %dma_wait3A_1304 = arith.constant 0 : i32
        %dma_wait3A_1305 = tpu.memref_slice %arg5[%dma_wait3A_1303, %dma_wait3A_1304] : memref<1000000x64xf32, #tpu.memory_space<hbm>> -> memref<1x64xf32, #tpu.memory_space<hbm>>
        tpu.wait_dma2 semaphore(%arg15 : memref<!tpu.dma_semaphore, #tpu.memory_space<semaphore_mem>>) src(%dma_wait3A_1305 : memref<1x64xf32, #tpu.memory_space<hbm>>) dst(%dma_wait3A_1302 : memref<1x64xf32, #tpu.memory_space<vmem>>)
      } else {
      }
    }
    %scan3A_1280 = arith.constant 512 : i32
    %dma_start3A = arith.constant 0 : i32
    %dma_start3A_1281 = tpu.memref_slice %arg7[%mul3A_2, %dma_start3A] : memref<16384x64xf32, #tpu.memory_space<hbm>> -> memref<512x64xf32, #tpu.memory_space<hbm>>
    %dma_start3A_1282 = arith.constant 0 : i32
    %dma_start3A_1283 = tpu.memref_slice %arg7[%mul3A_2, %dma_start3A_1282] : memref<16384x64xf32, #tpu.memory_space<hbm>> -> memref<512x64xf32, #tpu.memory_space<hbm>>
    tpu.enqueue_dma source(%arg14 : memref<512x64xf32, #tpu.memory_space<vmem>>) target(%dma_start3A_1283 : memref<512x64xf32, #tpu.memory_space<hbm>>) target_semaphore(%arg16 : memref<!tpu.dma_semaphore, #tpu.memory_space<semaphore_mem>>)
    %dma_wait3A = arith.constant 0 : i32
    %dma_wait3A_1284 = tpu.memref_slice %arg7[%mul3A_2, %dma_wait3A] : memref<16384x64xf32, #tpu.memory_space<hbm>> -> memref<512x64xf32, #tpu.memory_space<hbm>>
    %dma_wait3A_1285 = arith.constant 0 : i32
    %dma_wait3A_1286 = tpu.memref_slice %arg7[%mul3A_2, %dma_wait3A_1285] : memref<16384x64xf32, #tpu.memory_space<hbm>> -> memref<512x64xf32, #tpu.memory_space<hbm>>
    tpu.wait_dma2 semaphore(%arg16 : memref<!tpu.dma_semaphore, #tpu.memory_space<semaphore_mem>>) src(%arg14 : memref<512x64xf32, #tpu.memory_space<vmem>>) dst(%dma_wait3A_1286 : memref<512x64xf32, #tpu.memory_space<hbm>>)
    return
  }
}

</mosaic_0001>

<sc_bundles>
// kernel: kernel.3.cloned.1.call-start
scs
__scs_entry_jumppad:
0x0: {  	(pc) =	sbr.rel $0x88, $3  }
0x1: {  	(tag) =	ssettag $0x0;
	lr =	simm.s32 $0x1  }
0x2: {  	[smem:$0x3F9D] =	sst lr;
	_ =	strace $0xD0000000  }
0x3: {  	_ = 	snop  }
0x4: {  	_ = 	snop  }
0x5: {  	_ = 	snop  }
0x6: {  	_ = 	snop  }
0x7: {  	_ = 	snop  }
__scs_overlays_trampoline_lowered:
0x8: {  	[smem:$0x3FAC] =	sst s0  }
0x9: {  	[smem:$0x3FAD] =	sst s1  }
0xa: {  	[smem:$0x3FAE] =	sst s2  }
0xb: {  	[smem:$0x3FAF] =	sst s3  }
0xc: {  	[smem:$0x3FB0] =	sst s4  }
0xd: {  	[smem:$0x3FB1] =	sst s5  }
0xe: {  	[smem:$0x3FB2] =	sst s6  }
0xf: {  	[smem:$0x3FB3] =	sst s7  }
0x10: {  	[smem:$0x3FB4] =	sst s8  }
0x11: {  	[smem:$0x3FB5] =	sst s9;
	s0 =	simm.s32 @!p0 $0x0  }
0x12: {  	s1 =	sld [smem:$0x3F9B];
	s0 =	simm.s32 @p0 $0x1  }
0x13: {  	[smem:$0x3FB6] =	sst s0;
	s0 =	simm.s32 @!p1 $0x0  }
0x14: {  	s2 =	sld [smem:$0x3F9A];
	s0 =	simm.s32 @p1 $0x1  }
0x15: {  	[smem:$0x3FB7] =	sst s0;
	s0 =	simm.s32 @!p2 $0x0  }
0x16: {  	s3 =	sld [smem:$0x3FDB];
	s0 =	simm.s32 @p2 $0x1  }
0x17: {  	s4 =	simm.s32 $0x1BF5;
	[smem:$0x3FB9] =	sst s0  }
0x18: {  	s0 =	sld [smem:$0x3F9C];
	_ =	swait.ge [sflag:s4], $0x0  }
0x19: {  	s7 =	sld [smem:$0x3F9D]  }
0x1a: {  	s8 =	sadd.s32 $0xFFFFE003, lr  }
0x1b: {  	s9 =	sadd.s32 $0xFFFFFEF7, lr;
	s5 =	simm.s32 $0xFFFFFFFF;
	p2 =	slt.u32 s8, $0xFFFFF086  }
0x1c: {  	p1 =	slt.u32 s9, $0xF7A;
	s5 =	simm.s32 @!p2 $0x0  }
0x1d: {  	s5 =	simm.s32 @p1 $0x1;
	p0 =	seq.s32 s7, s2  }
0x1e: {  	s7 =	smul.u32 @!p0 $0xF7A, s2;
	p2 =	seq.s32 @!p0 s5, $0x0  }
0x1f: {  	s9 =	smul.u32 $0xF7A, s1;
	s8 =	simm.s32 @!p0 $0x1BF5;
	p2 =	por !p2, p0  }
0x20: {  	[sflag:s8] =	ssyncset.s32 @!p0 $0xFFFFF086;
	s6 =	sadd.s32 @!p0 s3, s7;
	s7 =	simm.s32 @!p0 $0x108  }
0x21: {  	s3 =	sadd.s32 s3, s9;
	s6 =	sadd.s32 @!p0 $0x88, s6;
	s7 =	simm.s32 @p2 $0x1082  }
0x22: {  	[simem:s7], [sflag:s8] =	dma.local @!p0 [hbm:s6], $0xF7A  }
0x23: {  	s9 =	sor.u32 $0xD0000000, s2;
	s6 =	simm.s32 $0x108;
	_ =	swait.ge @!p0 [sflag:s8], $0x0  }
0x24: {  	s3 =	sadd.s32 $0x88, s3;
	s6 =	simm.s32 @!p1 $0x1082;
	[sflag:s4] =	ssyncset.s32 $0xFFFFF086  }
0x25: {  	[simem:s6], [sflag:s4] =	dma.local [hbm:s3], $0xF7A  }
0x26: {  	[smem:$0x3F9D] =	sst s1;
	(tag) =	ssettag s2;
	_ =	strace s9  }
0x27: {  	s1 =	sld [smem:$0x3FAD]  }
0x28: {  	s2 =	sld [smem:$0x3FAE]  }
0x29: {  	s4 =	sld [smem:$0x3FB0]  }
0x2a: {  	p0 =	seq.s32 s5, $0x0;
	s5 =	sld [smem:$0x3FB1]  }
0x2b: {  	s6 =	sld [smem:$0x3FB2]  }
0x2c: {  	s7 =	sld [smem:$0x3FB3]  }
0x2d: {  	s3 =	simm.s32 $0x108;
	s8 =	sld [smem:$0x3FB4]  }
0x2e: {  	s3 =	simm.s32 @!p0 $0x1082;
	s9 =	sld [smem:$0x3FB5]  }
0x2f: {  	lr =	sadd.s32 s0, s3;
	s0 =	sld [smem:$0x3FAC]  }
0x30: {  	s3 =	sld [smem:$0x3FAF]  }
0x31: {  	[smem:$0x3FB8] =	sst s10  }
0x32: {  	s10 =	sld [smem:$0x3FB6];
	_ =	sdelay $0x3  }
0x33: {  	p0 =	seq.s32 s10, $0x1;
	s10 =	sld [smem:$0x3FB8];
	_ =	sdelay $0x3  }
0x34: {  	[smem:$0x3FB8] =	sst s10  }
0x35: {  	s10 =	sld [smem:$0x3FB7];
	_ =	sdelay $0x3  }
0x36: {  	p1 =	seq.s32 s10, $0x1;
	s10 =	sld [smem:$0x3FB8];
	_ =	sdelay $0x3  }
0x37: {  	[smem:$0x3FB8] =	sst s10  }
0x38: {  	s10 =	sld [smem:$0x3FB9]  }
0x39: {  	_ = 	snop;
	(pc) =	sbr.ind lr, $3  }
0x3a: {  	_ = 	snop  }
0x3b: {  	_ = 	snop  }
0x3c: {  	p2 =	seq.s32 s10, $0x1;
	s10 =	sld [smem:$0x3FB8]  }
0x3d: {  	_ =	shalt  }
0x3e: {  	_ =	shalt  }
0x3f: {  	_ =	shalt  }
0x40: {  	_ =	shalt  }
0x41: {  	_ =	shalt  }
0x42: {  	_ =	shalt  }
0x43: {  	_ =	shalt  }
0x44: {  	_ =	shalt  }
0x45: {  	_ =	shalt  }
0x46: {  	_ =	shalt  }
0x47: {  	_ =	shalt  }
0x48: {  	_ =	shalt  }
0x49: {  	_ =	shalt  }
0x4a: {  	_ =	shalt  }
0x4b: {  	_ =	shalt  }
0x4c: {  	_ =	shalt  }
0x4d: {  	_ =	shalt  }
0x4e: {  	_ =	shalt  }
0x4f: {  	_ =	shalt  }
0x50: {  	_ =	shalt  }
0x51: {  	_ =	shalt  }
0x52: {  	_ =	shalt  }
0x53: {  	_ =	shalt  }
0x54: {  	_ =	shalt  }
0x55: {  	_ =	shalt  }
0x56: {  	_ =	shalt  }
0x57: {  	_ =	shalt  }
0x58: {  	_ =	shalt  }
0x59: {  	_ =	shalt  }
0x5a: {  	_ =	shalt  }
0x5b: {  	_ =	shalt  }
0x5c: {  	_ =	shalt  }
0x5d: {  	_ =	shalt  }
0x5e: {  	_ =	shalt  }
0x5f: {  	_ =	shalt  }
0x60: {  	_ =	shalt  }
0x61: {  	_ =	shalt  }
0x62: {  	_ =	shalt  }
0x63: {  	_ =	shalt  }
0x64: {  	_ =	shalt  }
0x65: {  	_ =	shalt  }
0x66: {  	_ =	shalt  }
0x67: {  	_ =	shalt  }
0x68: {  	_ =	shalt  }
0x69: {  	_ =	shalt  }
0x6a: {  	_ =	shalt  }
0x6b: {  	_ =	shalt  }
0x6c: {  	_ =	shalt  }
0x6d: {  	_ =	shalt  }
0x6e: {  	_ =	shalt  }
0x6f: {  	_ =	shalt  }
0x70: {  	_ =	shalt  }
0x71: {  	_ =	shalt  }
0x72: {  	_ =	shalt  }
0x73: {  	_ =	shalt  }
0x74: {  	_ =	shalt  }
0x75: {  	_ =	shalt  }
0x76: {  	_ =	shalt  }
0x77: {  	_ =	shalt  }
0x78: {  	_ =	shalt  }
0x79: {  	_ =	shalt  }
0x7a: {  	_ =	shalt  }
0x7b: {  	_ =	shalt  }
0x7c: {  	_ =	shalt  }
0x7d: {  	_ =	shalt  }
0x7e: {  	_ =	shalt  }
0x7f: {  	_ =	shalt  }
0x80: {  	_ =	shalt  }
0x81: {  	_ =	shalt  }
0x82: {  	_ =	shalt  }
0x83: {  	_ =	shalt  }
0x84: {  	_ =	shalt  }
0x85: {  	_ =	shalt  }
0x86: {  	_ =	shalt  }
0x87: {  	_ =	shalt  }
.Lfunc_end0:
.L_simem_size_0:
called_computation_lowered:
.L_overlay_start_0:
0x88: {  	s2 =	sld [smem:$0x3FD9]  }
0x89: {  	s3 =	sld [smem:$0x3FFE];
	_ =	sdelay $0x1  }
0x8a: {  	s1 =	srdreg.scid  }
0x8b: {  	s0 =	sand.u32 $0x1, s1  }
0x8c: {  	s17 =	sshll.u32 s0, $0xA;
	s2 =	sadd.s32 s3, s2  }
0x8d: {  	s2 =	sadd.s32 s2, s17  }
0x8e: {  	[smem:$0x3FC4] =	sst s2  }
0x8f: {  	_ = 	snop  }
0x90: {  	s2 =	sld [smem:$0x3FC9]  }
0x91: {  	s18 =	sld [smem:$0x3FC7]  }
0x92: {  	s4 =	sld [smem:$0x3FD0];
	(tm) =	ssettm $0x1  }
0x93: {  	s5 =	sld [smem:$0x3FFB];
	_ =	sdelay $0x3  }
0x94: {  	_ =	strace s5  }
0x95: {  	s5 =	sld [smem:$0x3FFC];
	_ =	sdelay $0x3  }
0x96: {  	_ =	strace s5  }
0x97: {  	s5 =	sld [smem:$0x3FFD];
	_ =	sdelay $0x3  }
0x98: {  	_ =	strace s5  }
0x99: {  	_ =	strace $0x8FFFFFFF  }
0x9a: {  	s19 =	sld [smem:$0x3FDB];
	_ =	sdelay $0x1  }
0x9b: {  	s6 =	simm.s32 $_scs_section_size  }
0x9c: {  	s7 =	simm.s32 $_size__tile_overlayer_lowered;
	s8 =	simm.s32 $_tile_overlayer_lowered  }
0x9d: {  	s22 =	simm.s32 $0x1BFF;
	s21 =	sshll.u32 s8, $0x1;
	s5 =	sadd.s32 s6, s19  }
0x9e: {  	s9 =	simm.s32 $0x0;
	s20 =	sshll.u32 s7, $0x1;
	s7 =	sadd.s32 s21, s5  }
0x9f: {  	[timem:s9], [sflag:s22] =	dma.local [hbm:s7], s20  }
0xa0: {  	_ =	swait.ge [sflag:s22], s20  }
0xa1: {  	s6 =	ssub.s32 $0x0, s20;
	[sflag:s22] =	ssyncset.done $0x0  }
0xa2: {  	[sflag:s22] =	ssyncadd.s32 s6;
	_ =	sdelay $0x1  }
0xa3: {  	s23 =	simm.s32 $0x1B8B  }
0xa4: {  	_ =	swait.ge [sflag:s23], $0x1  }
0xa5: {  	[sflag:s23] =	ssyncset.done $0x0  }
0xa6: {  	s25 =	simm.s32 $0x1B8E;
	s24 =	sld [smem:$0x3FFE];
	[sflag:s23] =	ssyncadd.s32 $0xFFFFFFFF  }
0xa7: {  	s26 =	simm.s32 $execute0_lowered;
	[smem:$0x3FD2] =	sst s25  }
0xa8: {  	s7 =	sshll.u32 s26, $0x1;
	_ =	strace $0x80000046;
	[dreg:$0x1] =	wrdreg $0xFFFFFFFF  }
0xa9: {  	s28 =	simm.s32 $_size_execute0_lowered;
	s5 =	sadd.s32 s5, s7;
	[dreg:$0x0] =	wrdreg $0x0  }
0xaa: {  	s7 =	sshll.u32 s28, $0x1;
	[dreg:$0x2] =	wrdreg s5  }
0xab: {  	[dreg:$0x3] =	wrdreg s7  }
0xac: {  	[dreg:$0x4] =	wrdreg $0xC0  }
0xad: {  	_ =	task [dreg:s9], $0x5FFFF  }
0xae: {  	[dreg:$0x1] =	wrdreg $0xFFFFFFFF  }
0xaf: {  	[dreg:$0x0] =	wrdreg $0x60  }
0xb0: {  	[dreg:$0x2] =	wrdreg s2  }
0xb1: {  	[dreg:$0x3] =	wrdreg s4  }
0xb2: {  	[dreg:$0x4] =	wrdreg s18  }
0xb3: {  	[dreg:$0x5] =	wrdreg s24  }
0xb4: {  	[dreg:$0x6] =	wrdreg $0x9  }
0xb5: {  	_ =	task.clear_ibuf [dreg:s9], $0x7FFFF;
	_ =	strace $0x90000046  }
0xb6: {  	s29 =	simm.s32 $0x9;
	_ =	strace $0x80000048  }
0xb7: {  	_ =	swait.ge [sflag:s29], $0x1  }
0xb8: {  	[sflag:s29] =	ssyncadd.s32 $0xFFFFFFFF  }
0xb9: {  	_ =	strace $0x90000048  }
0xba: {  	_ =	sfence  }
0xbb: {  	s30 =	sld [smem:$0x0];
	_ =	sdelay $0x2  }
0xbc: {  	s31 =	sshll.u32 s1, $0xD;
	s1 =	sshrl.u32 s1, $0x2  }
0xbd: {  	s3 =	sand.u32 $0x4000, s31;
	s1 =	sadd.s32 s1, s30  }
0xbe: {  	s0 =	sor.u32 s3, s0;
	s1 =	sshll.u32 s1, $0x11  }
0xbf: {  	s0 =	sor.u32 s1, s0  }
0xc0: {  	s0 =	sadd.s32 $0x8F2B, s0  }
0xc1: {  	[sflag:s0] =	ssyncadd.remote.s32 $0x1  }
0xc2: {  	_ =	sfence.sel $0xFFFF  }
0xc3: {  	[dreg:$0x0] =	wrdreg $0xFFFFFFFF;
	(pc) =	sbr.abs _section_cstart, $3  }
0xc4: {  	[dreg:$0x1] =	wrdreg $0xFFFFFFFF  }
0xc5: {  	_ =	task.clear_ibuf [dreg:s9], $0x2FFFF;
	_ =	strace $0x9FFFFFFF  }
0xc6: {  	(tm) =	ssettm $0x7FFFFFFF  }
0xc7: {  	_ =	shalt  }
tec
execute0_lowered:
.L_overlay_start_1:
0x0: {  	(tag) =	ssettag $0x1  }
0x1: {  	s0 =	rddreg [dreg:$0x0]  }
0x2: {  	s1 =	rddreg [dreg:$0x2]  }
0x3: {  	s2 =	rddreg [dreg:$0x3];
	s4 =	srdreg.scid;
	s8 =	simm.s32 $0x0  }
0x4: {  	s3 =	stileid.u32;
	s5 =	sand.u32 $0x1, s4;
	[smem:$0x7FF] =	sst s8  }
0x5: {  	s6 =	sshll.u32 s3, $0xA;
	s13 =	sadd.s32 $0x600, s2;
	s7 =	sshll.u32 s5, $0x9  }
0x6: {  	s26 =	sadd.s32 $0x400, s2;
	_ =	strace $0x80000047;
	s6 =	sor.u32 s7, s6  }
0x7: {  	s5 =	ssub.s32 $0x2, s5;
	s7 =	sshll.u32 s6, $0x4;
	s6 =	sshrl.u32 s6, $0x3  }
0x8: {  	[dreg:$0x9] =	wrdreg s26;
	s28 =	sshrl.u32 s5, $0x1;
	s0 =	sadd.s32 s0, s6  }
0x9: {  	s5 =	ssub.s32 s5, s28;
	s29 =	sadd.s32 s1, s6;
	[dreg:$0xa] =	wrdreg s0  }
0xa: {  	s2 =	sadd.s32 s7, s2;
	s31 =	smax.u32 s5, $0x1;
	[dreg:$0xb] =	wrdreg s29  }
0xb: {  	s30 =	sadd.s32 $0xF42A00, s2;
	[dreg:$0xd] =	wrdreg s31  }
0xc: {  	v0 =	vimm.s32 $0x0;
	v1 =	vimm.f32 $0.0e+00;
	s2 =	simm.s32 $0x0;
	[dreg:$0xc] =	wrdreg s30  }
.LBB2_1:
0xd: {  	[dreg:$0xe] =	wrdreg s2  }
0xe: {  	s0 =	rddreg [dreg:$0xa];
	s1 =	simm.s32 $0x3  }
0xf: {  	[tilespmem:s8], [sflag:$0x3] =	stream.linear.gather [hbm4b:s0+s8], $0x200, $0x38;
	[tilespmem:$0x10900] =	vst v63  }
0x10: {  	_ =	swait.ge [sflag:s1], $0x200  }
0x11: {  	[sflag:s1] =	ssyncset.done $0x0  }
0x12: {  	s26 =	simm.s32 $0x200;
	s25 =	rddreg [dreg:$0xb];
	[sflag:s1] =	ssyncadd.s32 $0xFFFFFE00  }
0x13: {  	[tilespmem:s26], [sflag:$0x3] =	stream.linear.gather [hbm4b:s25+s8], $0x200, $0x38;
	[tilespmem:$0x10900] =	vst v63  }
0x14: {  	_ =	swait.ge [sflag:s1], $0x200  }
0x15: {  	[sflag:s1] =	ssyncset.done $0x0  }
0x16: {  	[sflag:s1] =	ssyncadd.s32 $0xFFFFFE00  }
0x17: {  	s29 =	simm.s32 $0x800;
	s28 =	rddreg [dreg:$0x1]  }
0x18: {  	[tilespmem:s29], [sflag:$0x3] =	stream.linear.gather [hbm4b:s28+s8], $0x80, $0x38;
	[tilespmem:$0x10900] =	vst v63  }
0x19: {  	_ =	swait.ge [sflag:s1], $0x80  }
0x1a: {  	[sflag:s1] =	ssyncset.done $0x0  }
0x1b: {  	s31 =	simm.s32 $0x880;
	s30 =	rddreg [dreg:$0x9];
	[sflag:s1] =	ssyncadd.s32 $0xFFFFFF80  }
0x1c: {  	[tilespmem:s31], [sflag:$0x3] =	stream.linear.gather [hbm4b:s30+s8], $0x80, $0x38;
	[tilespmem:$0x10900] =	vst v63  }
0x1d: {  	_ =	swait.ge [sflag:s1], $0x80  }
0x1e: {  	[sflag:s1] =	ssyncset.done $0x0  }
0x1f: {  	[sflag:s1] =	ssyncadd.s32 $0xFFFFFF80  }
0x20: {  	v2 =	vld [tilespmem:$0x800]  }
0x21: {  	v3 =	vld [tilespmem:$0x200];
	_ =	sdelay $0x1  }
0x22: {  	v4 =	vld [tilespmem:$0x0]  }
0x23: {  	v5 =	vld [tilespmem:$0x210];
	_ =	sdelay $0x1  }
0x24: {  	vm0 =	vne.s32 v2, $0x0;
	vm1 =	vne.s32 v3, $0x0;
	v2 =	vld [tilespmem:$0x10]  }
0x25: {  	v3 =	vld [tilespmem:$0x220];
	vm1 =	vmand vm0, vm1  }
0x26: {  	vm3 =	vlt.u32 v4, $0xF4240;
	vm2 =	vmneg vm1  }
0x27: {  	vm9 =	vne.s32 v5, $0x0;
	v5 =	vld [tilespmem:$0x20];
	vm2 =	vmand vm3, vm2  }
0x28: {  	v6 =	vld [tilespmem:$0x230];
	vm4 =	vmand vm0, vm9;
	v4 =	vnsel vm2, $0x0, v4  }
0x29: {  	vm3 =	vmneg vm4;
	[tilespmem:$0x0] =	vst v4;
	v4 =	vsel vm2, $0x1, v0;
	vm5 =	vlt.u32 v2, $0xF4240  }
0x2a: {  	vm10 =	vne.s32 v3, $0x0;
	v3 =	vld [tilespmem:$0x30];
	[tilespmem:$0x400] =	vst v4;
	v4 =	vsel vm1, $0x1, v0;
	vm3 =	vmand vm5, vm3  }
0x2b: {  	vm1 =	vmand vm0, vm10;
	[tilespmem:$0x600] =	vst v4;
	v2 =	vnsel vm3, $0x0, v2;
	v4 =	vld [tilespmem:$0x240]  }
0x2c: {  	vm6 =	vlt.u32 v5, $0xF4240;
	vm11 =	vmneg vm1;
	[tilespmem:$0x10] =	vst v2;
	v2 =	vsel vm3, $0x1, v0  }
0x2d: {  	vm12 =	vne.s32 v6, $0x0;
	v6 =	vld [tilespmem:$0x40];
	[tilespmem:$0x410] =	vst v2;
	v2 =	vsel vm4, $0x1, v0;
	vm4 =	vmand vm6, vm11  }
0x2e: {  	vm13 =	vmand vm0, vm12;
	[tilespmem:$0x610] =	vst v2;
	v2 =	vnsel vm4, $0x0, v5;
	v5 =	vld [tilespmem:$0x250]  }
0x2f: {  	vm5 =	vmneg vm13;
	vm7 =	vlt.u32 v3, $0xF4240;
	[tilespmem:$0x20] =	vst v2;
	v2 =	vsel vm4, $0x1, v0  }
0x30: {  	vm5 =	vmand vm7, vm5;
	[tilespmem:$0x420] =	vst v2;
	v2 =	vsel vm1, $0x1, v0;
	vm14 =	vne.s32 v4, $0x0;
	v4 =	vld [tilespmem:$0x50]  }
0x31: {  	[tilespmem:$0x620] =	vst v2;
	v2 =	vnsel vm5, $0x0, v3;
	vm1 =	vmand vm0, vm14;
	v3 =	vld [tilespmem:$0x260]  }
0x32: {  	vm8 =	vlt.u32 v6, $0xF4240;
	[tilespmem:$0x30] =	vst v2;
	v2 =	vsel vm5, $0x1, v0;
	vm15 =	vmneg vm1  }
0x33: {  	[tilespmem:$0x430] =	vst v2;
	v2 =	vsel vm13, $0x1, v0;
	vm6 =	vmand vm8, vm15;
	vm12 =	vne.s32 v5, $0x0;
	v5 =	vld [tilespmem:$0x60]  }
0x34: {  	[tilespmem:$0x630] =	vst v2;
	v2 =	vnsel vm6, $0x0, v6;
	vm13 =	vmand vm0, vm12;
	v6 =	vld [tilespmem:$0x270]  }
0x35: {  	[tilespmem:$0x40] =	vst v2;
	v2 =	vsel vm6, $0x1, v0;
	vm7 =	vmneg vm13;
	vm9 =	vlt.u32 v4, $0xF4240  }
0x36: {  	[tilespmem:$0x440] =	vst v2;
	v2 =	vsel vm1, $0x1, v0;
	vm7 =	vmand vm9, vm7;
	vm14 =	vne.s32 v3, $0x0;
	v3 =	vld [tilespmem:$0x70]  }
0x37: {  	[tilespmem:$0x640] =	vst v2;
	v2 =	vnsel vm7, $0x0, v4;
	vm1 =	vmand vm0, vm14;
	v4 =	vld [tilespmem:$0x280]  }
0x38: {  	[tilespmem:$0x50] =	vst v2;
	v2 =	vsel vm7, $0x1, v0;
	vm15 =	vmneg vm1;
	vm10 =	vlt.u32 v5, $0xF4240  }
0x39: {  	[tilespmem:$0x450] =	vst v2;
	v2 =	vsel vm13, $0x1, v0;
	vm8 =	vmand vm10, vm15;
	vm12 =	vne.s32 v6, $0x0;
	v6 =	vld [tilespmem:$0x80]  }
0x3a: {  	[tilespmem:$0x650] =	vst v2;
	v2 =	vnsel vm8, $0x0, v5;
	vm10 =	vmand vm0, vm12;
	v5 =	vld [tilespmem:$0x290]  }
0x3b: {  	[tilespmem:$0x60] =	vst v2;
	v2 =	vsel vm8, $0x1, v0;
	vm9 =	vmneg vm10;
	vm11 =	vlt.u32 v3, $0xF4240  }
0x3c: {  	[tilespmem:$0x460] =	vst v2;
	v2 =	vsel vm1, $0x1, v0;
	vm9 =	vmand vm11, vm9;
	vm13 =	vne.s32 v4, $0x0;
	v4 =	vld [tilespmem:$0x90]  }
0x3d: {  	v7 =	vsel vm10, $0x1, v0;
	[tilespmem:$0x660] =	vst v2;
	v2 =	vnsel vm9, $0x0, v3;
	vm11 =	vmand vm0, vm13;
	v3 =	vld [tilespmem:$0x2A0]  }
0x3e: {  	[tilespmem:$0x670] =	vst v7;
	vm1 =	vmneg vm11;
	vm12 =	vlt.u32 v6, $0xF4240  }
0x3f: {  	[tilespmem:$0x70] =	vst v2;
	v2 =	vsel vm9, $0x1, v0;
	vm1 =	vmand vm12, vm1;
	vm14 =	vne.s32 v5, $0x0;
	v5 =	vld [tilespmem:$0xA0]  }
0x40: {  	v7 =	vld [tilespmem:$0x2B0];
	[tilespmem:$0x470] =	vst v2;
	v2 =	vmpcnt.ones.xlane vm2;
	v6 =	vnsel vm1, $0x0, v6;
	vm10 =	vmand vm0, vm14  }
0x41: {  	[tilespmem:$0x80] =	vst v6;
	v6 =	vsel vm1, $0x1, v0;
	vm2 =	vmneg vm10;
	vm12 =	vlt.u32 v4, $0xF4240  }
0x42: {  	v8 =	vld [tilespmem:$0xB0];
	v9 =	vsel vm10, $0x1, v0;
	[tilespmem:$0x480] =	vst v6;
	v6 =	vsel vm11, $0x1, v0;
	vm15 =	vne.s32 v3, $0x0  }
0x43: {  	vm2 =	vmand vm12, vm2;
	v3 =	vmpcnt.ones.xlane vm3;
	[tilespmem:$0x690] =	vst v9;
	v9 =	vld [tilespmem:$0x2D0];
	vm11 =	vmand vm0, vm15  }
0x44: {  	[tilespmem:$0x680] =	vst v6;
	v4 =	vnsel vm2, $0x0, v4;
	v6 =	vld [tilespmem:$0x2C0];
	vm3 =	vmneg vm11;
	vm12 =	vlt.u32 v5, $0xF4240  }
0x45: {  	[tilespmem:$0x90] =	vst v4;
	v4 =	vsel vm2, $0x1, v0;
	vm3 =	vmand vm12, vm3;
	vm12 =	vne.s32 v7, $0x0  }
0x46: {  	v10 =	vsel vm11, $0x1, v0;
	[tilespmem:$0x490] =	vst v4;
	v7 =	vld [tilespmem:$0xC0];
	v4 =	vmpcnt.ones.xlane vm4;
	vm10 =	vmand vm0, vm12  }
0x47: {  	[tilespmem:$0x6A0] =	vst v10;
	v5 =	vnsel vm3, $0x0, v5;
	vm12 =	vlt.u32 v8, $0xF4240;
	vm4 =	vmneg vm10  }
0x48: {  	v11 =	vld [tilespmem:$0xD0];
	[tilespmem:$0xA0] =	vst v5;
	v5 =	vsel vm3, $0x1, v0;
	v10 =	vsel vm10, $0x1, v0;
	vm4 =	vmand vm12, vm4  }
0x49: {  	vm14 =	vne.s32 v9, $0x0;
	[tilespmem:$0x4A0] =	vst v5;
	vm13 =	vne.s32 v6, $0x0;
	v6 =	vnsel vm4, $0x0, v8;
	v8 =	vld [tilespmem:$0x2E0]  }
0x4a: {  	v5 =	vmpcnt.ones.xlane vm5;
	[tilespmem:$0x6B0] =	vst v10;
	vm10 =	vmand vm0, vm14;
	vm11 =	vmand vm0, vm13  }
0x4b: {  	v9 =	vld [tilespmem:$0xE0];
	[tilespmem:$0xB0] =	vst v6;
	v6 =	vsel vm4, $0x1, v0;
	vm5 =	vmneg vm11;
	vm12 =	vlt.u32 v7, $0xF4240  }
0x4c: {  	v10 =	vld [tilespmem:$0x2F0];
	v12 =	vsel vm11, $0x1, v0;
	[tilespmem:$0x4B0] =	vst v6;
	vm5 =	vmand vm12, vm5;
	v6 =	vmpcnt.ones.xlane vm6  }
0x4d: {  	vm6 =	vmneg vm10;
	vm12 =	vlt.u32 v11, $0xF4240;
	[tilespmem:$0x6C0] =	vst v12;
	v12 =	vsel vm10, $0x1, v0  }
0x4e: {  	v13 =	vld [tilespmem:$0xF0];
	v7 =	vnsel vm5, $0x0, v7;
	vm6 =	vmand vm12, vm6;
	[tilespmem:$0x6D0] =	vst v12;
	vm15 =	vne.s32 v8, $0x0  }
0x4f: {  	[tilespmem:$0xC0] =	vst v7;
	v7 =	vsel vm5, $0x1, v0;
	v8 =	vnsel vm6, $0x0, v11;
	v11 =	vld [tilespmem:$0x300];
	vm11 =	vmand vm0, vm15  }
0x50: {  	vm12 =	vlt.u32 v9, $0xF4240;
	[tilespmem:$0x4C0] =	vst v7;
	v7 =	vmpcnt.ones.xlane vm7;
	vm7 =	vmneg vm11  }
0x51: {  	v14 =	vld [tilespmem:$0x100];
	[tilespmem:$0xD0] =	vst v8;
	v8 =	vsel vm6, $0x1, v0;
	vm7 =	vmand vm12, vm7;
	vm12 =	vne.s32 v10, $0x0  }
0x52: {  	[tilespmem:$0x4D0] =	vst v8;
	v8 =	vmpcnt.ones.xlane vm8;
	v12 =	vsel vm11, $0x1, v0;
	v10 =	vld [tilespmem:$0x310];
	vm10 =	vmand vm0, vm12  }
0x53: {  	[tilespmem:$0x6E0] =	vst v12;
	v9 =	vnsel vm7, $0x0, v9;
	vm12 =	vlt.u32 v13, $0xF4240;
	vm8 =	vmneg vm10  }
0x54: {  	v15 =	vld [tilespmem:$0x110];
	[tilespmem:$0xE0] =	vst v9;
	v9 =	vsel vm7, $0x1, v0;
	vm13 =	vne.s32 v11, $0x0;
	vm8 =	vmand vm12, vm8  }
0x55: {  	v12 =	vld [tilespmem:$0x320];
	[tilespmem:$0x4E0] =	vst v9;
	v9 =	vmpcnt.ones.xlane vm9;
	vm11 =	vmand vm0, vm13;
	v11 =	vnsel vm8, $0x0, v13  }
0x56: {  	vm12 =	vlt.u32 v14, $0xF4240;
	vm9 =	vmneg vm11;
	[tilespmem:$0xF0] =	vst v11;
	v11 =	vsel vm8, $0x1, v0  }
0x57: {  	v13 =	vld [tilespmem:$0x120];
	vm9 =	vmand vm12, vm9;
	vm14 =	vne.s32 v10, $0x0;
	[tilespmem:$0x4F0] =	vst v11;
	v11 =	vsel vm10, $0x1, v0  }
0x58: {  	v16 =	vsel vm11, $0x1, v0;
	vm10 =	vmand vm0, vm14;
	[tilespmem:$0x6F0] =	vst v11;
	v11 =	vnsel vm9, $0x0, v14;
	v14 =	vld [tilespmem:$0x330]  }
0x59: {  	v10 =	vmpcnt.ones.xlane vm1;
	vm12 =	vlt.u32 v15, $0xF4240;
	[tilespmem:$0x700] =	vst v16;
	vm1 =	vmneg vm10  }
0x5a: {  	v17 =	vld [tilespmem:$0x130];
	vm15 =	vne.s32 v12, $0x0;
	v16 =	vsel vm10, $0x1, v0;
	[tilespmem:$0x100] =	vst v11;
	vm1 =	vmand vm12, vm1  }
0x5b: {  	vm11 =	vmand vm0, vm15;
	v11 =	vsel vm9, $0x1, v0;
	[tilespmem:$0x710] =	vst v16;
	v12 =	vnsel vm1, $0x0, v15;
	v15 =	vld [tilespmem:$0x340]  }
0x5c: {  	[tilespmem:$0x500] =	vst v11;
	v11 =	vmpcnt.ones.xlane vm2;
	vm2 =	vmneg vm11;
	vm12 =	vlt.u32 v13, $0xF4240  }
0x5d: {  	v18 =	vld [tilespmem:$0x140];
	[tilespmem:$0x110] =	vst v12;
	v12 =	vsel vm1, $0x1, v0;
	vm2 =	vmand vm12, vm2;
	vm12 =	vne.s32 v14, $0x0  }
0x5e: {  	v16 =	vsel vm11, $0x1, v0;
	[tilespmem:$0x510] =	vst v12;
	v12 =	vmpcnt.ones.xlane vm3;
	v14 =	vld [tilespmem:$0x350];
	vm10 =	vmand vm0, vm12  }
0x5f: {  	[tilespmem:$0x720] =	vst v16;
	v13 =	vnsel vm2, $0x0, v13;
	vm12 =	vlt.u32 v17, $0xF4240;
	vm3 =	vmneg vm10  }
0x60: {  	v19 =	vld [tilespmem:$0x150];
	[tilespmem:$0x120] =	vst v13;
	v13 =	vsel vm2, $0x1, v0;
	vm13 =	vne.s32 v15, $0x0;
	vm3 =	vmand vm12, vm3  }
0x61: {  	v16 =	vld [tilespmem:$0x360];
	[tilespmem:$0x520] =	vst v13;
	v13 =	vmpcnt.ones.xlane vm4;
	vm11 =	vmand vm0, vm13;
	v15 =	vnsel vm3, $0x0, v17  }
0x62: {  	vm12 =	vlt.u32 v18, $0xF4240;
	vm4 =	vmneg vm11;
	[tilespmem:$0x130] =	vst v15;
	v15 =	vsel vm3, $0x1, v0  }
0x63: {  	v17 =	vld [tilespmem:$0x160];
	vm4 =	vmand vm12, vm4;
	vm14 =	vne.s32 v14, $0x0;
	[tilespmem:$0x530] =	vst v15;
	v15 =	vsel vm10, $0x1, v0  }
0x64: {  	v20 =	vsel vm11, $0x1, v0;
	vm10 =	vmand vm0, vm14;
	[tilespmem:$0x730] =	vst v15;
	v15 =	vnsel vm4, $0x0, v18;
	v18 =	vld [tilespmem:$0x370]  }
0x65: {  	v14 =	vmpcnt.ones.xlane vm5;
	vm12 =	vlt.u32 v19, $0xF4240;
	[tilespmem:$0x740] =	vst v20;
	vm5 =	vmneg vm10  }
0x66: {  	v21 =	vld [tilespmem:$0x170];
	vm15 =	vne.s32 v16, $0x0;
	v20 =	vsel vm10, $0x1, v0;
	[tilespmem:$0x140] =	vst v15;
	vm5 =	vmand vm12, vm5  }
0x67: {  	vm11 =	vmand vm0, vm15;
	v15 =	vsel vm4, $0x1, v0;
	[tilespmem:$0x750] =	vst v20;
	v16 =	vnsel vm5, $0x0, v19;
	v19 =	vld [tilespmem:$0x380]  }
0x68: {  	[tilespmem:$0x540] =	vst v15;
	v15 =	vmpcnt.ones.xlane vm6;
	vm6 =	vmneg vm11;
	vm12 =	vlt.u32 v17, $0xF4240  }
0x69: {  	v22 =	vld [tilespmem:$0x180];
	[tilespmem:$0x150] =	vst v16;
	v16 =	vsel vm5, $0x1, v0;
	vm6 =	vmand vm12, vm6;
	vm12 =	vne.s32 v18, $0x0  }
0x6a: {  	v20 =	vsel vm11, $0x1, v0;
	[tilespmem:$0x550] =	vst v16;
	v16 =	vmpcnt.ones.xlane vm7;
	v18 =	vld [tilespmem:$0x390];
	vm10 =	vmand vm0, vm12  }
0x6b: {  	[tilespmem:$0x760] =	vst v20;
	v17 =	vnsel vm6, $0x0, v17;
	vm12 =	vlt.u32 v21, $0xF4240;
	vm7 =	vmneg vm10  }
0x6c: {  	v23 =	vld [tilespmem:$0x190];
	[tilespmem:$0x160] =	vst v17;
	v17 =	vsel vm6, $0x1, v0;
	vm13 =	vne.s32 v19, $0x0;
	vm7 =	vmand vm12, vm7  }
0x6d: {  	v20 =	vld [tilespmem:$0x3A0];
	[tilespmem:$0x560] =	vst v17;
	v17 =	vmpcnt.ones.xlane vm8;
	vm11 =	vmand vm0, vm13;
	v19 =	vnsel vm7, $0x0, v21  }
0x6e: {  	vm12 =	vlt.u32 v22, $0xF4240;
	vm8 =	vmneg vm11;
	[tilespmem:$0x170] =	vst v19;
	v19 =	vsel vm7, $0x1, v0  }
0x6f: {  	v21 =	vld [tilespmem:$0x1A0];
	vm8 =	vmand vm12, vm8;
	vm14 =	vne.s32 v18, $0x0;
	[tilespmem:$0x570] =	vst v19;
	v19 =	vsel vm10, $0x1, v0  }
0x70: {  	v24 =	vsel vm11, $0x1, v0;
	vm10 =	vmand vm0, vm14;
	[tilespmem:$0x770] =	vst v19;
	v19 =	vnsel vm8, $0x0, v22;
	v22 =	vld [tilespmem:$0x3B0]  }
0x71: {  	v18 =	vmpcnt.ones.xlane vm9;
	vm12 =	vlt.u32 v23, $0xF4240;
	[tilespmem:$0x780] =	vst v24;
	vm9 =	vmneg vm10  }
0x72: {  	v25 =	vld [tilespmem:$0x1B0];
	vm15 =	vne.s32 v20, $0x0;
	v24 =	vsel vm10, $0x1, v0;
	[tilespmem:$0x180] =	vst v19;
	vm9 =	vmand vm12, vm9  }
0x73: {  	vm11 =	vmand vm0, vm15;
	v19 =	vsel vm8, $0x1, v0;
	[tilespmem:$0x790] =	vst v24;
	v20 =	vnsel vm9, $0x0, v23;
	v23 =	vld [tilespmem:$0x3C0]  }
0x74: {  	[tilespmem:$0x580] =	vst v19;
	v19 =	vmpcnt.ones.xlane vm1;
	vm1 =	vmneg vm11;
	vm12 =	vlt.u32 v21, $0xF4240  }
0x75: {  	v26 =	vld [tilespmem:$0x1C0];
	[tilespmem:$0x190] =	vst v20;
	v20 =	vsel vm9, $0x1, v0;
	vm1 =	vmand vm12, vm1;
	vm12 =	vne.s32 v22, $0x0  }
0x76: {  	v24 =	vsel vm11, $0x1, v0;
	[tilespmem:$0x590] =	vst v20;
	v20 =	vmpcnt.ones.xlane vm2;
	v22 =	vld [tilespmem:$0x3D0];
	vm10 =	vmand vm0, vm12  }
0x77: {  	[tilespmem:$0x7A0] =	vst v24;
	v21 =	vnsel vm1, $0x0, v21;
	vm12 =	vlt.u32 v25, $0xF4240;
	vm2 =	vmneg vm10  }
0x78: {  	v27 =	vld [tilespmem:$0x1D0];
	[tilespmem:$0x1A0] =	vst v21;
	v21 =	vsel vm1, $0x1, v0;
	vm13 =	vne.s32 v23, $0x0;
	vm2 =	vmand vm12, vm2  }
0x79: {  	v24 =	vld [tilespmem:$0x3E0];
	[tilespmem:$0x5A0] =	vst v21;
	v21 =	vmpcnt.ones.xlane vm3;
	vm11 =	vmand vm0, vm13;
	v23 =	vnsel vm2, $0x0, v25  }
0x7a: {  	vm12 =	vlt.u32 v26, $0xF4240;
	vm3 =	vmneg vm11;
	[tilespmem:$0x1B0] =	vst v23;
	v23 =	vsel vm2, $0x1, v0  }
0x7b: {  	v28 =	vld [tilespmem:$0x1E0];
	vm3 =	vmand vm12, vm3;
	vm14 =	vne.s32 v22, $0x0;
	[tilespmem:$0x5B0] =	vst v23;
	v23 =	vsel vm10, $0x1, v0  }
0x7c: {  	v25 =	vld [tilespmem:$0x3F0];
	v22 =	vmpcnt.ones.xlane vm4;
	vm10 =	vmand vm0, vm14;
	[tilespmem:$0x7B0] =	vst v23;
	v23 =	vnsel vm3, $0x0, v26  }
0x7d: {  	vm12 =	vlt.u32 v27, $0xF4240;
	vm4 =	vmneg vm10;
	v26 =	vsel vm11, $0x1, v0;
	[tilespmem:$0x1C0] =	vst v23  }
0x7e: {  	vm15 =	vne.s32 v24, $0x0;
	v24 =	vld [tilespmem:$0x1F0];
	v23 =	vsel vm3, $0x1, v0;
	vm4 =	vmand vm12, vm4;
	[tilespmem:$0x7C0] =	vst v26  }
0x7f: {  	[tilespmem:$0x5C0] =	vst v23;
	v23 =	vmpcnt.ones.xlane vm5;
	v26 =	vnsel vm4, $0x0, v27;
	vm5 =	vmand vm0, vm15  }
0x80: {  	vm12 =	vlt.u32 v28, $0xF4240;
	[tilespmem:$0x1D0] =	vst v26;
	v26 =	vsel vm4, $0x1, v0;
	vm11 =	vmneg vm5  }
0x81: {  	v27 =	vsel vm5, $0x1, v0;
	vm11 =	vmand vm12, vm11;
	[tilespmem:$0x5D0] =	vst v26;
	vm12 =	vne.s32 v25, $0x0  }
0x82: {  	v32 =	vmpcnt.ones.xlane vm7;
	v26 =	vsel vm10, $0x1, v0;
	[tilespmem:$0x7E0] =	vst v27;
	vm0 =	vmand vm0, vm12  }
0x83: {  	vm14 =	vlt.u32 v24, $0xF4240;
	[tilespmem:$0x7D0] =	vst v26;
	v26 =	vnsel vm11, $0x0, v28;
	vm13 =	vmneg vm0  }
0x84: {  	v33 =	vmpcnt.ones.xlane vm8;
	[tilespmem:$0x1E0] =	vst v26;
	v26 =	vsel vm11, $0x1, v0;
	vm15 =	vmand vm14, vm13  }
0x85: {  	v30 =	vmpcnt.ones.xlane vm9;
	v31 =	vmpcnt.ones.xlane vm1;
	[tilespmem:$0x5E0] =	vst v26;
	v24 =	vnsel vm15, $0x0, v24  }
0x86: {  	v29 =	vmpcnt.ones.xlane vm3;
	v25 =	vmpcnt.ones.xlane vm6;
	[tilespmem:$0x1F0] =	vst v24;
	v24 =	vsel vm15, $0x1, v0  }
0x87: {  	v28 =	vmpcnt.ones.xlane vm2;
	v27 =	vmpcnt.ones.xlane vm11;
	[tilespmem:$0x5F0] =	vst v24;
	v24 =	vsel vm0, $0x1, v0  }
0x88: {  	s0 =	simm.s32 $0x0;
	v26 =	vmpcnt.ones.xlane vm4;
	[tilespmem:$0x7F0] =	vst v24;
	v24 =	vmpcnt.ones.xlane vm15  }
.LBB2_2:
0x89: {  	p0 =	sne.s32 s0, $0x3FE00  }
.Ltmp0:
0x8a: {  	s1 =	sshra.s32 s0, $0x2;
	(pc) =	sbr.rel @p0 .LBB2_2-.Ltmp0, $4  }
0x8b: {  	[tilespmem:s1+$0x900] =	vst v1  }
0x8c: {  	[tilespmem:s1+$0x910] =	vst v1  }
0x8d: {  	[tilespmem:s1+$0x920] =	vst v1  }
0x8e: {  	s0 =	sadd.s32 $0x200, s0;
	[tilespmem:s1+$0x930] =	vst v1  }
0x8f: {  	s18 =	simm.s32 $0x400  }
0x90: {  	v35 =	vld [tilespmem:s18+$0x0];
	_ =	sdelay $0x4  }
0x91: {  	(v2sf) =	vpush v35, $0x0  }
0x92: {  	(v2sf) =	vpush v35, $0x5  }
0x93: {  	(v2sf) =	vpush v35, $0x1  }
0x94: {  	(v2sf) =	vpush v35, $0x2  }
0x95: {  	(v2sf) =	vpush v35, $0x7  }
0x96: {  	(v2sf) =	vpush v35, $0x9  }
0x97: {  	(v2sf) =	vpush v35, $0xB  }
0x98: {  	(v2sf) =	vpush v35, $0x3  }
0x99: {  	(v2sf) =	vpush v35, $0xC  }
0x9a: {  	(v2sf) =	vpush v35, $0xD  }
0x9b: {  	(v2sf) =	vpush v35, $0xE  }
0x9c: {  	s19 =	simm.s32 $0x0;
	(v2sf) =	vpush v35, $0xF  }
0x9d: {  	s20 =	simm.s32 $0x2000;
	s17 =	simm.s32 $0x0;
	v34 =	vld [tilespmem:s19+$0x0];
	(v2sf) =	vpush v35, $0x4  }
.LBB2_4:
0x9e: {  	_ = 	snop  }
0x9f: {  	s0 =	smov.u32 s20;
	s20 =	sadd.s32 $0x2000, s20  }
0xa0: {  	p0 =	sne.s32 s20, $0x40000;
	s29 =	spop (v2sf)  }
0xa1: {  	[dreg:$0x5] =	wrdreg s0;
	s0 =	simm.s32 @!p0 $0x0;
	s1 =	spop (v2sf)  }
0xa2: {  	s0 =	simm.s32 @p0 $0x1;
	p6 =	seq.s32 s29, $0x0;
	s30 =	spop (v2sf)  }
0xa3: {  	[smem:$0x7FD] =	sst s0;
	p0 =	seq.s32 s1, $0x0;
	p1 =	seq.s32 s30, $0x0  }
0xa4: {  	(v2sf) =	vpush v35, $0x6;
	s31 =	spop (v2sf);
	s2 =	sshra.s32 @!p0 s17, $0x2;
	s0 =	simm.s32 @!p1 $0x0  }
0xa5: {  	(v2sf) =	vpush v35, $0x8;
	s1 =	sshra.s32 @!p1 s17, $0x2;
	s5 =	spop (v2sf);
	p2 =	seq.s32 s31, $0x0  }
0xa6: {  	(v2sf) =	vpush @!p6 v34, $0x0;
	s24 =	sadd.s32 @!p0 $0xB80, s2;
	s2 =	sshra.s32 @!p6 s17, $0x2;
	s0 =	simm.s32 @p1 $0x1  }
0xa7: {  	(v2sf) =	vpush @!p1 v34, $0x1;
	s29 =	sadd.s32 @!p1 $0x980, s1;
	s4 =	spop (v2sf);
	p1 =	por p0, p0  }
0xa8: {  	[smem:$0x7F3] =	sst s0;
	s0 =	simm.s32 @!p2 $0x0;
	s3 =	spop (v2sf)  }
0xa9: {  	s0 =	simm.s32 @p2 $0x1;
	s6 =	spop (v2sf);
	s16 =	sld [smem:$0x7F3]  }
0xaa: {  	(v2sf) =	vpush @!p0 v34, $0x5;
	[smem:$0x7F4] =	sst s0;
	s0 =	sshra.s32 @!p2 s17, $0x2;
	p0 =	seq.s32 s6, $0x0  }
0xab: {  	s8 =	spop (v2sf);
	s30 =	sadd.s32 @!p2 $0xA00, s0;
	s0 =	sadd.s32 @!p6 $0x900, s2  }
0xac: {  	(v2sf) =	vpush @!p2 v34, $0x2;
	s2 =	simm.s32 @!p0 $0x0;
	s7 =	spop (v2sf);
	p2 =	seq.s32 s5, $0x0  }
0xad: {  	s21 =	sld [smem:$0x7F4];
	s2 =	simm.s32 @p0 $0x1;
	s9 =	spop (v2sf)  }
0xae: {  	s11 =	sshra.s32 @!p2 s17, $0x2;
	p5 =	seq.s32 s16, $0x1;
	[smem:$0x7F5] =	sst s2  }
0xaf: {  	(v2sf) =	vpush v35, $0xA;
	s2 =	sshra.s32 @!p0 s17, $0x2;
	s10 =	spop (v2sf);
	s28 =	sadd.s32 @!p2 $0xC80, s11  }
0xb0: {  	(v2sf) =	vpush @!p0 v34, $0x3;
	s31 =	sadd.s32 @!p0 $0xA80, s2;
	p0 =	seq.s32 s3, $0x0;
	s2 =	simm.s32 @!p2 $0x0  }
0xb1: {  	s12 =	spop (v2sf);
	s1 =	simm.s32 @!p0 $0x0;
	s2 =	simm.s32 @p2 $0x1  }
0xb2: {  	(v2sf) =	vpush @!p0 v34, $0xB;
	p3 =	seq.s32 s12, $0x0;
	s1 =	simm.s32 @p0 $0x1;
	[smem:$0x7F7] =	sst s2  }
0xb3: {  	s2 =	sshra.s32 @!p0 s17, $0x2;
	(v2sf) =	vpush @!p2 v34, $0x7;
	p2 =	seq.s32 s10, $0x0;
	s10 =	sld [smem:$0x7F5]  }
0xb4: {  	[smem:$0x7FB] =	sst s1;
	s2 =	sadd.s32 @!p0 $0xE80, s2;
	s14 =	spop (v2sf)  }
0xb5: {  	[dreg:$0x6] =	wrdreg s2;
	s2 =	simm.s32 @!p0 $0x0;
	p0 =	seq.s32 s9, $0x0  }
0xb6: {  	(v2sf) =	vpush @!p3 v34, $0x4;
	[dreg:$0x7] =	wrdreg s2;
	s2 =	sshra.s32 @!p3 s17, $0x2;
	s1 =	simm.s32 @!p0 $0x0  }
0xb7: {  	(v2sf) =	vpush @!p0 v34, $0xE;
	s15 =	spop (v2sf);
	s1 =	simm.s32 @p0 $0x1;
	p0 =	seq.s32 s8, $0x0  }
0xb8: {  	p4 =	seq.s32 s15, $0x0;
	s5 =	spop @!p6 (v2sf);
	s8 =	simm.s32 @!p6 $0x0  }
0xb9: {  	[smem:$0x7FA] =	sst s1;
	s1 =	simm.s32 @!p2 $0x0;
	s26 =	sshra.s32 @!p0 s17, $0x2  }
0xba: {  	s5 =	sshll.u32 @!p6 s5, $0x4;
	s1 =	simm.s32 @p2 $0x1;
	p2 =	seq.s32 s7, $0x0  }
0xbb: {  	s7 =	spop @!p5 (v2sf);
	s5 =	sand.u32 @!p6 $0x1FFFFFF0, s5;
	[smem:$0x7FC] =	sst s1  }
0xbc: {  	s1 =	sadd.s32 @!p3 $0xB00, s2;
	s2 =	simm.s32 @!p2 $0x0;
	s25 =	sshra.s32 @!p2 s17, $0x2  }
0xbd: {  	s7 =	sshll.u32 @!p5 s7, $0x4;
	s15 =	sadd.s32 @!p6 s13, s5;
	s2 =	simm.s32 @p2 $0x1  }
0xbe: {  	p2 =	seq.s32 s14, $0x0;
	s14 =	spop @!p1 (v2sf);
	s7 =	sand.u32 @!p5 $0x1FFFFFF0, s7  }
0xbf: {  	[smem:$0x7F9] =	sst s2;
	s2 =	simm.s32 @!p1 $0x0;
	s3 =	sadd.s32 @!p5 s13, s7  }
0xc0: {  	s7 =	sshll.u32 @!p1 s14, $0x4;
	s14 =	sld [smem:$0x7FB];
	s2 =	simm.s32 @p1 $0x1  }
0xc1: {  	s6 =	sshra.s32 @!p2 s17, $0x2;
	[smem:$0x7F8] =	sst s2;
	s2 =	simm.s32 @!p1 $0x0  }
0xc2: {  	s7 =	sand.u32 @!p1 $0x1FFFFFF0, s7;
	[dreg:$0x8] =	wrdreg s2;
	s2 =	simm.s32 @!p0 $0x0  }
0xc3: {  	s12 =	sadd.s32 @!p2 $0xC00, s6;
	s7 =	sadd.s32 @!p1 s13, s7;
	s2 =	simm.s32 @p0 $0x1  }
0xc4: {  	p0 =	seq.s32 s21, $0x1;
	[smem:$0x7F6] =	sst s2;
	s2 =	simm.s32 @!p6 $0x0  }
0xc5: {  	s21 =	sld [smem:$0x7F7];
	s9 =	spop @!p0 (v2sf);
	s2 =	simm.s32 @p6 $0x1  }
0xc6: {  	s22 =	spop (v2sf);
	p6 =	por p5, p5;
	s16 =	sld [smem:$0x7F6]  }
0xc7: {  	s6 =	sshll.u32 @!p0 s9, $0x4;
	p5 =	seq.s32 s10, $0x1;
	[smem:$0x7F2] =	sst s2  }
0xc8: {  	s6 =	sand.u32 @!p0 $0x1FFFFFF0, s6;
	s9 =	spop @!p5 (v2sf);
	s2 =	simm.s32 @!p5 $0x0  }
0xc9: {  	p1 =	seq.s32 s22, $0x0;
	s10 =	sadd.s32 @!p0 s13, s6;
	s6 =	sshll.u32 @!p5 s9, $0x4  }
0xca: {  	(v2sf) =	vpush @!p2 v34, $0x6;
	s22 =	sld [smem:$0x7FA];
	p0 =	seq.s32 s14, $0x1;
	s6 =	sand.u32 @!p5 $0x1FFFFFF0, s6  }
0xcb: {  	(v2sf) =	vpush @!p4 v34, $0x8;
	s9 =	spop @!p0 (v2sf);
	p0 =	seq.s32 s16, $0x1;
	s16 =	simm.s32 @!p6 $0x0  }
0xcc: {  	p6 =	seq.s32 s21, $0x1;
	s21 =	sshra.s32 @!p1 s17, $0x2;
	(v2sf) =	vpush @!p0 v34, $0xC;
	p0 =	seq.s32 s4, $0x0  }
0xcd: {  	s4 =	spop @!p6 (v2sf);
	s23 =	sadd.s32 @!p5 s13, s6;
	p5 =	por p6, p6  }
0xce: {  	s5 =	spop @!p3 (v2sf);
	s4 =	sshll.u32 @!p6 s4, $0x4;
	p6 =	seq.s32 s22, $0x1  }
0xcf: {  	(v2sf) =	vpush @!p0 v34, $0x9;
	s22 =	sshll.u32 @!p3 s5, $0x4;
	s5 =	sadd.s32 @!p1 $0xE00, s21;
	s21 =	sld [smem:$0x7F4]  }
0xd0: {  	(v2sf) =	vpush @!p1 v34, $0xA;
	s6 =	spop @!p6 (v2sf);
	[smem:$0x7F1] =	sst s0  }
0xd1: {  	s0 =	sld [smem:$0x7F2];
	_ =	sdelay $0x1  }
0xd2: {  	p6 =	por p5, p5;
	s4 =	sand.u32 @!p5 $0x1FFFFFF0, s4;
	p5 =	seq.s32 s21, $0x1  }
0xd3: {  	s21 =	simm.s32 @!p5 $0x0;
	p5 =	seq.s32 s0, $0x1;
	s0 =	sld [smem:$0x7F1]  }
0xd4: {  	_ = 	snop  }
0xd5: {  	s22 =	sand.u32 @!p3 $0x1FFFFFF0, s22  }
0xd6: {  	[tilespmem:s0], [sflag:$0x1] =	stream.linear.gather @!p5 [hbm4b:s15+s8], $0x80, $0x38;
	[tilespmem:$0x10900] =	vst v63  }
0xd7: {  	s0 =	sadd.s32 @!p3 s13, s22;
	s22 =	sld [smem:$0x7F9];
	_ =	sdelay $0x1  }
0xd8: {  	s15 =	sld [smem:$0x7FB]  }
0xd9: {  	p5 =	seq.s32 s22, $0x1;
	s22 =	sld [smem:$0x7F3]  }
0xda: {  	s18 =	sadd.s32 $0x10, s18  }
0xdb: {  	s11 =	sshra.s32 @!p4 s17, $0x2;
	s4 =	sadd.s32 @!p6 s13, s4;
	p6 =	seq.s32 s15, $0x1  }
0xdc: {  	s8 =	sshll.u32 @!p6 s9, $0x4;
	s9 =	spop @!p2 (v2sf);
	(v2sf) =	vpush @!p5 v34, $0xD;
	p5 =	seq.s32 s22, $0x1  }
0xdd: {  	[tilespmem:s29], [sflag:$0x1] =	stream.linear.gather @!p5 [hbm4b:s3+s16], $0x80, $0x38;
	[tilespmem:$0x10900] =	vst v63  }
0xde: {  	s11 =	sadd.s32 @!p4 $0xD00, s11;
	s14 =	simm.s32 @!p0 $0x0;
	s29 =	sld [smem:$0x7F4]  }
0xdf: {  	s15 =	simm.s32 @!p3 $0x0;
	s8 =	sand.u32 @!p6 $0x1FFFFFF0, s8;
	s3 =	sshll.u32 @!p2 s9, $0x4  }
0xe0: {  	s22 =	sld [smem:$0x7F5];
	s9 =	spop @!p4 (v2sf);
	s3 =	sand.u32 @!p2 $0x1FFFFFF0, s3  }
0xe1: {  	s9 =	sshll.u32 @!p4 s9, $0x4;
	p5 =	seq.s32 s29, $0x1;
	s29 =	sld [smem:$0x7F7]  }
0xe2: {  	[tilespmem:s30], [sflag:$0x1] =	stream.linear.gather @!p5 [hbm4b:s10+s21], $0x80, $0x38;
	[tilespmem:$0x10900] =	vst v63  }
0xe3: {  	s3 =	sadd.s32 @!p2 s13, s3;
	s9 =	sand.u32 @!p4 $0x1FFFFFF0, s9;
	s30 =	sld [smem:$0x7FC]  }
0xe4: {  	s10 =	simm.s32 @!p2 $0x0;
	p5 =	seq.s32 s22, $0x1;
	s21 =	rddreg [dreg:$0x8]  }
0xe5: {  	[tilespmem:s31], [sflag:$0x1] =	stream.linear.gather @!p5 [hbm4b:s23+s2], $0x80, $0x38;
	[tilespmem:$0x10900] =	vst v63  }
0xe6: {  	s2 =	sadd.s32 @!p4 s13, s9;
	p5 =	por p4, p4;
	s23 =	sld [smem:$0x7F6]  }
0xe7: {  	s9 =	sshra.s32 @!p0 s17, $0x2;
	p4 =	seq.s32 s29, $0x1;
	s31 =	sld [smem:$0x7F8]  }
0xe8: {  	[tilespmem:s1], [sflag:$0x1] =	stream.linear.gather @!p3 [hbm4b:s0+s15], $0x80, $0x38;
	[tilespmem:$0x10900] =	vst v63  }
0xe9: {  	s29 =	sld [smem:$0x7FC];
	s0 =	simm.s32 @!p4 $0x0;
	p6 =	seq.s32 s23, $0x1  }
0xea: {  	s1 =	simm.s32 @!p5 $0x0;
	p3 =	seq.s32 s30, $0x1;
	s16 =	spop @!p6 (v2sf)  }
0xeb: {  	s23 =	sld [smem:$0x7F9];
	s15 =	spop @!p0 (v2sf);
	(v2sf) =	vpush @!p3 v34, $0xF;
	p3 =	seq.s32 s31, $0x1  }
0xec: {  	[tilespmem:s24], [sflag:$0x1] =	stream.linear.gather @!p3 [hbm4b:s7+s21], $0x80, $0x38;
	[tilespmem:$0x10900] =	vst v63  }
0xed: {  	s7 =	sshll.u32 @!p0 s15, $0x4;
	s15 =	sshll.u32 @!p6 s16, $0x4;
	s24 =	sld [smem:$0x7FA]  }
0xee: {  	[tilespmem:s12], [sflag:$0x1] =	stream.linear.gather @!p2 [hbm4b:s3+s10], $0x80, $0x38;
	[tilespmem:$0x10900] =	vst v63  }
0xef: {  	s16 =	spop @!p1 (v2sf);
	p3 =	seq.s32 s23, $0x1;
	s3 =	sand.u32 @!p0 $0x1FFFFFF0, s7  }
0xf0: {  	s7 =	sshll.u32 @!p1 s16, $0x4;
	s10 =	sand.u32 @!p6 $0x1FFFFFF0, s15;
	p2 =	seq.s32 s24, $0x1  }
0xf1: {  	[tilespmem:s28], [sflag:$0x1] =	stream.linear.gather @!p4 [hbm4b:s4+s0], $0x80, $0x38;
	[tilespmem:$0x10900] =	vst v63  }
0xf2: {  	s0 =	sadd.s32 @!p0 s13, s3;
	s3 =	sand.u32 @!p1 $0x1FFFFFF0, s7;
	s4 =	spop @!p3 (v2sf)  }
0xf3: {  	s7 =	sadd.s32 @!p0 $0xD80, s9;
	s28 =	sld [smem:$0x7FB];
	s4 =	sshll.u32 @!p3 s4, $0x4  }
0xf4: {  	[tilespmem:s11], [sflag:$0x1] =	stream.linear.gather @!p5 [hbm4b:s2+s1], $0x80, $0x38;
	[tilespmem:$0x10900] =	vst v63  }
0xf5: {  	s3 =	sadd.s32 @!p1 s13, s3;
	s1 =	sadd.s32 @!p6 s13, s10;
	s2 =	sand.u32 @!p3 $0x1FFFFFF0, s4  }
0xf6: {  	s4 =	sshll.u32 @!p2 s6, $0x4;
	s6 =	simm.s32 @!p1 $0x0;
	s2 =	sadd.s32 @!p3 s13, s2  }
0xf7: {  	[tilespmem:s7], [sflag:$0x1] =	stream.linear.gather @!p0 [hbm4b:s0+s14], $0x80, $0x38;
	[tilespmem:$0x10900] =	vst v63  }
0xf8: {  	s4 =	sand.u32 @!p2 $0x1FFFFFF0, s4;
	p0 =	seq.s32 s28, $0x1;
	s7 =	rddreg [dreg:$0x7]  }
0xf9: {  	[tilespmem:s5], [sflag:$0x1] =	stream.linear.gather @!p1 [hbm4b:s3+s6], $0x80, $0x38;
	[tilespmem:$0x10900] =	vst v63  }
0xfa: {  	s4 =	sadd.s32 @!p2 s13, s4;
	s0 =	sadd.s32 @!p0 s13, s8;
	s6 =	rddreg [dreg:$0x6]  }
0xfb: {  	[tilespmem:s6], [sflag:$0x1] =	stream.linear.gather @!p0 [hbm4b:s0+s7], $0x80, $0x38;
	[tilespmem:$0x10900] =	vst v63  }
0xfc: {  	s3 =	sadd.s32 @!p6 $0xF00, s26;
	s5 =	sadd.s32 @!p3 $0xF80, s25;
	p0 =	seq.s32 s29, $0x1  }
0xfd: {  	s0 =	simm.s32 @!p6 $0x0;
	s6 =	sshra.s32 @!p2 s17, $0x2;
	s7 =	spop @!p0 (v2sf)  }
0xfe: {  	[tilespmem:s3], [sflag:$0x1] =	stream.linear.gather @!p6 [hbm4b:s1+s0], $0x80, $0x38;
	[tilespmem:$0x10900] =	vst v63  }
0xff: {  	s0 =	simm.s32 @!p3 $0x0;
	s1 =	sadd.s32 @!p2 $0x1000, s6;
	s3 =	sshll.u32 @!p0 s7, $0x4  }
0x100: {  	[tilespmem:s5], [sflag:$0x1] =	stream.linear.gather @!p3 [hbm4b:s2+s0], $0x80, $0x38;
	[tilespmem:$0x10900] =	vst v63  }
0x101: {  	s0 =	simm.s32 @!p2 $0x0;
	s2 =	sshra.s32 @!p0 s17, $0x2;
	s3 =	sand.u32 @!p0 $0x1FFFFFF0, s3  }
0x102: {  	[tilespmem:s1], [sflag:$0x1] =	stream.linear.gather @!p2 [hbm4b:s4+s0], $0x80, $0x38;
	[tilespmem:$0x10900] =	vst v63  }
0x103: {  	s0 =	sadd.s32 @!p0 $0x1080, s2;
	s1 =	sadd.s32 @!p0 s13, s3;
	s2 =	simm.s32 @!p0 $0x0  }
0x104: {  	[tilespmem:s0], [sflag:$0x1] =	stream.linear.gather @!p0 [hbm4b:s1+s2], $0x80, $0x38;
	[tilespmem:$0x10900] =	vst v63  }
0x105: {  	v35 =	vld [tilespmem:s18+$0x0];
	_ =	sdelay $0x4  }
0x106: {  	(v2sf) =	vpush v35, $0x0  }
0x107: {  	(v2sf) =	vpush v35, $0x5  }
0x108: {  	(v2sf) =	vpush v35, $0x1  }
0x109: {  	(v2sf) =	vpush v35, $0x2  }
0x10a: {  	s31 =	sld [smem:$0x7FD];
	(v2sf) =	vpush v35, $0x7  }
0x10b: {  	(v2sf) =	vpush v35, $0x9  }
0x10c: {  	(v2sf) =	vpush v35, $0xB  }
0x10d: {  	p0 =	seq.s32 s31, $0x1;
	(v2sf) =	vpush v35, $0x3  }
.Ltmp1:
0x10e: {  	(v2sf) =	vpush v35, $0xC;
	(pc) =	sbr.rel @p0 .LBB2_4-.Ltmp1, $4  }
0x10f: {  	(v2sf) =	vpush v35, $0xD  }
0x110: {  	(v2sf) =	vpush v35, $0xE  }
0x111: {  	s19 =	sadd.s32 $0x10, s19;
	s30 =	rddreg [dreg:$0x5];
	(v2sf) =	vpush v35, $0xF  }
0x112: {  	s17 =	smov.u32 s30;
	v34 =	vld [tilespmem:s19+$0x0];
	(v2sf) =	vpush v35, $0x4  }
0x113: {  	_ =	sdelay $0x1  }
0x114: {  	s0 =	spop (v2sf);
	(v2sf) =	vpush v35, $0x6  }
0x115: {  	p0 =	seq.s32 s0, $0x0;
	(v2sf) =	vpush v35, $0x8  }
0x116: {  	(v2sf) =	vpush @!p0 v34, $0x0  }
0x117: {  	s25 =	spop (v2sf)  }
0x118: {  	s1 =	spop (v2sf)  }
0x119: {  	s2 =	spop (v2sf)  }
0x11a: {  	p1 =	seq.s32 s1, $0x0;
	s3 =	spop (v2sf)  }
0x11b: {  	(v2sf) =	vpush @!p1 v34, $0x1;
	s26 =	spop (v2sf)  }
0x11c: {  	p3 =	seq.s32 s25, $0x0;
	s4 =	spop (v2sf)  }
0x11d: {  	p5 =	seq.s32 s2, $0x0;
	(v2sf) =	vpush @!p3 v34, $0x5;
	s5 =	spop (v2sf)  }
0x11e: {  	(v2sf) =	vpush @!p5 v34, $0x2;
	s28 =	spop (v2sf)  }
0x11f: {  	s29 =	spop (v2sf)  }
0x120: {  	s6 =	spop (v2sf)  }
0x121: {  	s18 =	spop (v2sf)  }
0x122: {  	p6 =	seq.s32 s4, $0x0;
	s7 =	spop (v2sf)  }
0x123: {  	s4 =	simm.s32 @!p6 $0x0;
	s30 =	spop (v2sf)  }
0x124: {  	p4 =	seq.s32 s5, $0x0;
	s4 =	simm.s32 @p6 $0x1;
	(v2sf) =	vpush v35, $0xA;
	s8 =	spop (v2sf)  }
0x125: {  	[smem:$0x7F0] =	sst s4;
	(v2sf) =	vpush @!p4 v34, $0x3;
	s4 =	spop @!p0 (v2sf)  }
0x126: {  	p2 =	seq.s32 s3, $0x0;
	s3 =	sshll.u32 @!p0 s4, $0x4  }
0x127: {  	s9 =	sshra.s32 @!p0 s17, $0x2;
	(v2sf) =	vpush @!p6 v34, $0xB;
	p6 =	seq.s32 s7, $0x0;
	s3 =	sand.u32 @!p0 $0x1FFFFFF0, s3  }
0x128: {  	(v2sf) =	vpush @!p2 v34, $0x7;
	s4 =	sadd.s32 @!p0 $0x900, s9;
	s9 =	simm.s32 @!p0 $0x0;
	s3 =	sadd.s32 @!p0 s13, s3  }
0x129: {  	[tilespmem:s4], [sflag:$0x1] =	stream.linear.gather @!p0 [hbm4b:s3+s9], $0x80, $0x38;
	[tilespmem:$0x10900] =	vst v63  }
0x12a: {  	(v2sf) =	vpush @!p6 v34, $0x4;
	s3 =	spop @!p1 (v2sf)  }
0x12b: {  	s10 =	simm.s32 @!p1 $0x0;
	s3 =	sshll.u32 @!p1 s3, $0x4  }
0x12c: {  	s4 =	sshra.s32 @!p1 s17, $0x2;
	s7 =	spop @!p3 (v2sf);
	s3 =	sand.u32 @!p1 $0x1FFFFFF0, s3  }
0x12d: {  	s4 =	sadd.s32 @!p1 $0x980, s4;
	s9 =	spop @!p5 (v2sf);
	s3 =	sadd.s32 @!p1 s13, s3  }
0x12e: {  	[tilespmem:s4], [sflag:$0x1] =	stream.linear.gather @!p1 [hbm4b:s3+s10], $0x80, $0x38;
	[tilespmem:$0x10900] =	vst v63  }
0x12f: {  	s3 =	sshra.s32 @!p5 s17, $0x2;
	s4 =	sshll.u32 @!p5 s9, $0x4  }
0x130: {  	p1 =	seq.s32 s6, $0x0;
	s9 =	simm.s32 @!p5 $0x0;
	s4 =	sand.u32 @!p5 $0x1FFFFFF0, s4  }
0x131: {  	s10 =	sld [smem:$0x7F0];
	s3 =	sadd.s32 @!p5 $0xA00, s3;
	s4 =	sadd.s32 @!p5 s13, s4  }
0x132: {  	[tilespmem:s3], [sflag:$0x1] =	stream.linear.gather @!p5 [hbm4b:s4+s9], $0x80, $0x38;
	[tilespmem:$0x10900] =	vst v63  }
0x133: {  	s31 =	spop (v2sf);
	(v2sf) =	vpush @!p1 v34, $0xE;
	p5 =	seq.s32 s30, $0x0  }
0x134: {  	s3 =	spop @!p4 (v2sf);
	(v2sf) =	vpush @!p5 v34, $0x6  }
0x135: {  	s4 =	sshra.s32 @!p4 s17, $0x2;
	p0 =	seq.s32 s10, $0x1;
	s3 =	sshll.u32 @!p4 s3, $0x4  }
0x136: {  	s10 =	simm.s32 @!p4 $0x0;
	s5 =	spop @!p0 (v2sf);
	s3 =	sand.u32 @!p4 $0x1FFFFFF0, s3  }
0x137: {  	s4 =	sadd.s32 @!p4 $0xA80, s4;
	s9 =	spop @!p2 (v2sf);
	s3 =	sadd.s32 @!p4 s13, s3  }
0x138: {  	[tilespmem:s4], [sflag:$0x1] =	stream.linear.gather @!p4 [hbm4b:s3+s10], $0x80, $0x38;
	[tilespmem:$0x10900] =	vst v63  }
0x139: {  	s3 =	spop @!p6 (v2sf)  }
0x13a: {  	s3 =	sshll.u32 @!p6 s3, $0x4  }
0x13b: {  	p0 =	seq.s32 s8, $0x0;
	s4 =	sshra.s32 @!p6 s17, $0x2;
	s3 =	sand.u32 @!p6 $0x1FFFFFF0, s3  }
0x13c: {  	s10 =	simm.s32 @!p6 $0x0;
	s4 =	sadd.s32 @!p6 $0xB00, s4;
	s3 =	sadd.s32 @!p6 s13, s3  }
0x13d: {  	[tilespmem:s4], [sflag:$0x1] =	stream.linear.gather @!p6 [hbm4b:s3+s10], $0x80, $0x38;
	[tilespmem:$0x10900] =	vst v63  }
0x13e: {  	(v2sf) =	vpush @!p0 v34, $0x8;
	s3 =	sshll.u32 @!p3 s7, $0x4  }
0x13f: {  	s4 =	sshra.s32 @!p3 s17, $0x2;
	s3 =	sand.u32 @!p3 $0x1FFFFFF0, s3  }
0x140: {  	s7 =	simm.s32 @!p3 $0x0;
	s4 =	sadd.s32 @!p3 $0xB80, s4;
	s3 =	sadd.s32 @!p3 s13, s3  }
0x141: {  	[tilespmem:s4], [sflag:$0x1] =	stream.linear.gather @!p3 [hbm4b:s3+s7], $0x80, $0x38;
	[tilespmem:$0x10900] =	vst v63  }
0x142: {  	p3 =	seq.s32 s28, $0x0;
	s2 =	spop @!p1 (v2sf)  }
0x143: {  	p4 =	seq.s32 s26, $0x0;
	(v2sf) =	vpush @!p3 v34, $0xC;
	s1 =	spop @!p5 (v2sf)  }
0x144: {  	(v2sf) =	vpush @!p4 v34, $0x9;
	s1 =	sshll.u32 @!p5 s1, $0x4  }
0x145: {  	s3 =	sshra.s32 @!p5 s17, $0x2;
	s1 =	sand.u32 @!p5 $0x1FFFFFF0, s1  }
0x146: {  	s4 =	simm.s32 @!p5 $0x0;
	s3 =	sadd.s32 @!p5 $0xC00, s3;
	s1 =	sadd.s32 @!p5 s13, s1  }
0x147: {  	[tilespmem:s3], [sflag:$0x1] =	stream.linear.gather @!p5 [hbm4b:s1+s4], $0x80, $0x38;
	[tilespmem:$0x10900] =	vst v63  }
0x148: {  	p5 =	seq.s32 s31, $0x0  }
0x149: {  	s1 =	sshll.u32 @!p2 s9, $0x4;
	(v2sf) =	vpush @!p5 v34, $0xA  }
0x14a: {  	s3 =	sshra.s32 @!p2 s17, $0x2;
	s1 =	sand.u32 @!p2 $0x1FFFFFF0, s1  }
0x14b: {  	s4 =	simm.s32 @!p2 $0x0;
	s3 =	sadd.s32 @!p2 $0xC80, s3;
	s1 =	sadd.s32 @!p2 s13, s1  }
0x14c: {  	[tilespmem:s3], [sflag:$0x1] =	stream.linear.gather @!p2 [hbm4b:s1+s4], $0x80, $0x38;
	[tilespmem:$0x10900] =	vst v63  }
0x14d: {  	s1 =	spop @!p0 (v2sf)  }
0x14e: {  	s1 =	sshll.u32 @!p0 s1, $0x4  }
0x14f: {  	s3 =	sshra.s32 @!p0 s17, $0x2;
	s1 =	sand.u32 @!p0 $0x1FFFFFF0, s1  }
0x150: {  	s4 =	simm.s32 @!p0 $0x0;
	s3 =	sadd.s32 @!p0 $0xD00, s3;
	s1 =	sadd.s32 @!p0 s13, s1  }
0x151: {  	[tilespmem:s3], [sflag:$0x1] =	stream.linear.gather @!p0 [hbm4b:s1+s4], $0x80, $0x38;
	[tilespmem:$0x10900] =	vst v63  }
0x152: {  	s1 =	spop @!p3 (v2sf)  }
0x153: {  	s3 =	spop @!p4 (v2sf)  }
0x154: {  	s3 =	sshll.u32 @!p4 s3, $0x4  }
0x155: {  	s0 =	sshra.s32 @!p4 s17, $0x2;
	p2 =	seq.s32 s29, $0x0;
	s3 =	sand.u32 @!p4 $0x1FFFFFF0, s3  }
0x156: {  	s0 =	sadd.s32 @!p4 $0xD80, s0;
	s4 =	simm.s32 @!p4 $0x0;
	(v2sf) =	vpush @!p2 v34, $0xD;
	s3 =	sadd.s32 @!p4 s13, s3  }
0x157: {  	[tilespmem:s0], [sflag:$0x1] =	stream.linear.gather @!p4 [hbm4b:s3+s4], $0x80, $0x38;
	[tilespmem:$0x10900] =	vst v63  }
0x158: {  	s11 =	sld [smem:$0x7F0];
	s0 =	spop @!p5 (v2sf)  }
0x159: {  	s0 =	sshll.u32 @!p5 s0, $0x4  }
0x15a: {  	s3 =	sshra.s32 @!p5 s17, $0x2;
	s4 =	simm.s32 @!p5 $0x0;
	s0 =	sand.u32 @!p5 $0x1FFFFFF0, s0  }
0x15b: {  	p4 =	seq.s32 s11, $0x1;
	s3 =	sadd.s32 @!p5 $0xE00, s3;
	s0 =	sadd.s32 @!p5 s13, s0  }
0x15c: {  	[tilespmem:s3], [sflag:$0x1] =	stream.linear.gather @!p5 [hbm4b:s0+s4], $0x80, $0x38;
	[tilespmem:$0x10900] =	vst v63  }
0x15d: {  	s0 =	sshll.u32 @!p4 s5, $0x4  }
0x15e: {  	p0 =	seq.s32 s18, $0x0;
	s3 =	sshra.s32 @!p4 s17, $0x2;
	s0 =	sand.u32 @!p4 $0x1FFFFFF0, s0  }
0x15f: {  	(v2sf) =	vpush @!p0 v34, $0xF;
	s4 =	simm.s32 @!p4 $0x0;
	s3 =	sadd.s32 @!p4 $0xE80, s3;
	s0 =	sadd.s32 @!p4 s13, s0  }
0x160: {  	[tilespmem:s3], [sflag:$0x1] =	stream.linear.gather @!p4 [hbm4b:s0+s4], $0x80, $0x38;
	[tilespmem:$0x10900] =	vst v63  }
0x161: {  	s0 =	sshll.u32 @!p3 s1, $0x4  }
0x162: {  	s1 =	sshra.s32 @!p3 s17, $0x2;
	s0 =	sand.u32 @!p3 $0x1FFFFFF0, s0  }
0x163: {  	s3 =	simm.s32 @!p3 $0x0;
	s1 =	sadd.s32 @!p3 $0xF00, s1;
	s0 =	sadd.s32 @!p3 s13, s0  }
0x164: {  	[tilespmem:s1], [sflag:$0x1] =	stream.linear.gather @!p3 [hbm4b:s0+s3], $0x80, $0x38;
	[tilespmem:$0x10900] =	vst v63  }
0x165: {  	s0 =	spop @!p2 (v2sf)  }
0x166: {  	s0 =	sshll.u32 @!p2 s0, $0x4  }
0x167: {  	s1 =	sshra.s32 @!p2 s17, $0x2;
	s0 =	sand.u32 @!p2 $0x1FFFFFF0, s0  }
0x168: {  	s3 =	simm.s32 @!p2 $0x0;
	s1 =	sadd.s32 @!p2 $0xF80, s1;
	s0 =	sadd.s32 @!p2 s13, s0  }
0x169: {  	[tilespmem:s1], [sflag:$0x1] =	stream.linear.gather @!p2 [hbm4b:s0+s3], $0x80, $0x38;
	[tilespmem:$0x10900] =	vst v63  }
0x16a: {  	s0 =	sshll.u32 @!p1 s2, $0x4  }
0x16b: {  	s1 =	sshra.s32 @!p1 s17, $0x2;
	s0 =	sand.u32 @!p1 $0x1FFFFFF0, s0  }
0x16c: {  	s2 =	simm.s32 @!p1 $0x0;
	s1 =	sadd.s32 @!p1 $0x1000, s1;
	s0 =	sadd.s32 @!p1 s13, s0  }
0x16d: {  	[tilespmem:s1], [sflag:$0x1] =	stream.linear.gather @!p1 [hbm4b:s0+s2], $0x80, $0x38;
	[tilespmem:$0x10900] =	vst v63  }
0x16e: {  	s0 =	spop @!p0 (v2sf)  }
0x16f: {  	s0 =	sshll.u32 @!p0 s0, $0x4  }
0x170: {  	s12 =	simm.s32 $0x0;
	s1 =	sshra.s32 @!p0 s17, $0x2;
	s0 =	sand.u32 @!p0 $0x1FFFFFF0, s0  }
0x171: {  	s2 =	simm.s32 @!p0 $0x0;
	s1 =	sadd.s32 @!p0 $0x1080, s1;
	s0 =	sadd.s32 @!p0 s13, s0  }
0x172: {  	[tilespmem:s1], [sflag:$0x1] =	stream.linear.gather @!p0 [hbm4b:s0+s2], $0x80, $0x38;
	[tilespmem:$0x10900] =	vst v63  }
0x173: {  	v38 =	vld [tilespmem:s12+$0x600];
	_ =	sdelay $0x4  }
0x174: {  	(v2sf) =	vpush v38, $0x0;
	_ =	sdelay $0x3  }
0x175: {  	(v2sf) =	vpush v38, $0x1;
	_ =	sdelay $0x3  }
0x176: {  	(v2sf) =	vpush v38, $0x2;
	_ =	sdelay $0x3  }
0x177: {  	v35 =	vld [tilespmem:$0x880];
	(v2sf) =	vpush v38, $0x3  }
0x178: {  	v36 =	vld [tilespmem:$0x890]  }
0x179: {  	v37 =	vld [tilespmem:$0x8A0]  }
0x17a: {  	v34 =	vld [tilespmem:$0x8B0];
	s14 =	spop (v2sf)  }
0x17b: {  	s17 =	simm.s32 $0xD00;
	(v2sf) =	vpush v38, $0x4;
	p0 =	seq.s32 s14, $0x0  }
0x17c: {  	[tilespmem:s17+$0xFFFFFC00] =	vst @!p0 v35  }
0x17d: {  	[tilespmem:s17+$0xFFFFFC10] =	vst @!p0 v36  }
0x17e: {  	s15 =	spop (v2sf);
	[tilespmem:s17+$0xFFFFFC20] =	vst @!p0 v37  }
0x17f: {  	(v2sf) =	vpush v38, $0x5;
	[tilespmem:s17+$0xFFFFFC30] =	vst @!p0 v34;
	p0 =	seq.s32 s15, $0x0  }
0x180: {  	[tilespmem:s17+$0xFFFFFC80] =	vst @!p0 v35  }
0x181: {  	[tilespmem:s17+$0xFFFFFC90] =	vst @!p0 v36  }
0x182: {  	s16 =	spop (v2sf);
	[tilespmem:s17+$0xFFFFFCA0] =	vst @!p0 v37  }
0x183: {  	(v2sf) =	vpush v38, $0x6;
	[tilespmem:s17+$0xFFFFFCB0] =	vst @!p0 v34;
	p0 =	seq.s32 s16, $0x0  }
0x184: {  	[tilespmem:s17+$0xFFFFFD00] =	vst @!p0 v35  }
0x185: {  	[tilespmem:s17+$0xFFFFFD10] =	vst @!p0 v36  }
0x186: {  	s18 =	spop (v2sf);
	[tilespmem:s17+$0xFFFFFD20] =	vst @!p0 v37  }
0x187: {  	(v2sf) =	vpush v38, $0x7;
	[tilespmem:s17+$0xFFFFFD30] =	vst @!p0 v34;
	p0 =	seq.s32 s18, $0x0  }
0x188: {  	[tilespmem:s17+$0xFFFFFD80] =	vst @!p0 v35  }
0x189: {  	[tilespmem:s17+$0xFFFFFD90] =	vst @!p0 v36  }
0x18a: {  	[tilespmem:s17+$0xFFFFFDA0] =	vst @!p0 v37;
	s19 =	spop (v2sf)  }
0x18b: {  	[tilespmem:s17+$0xFFFFFDB0] =	vst @!p0 v34;
	(v2sf) =	vpush v38, $0x8;
	p0 =	seq.s32 s19, $0x0  }
0x18c: {  	[tilespmem:s17+$0xFFFFFE00] =	vst @!p0 v35  }
0x18d: {  	[tilespmem:s17+$0xFFFFFE10] =	vst @!p0 v36  }
0x18e: {  	s20 =	spop (v2sf);
	[tilespmem:s17+$0xFFFFFE20] =	vst @!p0 v37  }
0x18f: {  	(v2sf) =	vpush v38, $0x9;
	[tilespmem:s17+$0xFFFFFE30] =	vst @!p0 v34;
	p0 =	seq.s32 s20, $0x0  }
0x190: {  	[tilespmem:s17+$0xFFFFFE80] =	vst @!p0 v35  }
0x191: {  	[tilespmem:s17+$0xFFFFFE90] =	vst @!p0 v36  }
0x192: {  	s21 =	spop (v2sf);
	[tilespmem:s17+$0xFFFFFEA0] =	vst @!p0 v37  }
0x193: {  	(v2sf) =	vpush v38, $0xA;
	[tilespmem:s17+$0xFFFFFEB0] =	vst @!p0 v34;
	p0 =	seq.s32 s21, $0x0  }
0x194: {  	[tilespmem:s17+$0xFFFFFF00] =	vst @!p0 v35  }
0x195: {  	[tilespmem:s17+$0xFFFFFF10] =	vst @!p0 v36  }
0x196: {  	s22 =	spop (v2sf);
	[tilespmem:s17+$0xFFFFFF20] =	vst @!p0 v37  }
0x197: {  	(v2sf) =	vpush v38, $0xB;
	[tilespmem:s17+$0xFFFFFF30] =	vst @!p0 v34;
	p0 =	seq.s32 s22, $0x0  }
0x198: {  	[tilespmem:s17+$0xFFFFFF80] =	vst @!p0 v35  }
0x199: {  	[tilespmem:s17+$0xFFFFFF90] =	vst @!p0 v36  }
0x19a: {  	[tilespmem:s17+$0xFFFFFFA0] =	vst @!p0 v37;
	s23 =	spop (v2sf)  }
0x19b: {  	[tilespmem:s17+$0xFFFFFFB0] =	vst @!p0 v34;
	(v2sf) =	vpush v38, $0xC;
	p0 =	seq.s32 s23, $0x0  }
0x19c: {  	[tilespmem:s17+$0x0] =	vst @!p0 v35  }
0x19d: {  	[tilespmem:s17+$0x10] =	vst @!p0 v36  }
0x19e: {  	s24 =	spop (v2sf);
	[tilespmem:s17+$0x20] =	vst @!p0 v37  }
0x19f: {  	(v2sf) =	vpush v38, $0xD;
	[tilespmem:s17+$0x30] =	vst @!p0 v34;
	p0 =	seq.s32 s24, $0x0  }
0x1a0: {  	[tilespmem:s17+$0x80] =	vst @!p0 v35  }
0x1a1: {  	[tilespmem:s17+$0x90] =	vst @!p0 v36  }
0x1a2: {  	s25 =	spop (v2sf);
	[tilespmem:s17+$0xA0] =	vst @!p0 v37  }
0x1a3: {  	(v2sf) =	vpush v38, $0xE;
	[tilespmem:s17+$0xB0] =	vst @!p0 v34;
	p0 =	seq.s32 s25, $0x0  }
0x1a4: {  	[tilespmem:s17+$0x100] =	vst @!p0 v35  }
0x1a5: {  	[tilespmem:s17+$0x110] =	vst @!p0 v36  }
0x1a6: {  	s26 =	spop (v2sf);
	[tilespmem:s17+$0x120] =	vst @!p0 v37  }
0x1a7: {  	(v2sf) =	vpush v38, $0xF;
	[tilespmem:s17+$0x130] =	vst @!p0 v34;
	p0 =	seq.s32 s26, $0x0  }
0x1a8: {  	[tilespmem:s17+$0x180] =	vst @!p0 v35  }
0x1a9: {  	[tilespmem:s17+$0x190] =	vst @!p0 v36  }
0x1aa: {  	[tilespmem:s17+$0x1A0] =	vst @!p0 v37;
	s28 =	spop (v2sf)  }
0x1ab: {  	[tilespmem:s17+$0x1B0] =	vst @!p0 v34;
	p0 =	seq.s32 s28, $0x0  }
0x1ac: {  	[tilespmem:s17+$0x200] =	vst @!p0 v35  }
0x1ad: {  	[tilespmem:s17+$0x210] =	vst @!p0 v36  }
0x1ae: {  	s29 =	spop (v2sf);
	[tilespmem:s17+$0x220] =	vst @!p0 v37  }
0x1af: {  	[tilespmem:s17+$0x230] =	vst @!p0 v34;
	p0 =	seq.s32 s29, $0x0  }
0x1b0: {  	[tilespmem:s17+$0x280] =	vst @!p0 v35  }
0x1b1: {  	[tilespmem:s17+$0x290] =	vst @!p0 v36  }
0x1b2: {  	s30 =	spop (v2sf);
	[tilespmem:s17+$0x2A0] =	vst @!p0 v37  }
0x1b3: {  	[tilespmem:s17+$0x2B0] =	vst @!p0 v34;
	p0 =	seq.s32 s30, $0x0  }
0x1b4: {  	[tilespmem:s17+$0x300] =	vst @!p0 v35  }
0x1b5: {  	[tilespmem:s17+$0x310] =	vst @!p0 v36  }
0x1b6: {  	s31 =	spop (v2sf);
	[tilespmem:s17+$0x320] =	vst @!p0 v37  }
0x1b7: {  	[tilespmem:s17+$0x330] =	vst @!p0 v34;
	p0 =	seq.s32 s31, $0x0  }
0x1b8: {  	[tilespmem:s17+$0x380] =	vst @!p0 v35  }
0x1b9: {  	[tilespmem:s17+$0x390] =	vst @!p0 v36  }
0x1ba: {  	s18 =	simm.s32 $0x40;
	[tilespmem:s17+$0x3A0] =	vst @!p0 v37  }
.LBB2_6:
0x1bb: {  	s0 =	sshra.s32 s18, $0x2;
	[tilespmem:s17+$0x3B0] =	vst @!p0 v34  }
0x1bc: {  	v38 =	vld [tilespmem:s0+$0x600];
	_ =	sdelay $0x4  }
0x1bd: {  	(v2sf) =	vpush v38, $0x0;
	_ =	sdelay $0x3  }
0x1be: {  	(v2sf) =	vpush v38, $0x1;
	_ =	sdelay $0x3  }
0x1bf: {  	(v2sf) =	vpush v38, $0x2;
	_ =	sdelay $0x3  }
0x1c0: {  	(v2sf) =	vpush v38, $0x3;
	_ =	sdelay $0x2  }
0x1c1: {  	s4 =	spop (v2sf)  }
0x1c2: {  	s17 =	sadd.s32 $0x800, s17;
	(v2sf) =	vpush v38, $0x4;
	p2 =	seq.s32 s4, $0x0  }
0x1c3: {  	[tilespmem:s17+$0xFFFFFC00] =	vst @!p2 v35  }
0x1c4: {  	[tilespmem:s17+$0xFFFFFC10] =	vst @!p2 v36  }
0x1c5: {  	s5 =	spop (v2sf);
	[tilespmem:s17+$0xFFFFFC20] =	vst @!p2 v37  }
0x1c6: {  	(v2sf) =	vpush v38, $0x5;
	p6 =	seq.s32 s5, $0x0;
	[tilespmem:s17+$0xFFFFFC30] =	vst @!p2 v34  }
0x1c7: {  	s18 =	sadd.s32 $0x40, s18;
	(v2sf) =	vpush v38, $0x6;
	[tilespmem:s17+$0xFFFFFC80] =	vst @!p6 v35  }
0x1c8: {  	p0 =	sne.s32 s18, $0x800;
	(v2sf) =	vpush v38, $0x7;
	[tilespmem:s17+$0xFFFFFC90] =	vst @!p6 v36  }
0x1c9: {  	s0 =	simm.s32 @!p0 $0x0;
	(v2sf) =	vpush v38, $0x8;
	s6 =	spop (v2sf);
	[tilespmem:s17+$0xFFFFFCA0] =	vst @!p6 v37  }
0x1ca: {  	s0 =	simm.s32 @p0 $0x1;
	p0 =	seq.s32 s6, $0x0;
	[tilespmem:s17+$0xFFFFFCB0] =	vst @!p6 v34  }
0x1cb: {  	[tilespmem:s17+$0xFFFFFD00] =	vst @!p0 v35  }
0x1cc: {  	[tilespmem:s17+$0xFFFFFD10] =	vst @!p0 v36  }
0x1cd: {  	(v2sf) =	vpush v38, $0x9;
	s7 =	spop (v2sf);
	[tilespmem:s17+$0xFFFFFD20] =	vst @!p0 v37  }
0x1ce: {  	p1 =	seq.s32 s7, $0x0;
	[tilespmem:s17+$0xFFFFFD30] =	vst @!p0 v34  }
0x1cf: {  	[tilespmem:s17+$0xFFFFFD80] =	vst @!p1 v35  }
0x1d0: {  	[tilespmem:s17+$0xFFFFFD90] =	vst @!p1 v36  }
0x1d1: {  	(v2sf) =	vpush v38, $0xA;
	s8 =	spop (v2sf);
	[tilespmem:s17+$0xFFFFFDA0] =	vst @!p1 v37  }
0x1d2: {  	p2 =	seq.s32 s8, $0x0;
	[tilespmem:s17+$0xFFFFFDB0] =	vst @!p1 v34  }
0x1d3: {  	[tilespmem:s17+$0xFFFFFE00] =	vst @!p2 v35  }
0x1d4: {  	[tilespmem:s17+$0xFFFFFE10] =	vst @!p2 v36  }
0x1d5: {  	(v2sf) =	vpush v38, $0xB;
	s9 =	spop (v2sf);
	[tilespmem:s17+$0xFFFFFE20] =	vst @!p2 v37  }
0x1d6: {  	p3 =	seq.s32 s9, $0x0;
	s10 =	spop (v2sf);
	[tilespmem:s17+$0xFFFFFE30] =	vst @!p2 v34  }
0x1d7: {  	s11 =	spop (v2sf);
	[tilespmem:s17+$0xFFFFFE80] =	vst @!p3 v35  }
0x1d8: {  	[tilespmem:s17+$0xFFFFFE90] =	vst @!p3 v36;
	s12 =	spop (v2sf)  }
0x1d9: {  	(v2sf) =	vpush v38, $0xC;
	[tilespmem:s17+$0xFFFFFEA0] =	vst @!p3 v37;
	p6 =	seq.s32 s12, $0x0  }
0x1da: {  	[smem:$0x7EF] =	sst s0;
	p4 =	seq.s32 s10, $0x0;
	[tilespmem:s17+$0xFFFFFEB0] =	vst @!p3 v34;
	s0 =	simm.s32 @!p6 $0x0  }
0x1db: {  	[tilespmem:s17+$0xFFFFFF00] =	vst @!p4 v35;
	s0 =	simm.s32 @p6 $0x1  }
0x1dc: {  	[tilespmem:s17+$0xFFFFFF10] =	vst @!p4 v36;
	s14 =	spop (v2sf);
	[smem:$0x7E8] =	sst s0  }
0x1dd: {  	(v2sf) =	vpush v38, $0xD;
	[tilespmem:s17+$0xFFFFFF20] =	vst @!p4 v37;
	p6 =	seq.s32 s14, $0x0;
	s23 =	sld [smem:$0x7E8]  }
0x1de: {  	p5 =	seq.s32 s11, $0x0;
	[tilespmem:s17+$0xFFFFFF30] =	vst @!p4 v34;
	s0 =	simm.s32 @!p6 $0x0  }
0x1df: {  	[tilespmem:s17+$0xFFFFFF80] =	vst @!p5 v35;
	s0 =	simm.s32 @p6 $0x1  }
0x1e0: {  	[tilespmem:s17+$0xFFFFFF90] =	vst @!p5 v36;
	s15 =	spop (v2sf);
	[smem:$0x7E9] =	sst s0;
	p1 =	seq.s32 s23, $0x1  }
0x1e1: {  	(v2sf) =	vpush v38, $0xE;
	p6 =	seq.s32 s15, $0x0;
	s24 =	sld [smem:$0x7E9];
	[tilespmem:s17+$0x0] =	vst @!p1 v35  }
0x1e2: {  	s0 =	simm.s32 @!p6 $0x0;
	[tilespmem:s17+$0x10] =	vst @!p1 v36  }
0x1e3: {  	s0 =	simm.s32 @p6 $0x1;
	[tilespmem:s17+$0x20] =	vst @!p1 v37  }
0x1e4: {  	s16 =	spop (v2sf);
	[smem:$0x7EA] =	sst s0;
	[tilespmem:s17+$0x30] =	vst @!p1 v34;
	p1 =	seq.s32 s24, $0x1  }
0x1e5: {  	p6 =	seq.s32 s16, $0x0;
	s25 =	sld [smem:$0x7EA];
	[tilespmem:s17+$0x80] =	vst @!p1 v35  }
0x1e6: {  	s0 =	simm.s32 @!p6 $0x0;
	[tilespmem:s17+$0x90] =	vst @!p1 v36  }
0x1e7: {  	s0 =	simm.s32 @p6 $0x1;
	[tilespmem:s17+$0xA0] =	vst @!p1 v37  }
0x1e8: {  	s19 =	spop (v2sf);
	[smem:$0x7EB] =	sst s0;
	[tilespmem:s17+$0xB0] =	vst @!p1 v34;
	p1 =	seq.s32 s25, $0x1  }
0x1e9: {  	p0 =	seq.s32 s19, $0x0;
	s26 =	sld [smem:$0x7EB];
	[tilespmem:s17+$0x100] =	vst @!p1 v35  }
0x1ea: {  	s0 =	simm.s32 @!p0 $0x0;
	[tilespmem:s17+$0x110] =	vst @!p1 v36  }
0x1eb: {  	s0 =	simm.s32 @p0 $0x1;
	[tilespmem:s17+$0x120] =	vst @!p1 v37  }
0x1ec: {  	s20 =	spop (v2sf);
	[smem:$0x7EC] =	sst s0;
	[tilespmem:s17+$0x130] =	vst @!p1 v34;
	p1 =	seq.s32 s26, $0x1  }
0x1ed: {  	p0 =	seq.s32 s20, $0x0;
	s28 =	sld [smem:$0x7EC];
	[tilespmem:s17+$0x180] =	vst @!p1 v35  }
0x1ee: {  	(v2sf) =	vpush v38, $0xF;
	s0 =	simm.s32 @!p0 $0x0;
	[tilespmem:s17+$0x190] =	vst @!p1 v36  }
0x1ef: {  	s0 =	simm.s32 @p0 $0x1;
	[tilespmem:s17+$0x1A0] =	vst @!p1 v37  }
0x1f0: {  	s21 =	spop (v2sf);
	[smem:$0x7ED] =	sst s0;
	[tilespmem:s17+$0x1B0] =	vst @!p1 v34;
	p1 =	seq.s32 s28, $0x1  }
0x1f1: {  	p0 =	seq.s32 s21, $0x0;
	s29 =	sld [smem:$0x7ED];
	[tilespmem:s17+$0x200] =	vst @!p1 v35  }
0x1f2: {  	s0 =	simm.s32 @!p0 $0x0;
	[tilespmem:s17+$0x210] =	vst @!p1 v36  }
0x1f3: {  	s0 =	simm.s32 @p0 $0x1;
	[tilespmem:s17+$0x220] =	vst @!p1 v37  }
0x1f4: {  	[smem:$0x7EE] =	sst s0;
	[tilespmem:s17+$0x230] =	vst @!p1 v34;
	p1 =	seq.s32 s29, $0x1  }
0x1f5: {  	s30 =	sld [smem:$0x7EE];
	[tilespmem:s17+$0x280] =	vst @!p1 v35  }
0x1f6: {  	[tilespmem:s17+$0x290] =	vst @!p1 v36  }
0x1f7: {  	[tilespmem:s17+$0x2A0] =	vst @!p1 v37  }
0x1f8: {  	[tilespmem:s17+$0x2B0] =	vst @!p1 v34;
	p1 =	seq.s32 s30, $0x1  }
0x1f9: {  	s31 =	sld [smem:$0x7EF];
	[tilespmem:s17+$0x300] =	vst @!p1 v35  }
0x1fa: {  	[tilespmem:s17+$0x310] =	vst @!p1 v36  }
0x1fb: {  	[tilespmem:s17+$0x320] =	vst @!p1 v37  }
0x1fc: {  	[tilespmem:s17+$0x330] =	vst @!p1 v34;
	p1 =	seq.s32 s31, $0x1  }
.Ltmp2:
0x1fd: {  	[tilespmem:s17+$0xFFFFFFA0] =	vst @!p5 v37;
	s22 =	spop (v2sf);
	(pc) =	sbr.rel @p1 .LBB2_6-.Ltmp2, $4  }
0x1fe: {  	[tilespmem:s17+$0xFFFFFFB0] =	vst @!p5 v34;
	p0 =	seq.s32 s22, $0x0  }
0x1ff: {  	[tilespmem:s17+$0x380] =	vst @!p0 v35  }
0x200: {  	[tilespmem:s17+$0x390] =	vst @!p0 v36  }
0x201: {  	[tilespmem:s17+$0x3A0] =	vst @!p0 v37  }
0x202: {  	(v2sf) =	vpush v2, $0x0  }
0x203: {  	(v2sf) =	vpush v3, $0x0  }
0x204: {  	(v2sf) =	vpush v4, $0x0  }
0x205: {  	(v2sf) =	vpush v5, $0x0  }
0x206: {  	(v2sf) =	vpush v6, $0x0  }
0x207: {  	(v2sf) =	vpush v7, $0x0  }
0x208: {  	(v2sf) =	vpush v8, $0x0  }
0x209: {  	(v2sf) =	vpush v9, $0x0  }
0x20a: {  	(v2sf) =	vpush v10, $0x0  }
0x20b: {  	(v2sf) =	vpush v11, $0x0  }
0x20c: {  	(v2sf) =	vpush v12, $0x0  }
0x20d: {  	(v2sf) =	vpush v13, $0x0  }
0x20e: {  	(v2sf) =	vpush v14, $0x0  }
0x20f: {  	(v2sf) =	vpush v15, $0x0  }
0x210: {  	(v2sf) =	vpush v16, $0x0  }
0x211: {  	s0 =	spop (v2sf);
	(v2sf) =	vpush v17, $0x0  }
0x212: {  	s1 =	spop (v2sf);
	(v2sf) =	vpush v18, $0x0  }
0x213: {  	s0 =	sadd.s32 s0, s1;
	s29 =	spop (v2sf);
	(v2sf) =	vpush v19, $0x0  }
0x214: {  	s0 =	sadd.s32 s29, s0;
	s30 =	spop (v2sf);
	(v2sf) =	vpush v20, $0x0  }
0x215: {  	s0 =	sadd.s32 s30, s0;
	s31 =	spop (v2sf);
	(v2sf) =	vpush v21, $0x0  }
0x216: {  	s0 =	sadd.s32 s31, s0;
	s2 =	spop (v2sf);
	(v2sf) =	vpush v22, $0x0  }
0x217: {  	s0 =	sadd.s32 s2, s0;
	s3 =	spop (v2sf);
	(v2sf) =	vpush v23, $0x0  }
0x218: {  	s0 =	sadd.s32 s3, s0;
	s4 =	spop (v2sf);
	(v2sf) =	vpush v25, $0x0  }
0x219: {  	s0 =	sadd.s32 s4, s0;
	s5 =	spop (v2sf);
	(v2sf) =	vpush v32, $0x0  }
0x21a: {  	s0 =	sadd.s32 s5, s0;
	s6 =	spop (v2sf);
	(v2sf) =	vpush v33, $0x0  }
0x21b: {  	s0 =	sadd.s32 s6, s0;
	s7 =	spop (v2sf);
	(v2sf) =	vpush v30, $0x0  }
0x21c: {  	s0 =	sadd.s32 s7, s0;
	s8 =	spop (v2sf);
	(v2sf) =	vpush v31, $0x0  }
0x21d: {  	s0 =	sadd.s32 s8, s0;
	s9 =	spop (v2sf);
	(v2sf) =	vpush v28, $0x0  }
0x21e: {  	s0 =	sadd.s32 s9, s0;
	s10 =	spop (v2sf);
	(v2sf) =	vpush v29, $0x0  }
0x21f: {  	s0 =	sadd.s32 s10, s0;
	s11 =	spop (v2sf);
	(v2sf) =	vpush v26, $0x0  }
0x220: {  	s0 =	sadd.s32 s11, s0;
	s12 =	spop (v2sf);
	(v2sf) =	vpush v27, $0x0  }
0x221: {  	s0 =	sadd.s32 s12, s0;
	s14 =	spop (v2sf);
	(v2sf) =	vpush v24, $0x0  }
0x222: {  	s0 =	sadd.s32 s14, s0;
	s15 =	spop (v2sf)  }
0x223: {  	s0 =	sadd.s32 s15, s0;
	s16 =	spop (v2sf)  }
0x224: {  	s0 =	sadd.s32 s16, s0;
	s18 =	spop (v2sf)  }
0x225: {  	s0 =	sadd.s32 s18, s0;
	s19 =	spop (v2sf)  }
0x226: {  	s0 =	sadd.s32 s19, s0;
	s20 =	spop (v2sf)  }
0x227: {  	s0 =	sadd.s32 s20, s0;
	s21 =	spop (v2sf)  }
0x228: {  	s0 =	sadd.s32 s21, s0;
	s22 =	spop (v2sf)  }
0x229: {  	s0 =	sadd.s32 s22, s0;
	s23 =	spop (v2sf)  }
0x22a: {  	s0 =	sadd.s32 s23, s0;
	s24 =	spop (v2sf)  }
0x22b: {  	s0 =	sadd.s32 s24, s0;
	s25 =	spop (v2sf)  }
0x22c: {  	s0 =	sadd.s32 s25, s0;
	s26 =	spop (v2sf)  }
0x22d: {  	s0 =	sadd.s32 s26, s0;
	s28 =	spop (v2sf)  }
0x22e: {  	s0 =	sadd.s32 s28, s0;
	s29 =	spop (v2sf)  }
0x22f: {  	s0 =	sadd.s32 s29, s0;
	s30 =	spop (v2sf)  }
0x230: {  	s0 =	sadd.s32 s30, s0;
	s31 =	spop (v2sf)  }
0x231: {  	s0 =	sadd.s32 s31, s0  }
0x232: {  	p1 =	por p0, p0;
	p0 =	sle.s32 s0, $0x0  }
0x233: {  	[tilespmem:s17+$0x3B0] =	vst @!p1 v34;
	s2 =	simm.s32 @!p0 $0x1  }
0x234: {  	_ =	swait.ge @!p0 [sflag:s2], $0x80  }
0x235: {  	s1 =	simm.s32 $0x1;
	s8 =	simm.s32 $0x0;
	[sflag:s2] =	ssyncset.done @!p0 $0x0  }
.LBB2_8:
0x236: {  	[sflag:s2] =	ssyncadd.s32 @!p0 $0xFFFFFF80;
	s2 =	smov.u32 s1;
	s1 =	sadd.s32 $0x1, s1  }
0x237: {  	p1 =	sne.s32 s1, $0x200  }
.Ltmp3:
0x238: {  	(pc) =	sbr.rel @p1 .LBB2_8-.Ltmp3, $4  }
0x239: {  	p0 =	sge.s32 s2, s0  }
0x23a: {  	s2 =	simm.s32 @!p0 $0x1  }
0x23b: {  	_ =	swait.ge @!p0 [sflag:s2], $0x80  }
0x23c: {  	[sflag:s2] =	ssyncset.done @!p0 $0x0  }
0x23d: {  	[sflag:s2] =	ssyncadd.s32 @!p0 $0xFFFFFF80  }
0x23e: {  	s0 =	rddreg [dreg:$0xc];
	s1 =	simm.s32 $0x900;
	s29 =	simm.s32 $0x2  }
0x23f: {  	[hbm4b:s0+s8] =	stream.linear.scatter [tilespmem:s1], [sflag:$0x2], $0x10000, $0x38;
	[tilespmem:$0x10900] =	vst v63  }
0x240: {  	_ =	swait.ge [sflag:s29], $0x10000  }
0x241: {  	s30 =	rddreg [dreg:$0xe]  }
0x242: {  	s31 =	rddreg [dreg:$0xd];
	s2 =	sadd.s32 $0x1, s30  }
0x243: {  	p0 =	sne.s32 s2, s31  }
.Ltmp4:
0x244: {  	_ = 	snop;
	(pc) =	sbr.rel @p0 .LBB2_1-.Ltmp4, $3  }
0x245: {  	_ =	sdelay $0x1  }
0x246: {  	[sflag:s29] =	ssyncset.done $0x0  }
0x247: {  	[sflag:s29] =	ssyncadd.s32 $0xFFFF0000  }
0x248: {  	_ =	sfence.sel $0x180000  }
0x249: {  	[bflag:$0x0] =	sbarrier.arrive $0xFFFF  }
0x24a: {  	_ =	strace $0x90000047  }
0x24b: {  	s0 =	stileid.u32;
	[bflag:$0x2] =	sbarrier.arrive $0xFFFF  }
0x24c: {  	p0 =	sne.s32 s0, $0x0;
	s0 =	rddreg [dreg:$0x4]  }
0x24d: {  	s0 =	sadd.s32 @!p0 $0x100000, s0  }
0x24e: {  	[sflag:s0] =	ssyncadd.tile.s32 @!p0 $0x1;
	_ =	shalt  }
.Lfunc_end2:
_tile_overlayer_lowered:
.L_overlay_start_2:
0x24f: {  	(tag) =	ssettag $0x2  }
0x250: {  	s0 =	rddreg [dreg:$0x0];
	s2 =	stileid.u32  }
0x251: {  	s1 =	rddreg [dreg:$0x1];
	p0 =	sne.s32 s2, $0x0  }
0x252: {  	s3 =	rddreg [dreg:$0x2];
	[bflag:$0x3] =	sbarrier.arrive $0xFFFF;
	s2 =	simm.s32 @!p0 $0x1C03  }
0x253: {  	[timem:s3], [sflag:s2] =	dma.local @!p0 [hbm:s0], s1  }
0x254: {  	s0 =	simm.s32 @!p0 $0x3  }
0x255: {  	_ =	swait.ge @!p0 [sflag:s0], s1  }
0x256: {  	s1 =	ssub.s32 @!p0 $0x0, s1;
	[sflag:s0] =	ssyncset.done @!p0 $0x0  }
0x257: {  	[sflag:s0] =	ssyncadd.s32 @!p0 s1  }
0x258: {  	[bflag:$0x3] =	sbarrier.arrive $0xFFFF  }
0x259: {  	_ =	shalt  }

</sc_bundles>
